<compile_context>
chip_gen: v7x
topology: tpu7x:2x2x1
jax: 0.10.2.dev20260603
libtpu: 0.0.44.dev20260713+nightly
codegen_flags: <defaults>
</compile_context>

<pallas_src>
import functools

import jax
import jax.numpy as jnp
from jax import lax
from jax.experimental import pallas as pl
from jax.experimental.pallas import tpu as pltpu
from jax.experimental.pallas import tpu_sc as plsc

N = 10000
E = 320000
D = 128
H = 64
C = 47

NC = 2
NS = 16
NW = NC * NS
ET = E // NW
K = 125
NCHUNK = ET // K
NBUF = 4

ROWS_A = N // NS - (N // NS) % 8
ROWS_TAIL = N - ROWS_A * NS
ROWS_B = ROWS_A // 2


def _mesh():
    return plsc.VectorSubcoreMesh(core_axis_name="c", subcore_axis_name="s")


def _deg_body(dst_hbm, zeros_hbm, out_hbm, didx, ones_v, zb, acc, sem):
    c = lax.axis_index("c")
    s = lax.axis_index("s")
    w = s * NC + c
    pltpu.sync_copy(dst_hbm.at[pl.ds(w * NCHUNK, NCHUNK)], didx)
    def fill(i, _):
        ones_v[pl.ds(i * 16, 16)] = jnp.full((16,), 1.0, jnp.float32)
        return _
    lax.fori_loop(0, 8, fill, 0)
    pltpu.sync_copy(zeros_hbm, zb)
    pltpu.sync_copy(zb.at[pl.ds(0, ROWS_A)], acc.at[pl.ds(s * ROWS_A, ROWS_A)])
    @pl.when(s == NS - 1)
    def _():
        pltpu.sync_copy(zb.at[pl.ds(0, ROWS_TAIL)],
                        acc.at[pl.ds(NS * ROWS_A, ROWS_TAIL)])
    plsc.subcore_barrier()
    def body(j, carry):
        pltpu.async_copy(ones_v.at[pl.ds(0, K)], acc.at[didx.at[j]], sem,
                         add=True)
        @pl.when(j >= 8)
        def _w():
            pltpu.make_async_copy(ones_v.at[pl.ds(0, K)],
                                  acc.at[didx.at[j]], sem).wait()
        return carry
    lax.fori_loop(0, NCHUNK, body, 0)
    def drain(j, _):
        pltpu.make_async_copy(ones_v.at[pl.ds(0, K)],
                              acc.at[didx.at[j]], sem).wait()
        return _
    lax.fori_loop(0, 8, drain, 0)
    plsc.subcore_barrier()
    pltpu.sync_copy(acc.at[pl.ds(s * ROWS_A, ROWS_A)], zb.at[pl.ds(0, ROWS_A)])
    pltpu.sync_copy(zb.at[pl.ds(0, ROWS_A)],
                    out_hbm.at[pl.ds(c * N + s * ROWS_A, ROWS_A)])
    @pl.when(s == NS - 1)
    def _():
        pltpu.sync_copy(acc.at[pl.ds(NS * ROWS_A, ROWS_TAIL)],
                        zb.at[pl.ds(0, ROWS_TAIL)])
        pltpu.sync_copy(zb.at[pl.ds(0, ROWS_TAIL)],
                        out_hbm.at[pl.ds(c * N + NS * ROWS_A, ROWS_TAIL)])


def _sc_degree(dst, zeros1):
    return pl.kernel(
        _deg_body,
        out_type=jax.ShapeDtypeStruct((NC * N,), jnp.float32),
        mesh=_mesh(),
        compiler_params=pltpu.CompilerParams(use_tc_tiling_on_sc=False),
        scratch_types=[
            pltpu.VMEM((NCHUNK, K), jnp.int32),
            pltpu.VMEM((128,), jnp.float32),
            pltpu.VMEM((ROWS_A,), jnp.float32),
            pltpu.VMEM_SHARED((N,), jnp.float32),
            pltpu.SemaphoreType.DMA,
        ],
    )(dst, zeros1)


def _prop_body(zt_hbm, src_hbm, dst_hbm, zeros_hbm, out_hbm,
               sidx, didx, rows0, rows1, rows2, rows3, zb, acc,
               gs0, gs1, gs2, gs3, ss0, ss1, ss2, ss3):
    rows = (rows0, rows1, rows2, rows3)
    gsems = (gs0, gs1, gs2, gs3)
    ssems = (ss0, ss1, ss2, ss3)
    c = lax.axis_index("c")
    s = lax.axis_index("s")
    w = s * NC + c
    pltpu.sync_copy(src_hbm.at[pl.ds(w * NCHUNK, NCHUNK)], sidx)
    pltpu.sync_copy(dst_hbm.at[pl.ds(w * NCHUNK, NCHUNK)], didx)
    pltpu.sync_copy(zeros_hbm, zb)
    pltpu.sync_copy(zb, acc.at[pl.ds(s * ROWS_A, ROWS_B)])
    pltpu.sync_copy(zb, acc.at[pl.ds(s * ROWS_A + ROWS_B, ROWS_B)])
    @pl.when(s == NS - 1)
    def _():
        pltpu.sync_copy(zb.at[pl.ds(0, ROWS_TAIL)],
                        acc.at[pl.ds(NS * ROWS_A, ROWS_TAIL)])
    plsc.subcore_barrier()

    def gather(j, b):
        return pltpu.make_async_copy(zt_hbm.at[sidx.at[j]], rows[b],
                                     gsems[b])

    def scat_start(j, b):
        pltpu.async_copy(rows[b], acc.at[didx.at[j]], ssems[b], add=True)

    def scat_wait(j, b):
        pltpu.make_async_copy(rows[b], acc.at[didx.at[j]], ssems[b]).wait()

    gather(0, 0).start()
    gather(1, 1).start()
    def body(i, carry):
        for b in range(NBUF):
            j = NBUF * i + b
            b2 = (b + 2) % NBUF
            gather(j, b).wait()
            scat_start(j, b)
            @pl.when(j + 2 < NCHUNK)
            def _pre(b2=b2, j=j):
                @pl.when(j >= 2)
                def _w():
                    scat_wait(j - 2, b2)
                gather(j + 2, b2).start()
        return carry
    lax.fori_loop(0, NCHUNK // NBUF, body, 0)
    for b in range(NBUF):
        scat_wait(NCHUNK - NBUF + b, b)
    plsc.subcore_barrier()
    pltpu.sync_copy(acc.at[pl.ds(s * ROWS_A, ROWS_B)], zb)
    pltpu.sync_copy(zb, out_hbm.at[c, pl.ds(s * ROWS_A, ROWS_B)])
    pltpu.sync_copy(acc.at[pl.ds(s * ROWS_A + ROWS_B, ROWS_B)], zb)
    pltpu.sync_copy(zb, out_hbm.at[c, pl.ds(s * ROWS_A + ROWS_B, ROWS_B)])
    @pl.when(s == NS - 1)
    def _():
        pltpu.sync_copy(acc.at[pl.ds(NS * ROWS_A, ROWS_TAIL)],
                        zb.at[pl.ds(0, ROWS_TAIL)])
        pltpu.sync_copy(zb.at[pl.ds(0, ROWS_TAIL)],
                        out_hbm.at[c, pl.ds(NS * ROWS_A, ROWS_TAIL)])


def _sc_propagate(zt, src, dst, zeros2):
    return pl.kernel(
        _prop_body,
        out_type=jax.ShapeDtypeStruct((NC, N, H), jnp.float32),
        mesh=_mesh(),
        compiler_params=pltpu.CompilerParams(use_tc_tiling_on_sc=False),
        scratch_types=(
            [pltpu.VMEM((NCHUNK, K), jnp.int32)] * 2
            + [pltpu.VMEM((K, H), jnp.float32)] * NBUF
            + [pltpu.VMEM((ROWS_B, H), jnp.float32),
               pltpu.VMEM_SHARED((N, H), jnp.float32)]
            + [pltpu.SemaphoreType.DMA] * (2 * NBUF)
        ),
    )(zt, src, dst, zeros2)


BLK = 1000
GRID = N // BLK


def _tcb_body(x_ref, dinv_ref, m0_ref, m1a_ref, v0_ref, zt0_ref, z1a_ref):
    xb = x_ref[...]
    dv = dinv_ref[...]
    zt0_ref[...] = dv * (jnp.dot(xb, m0_ref[...],
                                 preferred_element_type=jnp.float32)
                         + v0_ref[...])
    z1a_ref[...] = jnp.dot(xb, m1a_ref[...],
                           preferred_element_type=jnp.float32)


def _tc_b(x, dinv, m0, m1a, v0):
    row = pl.BlockSpec((BLK, H), lambda i: (i, 0))
    return pl.pallas_call(
        _tcb_body,
        grid=(GRID,),
        in_specs=[
            pl.BlockSpec((BLK, D), lambda i: (i, 0)),
            pl.BlockSpec((BLK, 1), lambda i: (i, 0)),
            pl.BlockSpec((D, H), lambda i: (0, 0)),
            pl.BlockSpec((D, H), lambda i: (0, 0)),
            pl.BlockSpec((1, H), lambda i: (0, 0)),
        ],
        out_specs=[row, row],
        out_shape=[jax.ShapeDtypeStruct((N, H), jnp.float32),
                   jax.ShapeDtypeStruct((N, H), jnp.float32)],
    )(x, dinv, m0, m1a, v0)


def _tcc_body(p_ref, zt0_ref, z1a_ref, dinv_ref, m1b_ref, v1_ref, zt1_ref):
    dv = dinv_ref[...]
    u0 = dv * (p_ref[0] + p_ref[1] + zt0_ref[...])
    z1 = z1a_ref[...] + jnp.dot(u0, m1b_ref[...],
                                preferred_element_type=jnp.float32) + v1_ref[...]
    zt1_ref[...] = dv * z1


def _tc_c(p, zt0, z1a, dinv, m1b, v1):
    row = pl.BlockSpec((BLK, H), lambda i: (i, 0))
    return pl.pallas_call(
        _tcc_body,
        grid=(GRID,),
        in_specs=[
            pl.BlockSpec((NC, BLK, H), lambda i: (0, i, 0)),
            row,
            row,
            pl.BlockSpec((BLK, 1), lambda i: (i, 0)),
            pl.BlockSpec((H, H), lambda i: (0, 0)),
            pl.BlockSpec((1, H), lambda i: (0, 0)),
        ],
        out_specs=row,
        out_shape=jax.ShapeDtypeStruct((N, H), jnp.float32),
    )(p, zt0, z1a, dinv, m1b, v1)


def _tcd_body(p_ref, zt1_ref, dinv_ref, cls_ref, v2_ref, out_ref):
    u1 = dinv_ref[...] * (p_ref[0] + p_ref[1] + zt1_ref[...])
    out_ref[...] = jnp.dot(u1, cls_ref[...],
                           preferred_element_type=jnp.float32) + v2_ref[...]


def _tc_d(p, zt1, dinv, cls_W, v2):
    row = pl.BlockSpec((BLK, H), lambda i: (i, 0))
    return pl.pallas_call(
        _tcd_body,
        grid=(GRID,),
        in_specs=[
            pl.BlockSpec((NC, BLK, H), lambda i: (0, i, 0)),
            row,
            pl.BlockSpec((BLK, 1), lambda i: (i, 0)),
            pl.BlockSpec((H, C), lambda i: (0, 0)),
            pl.BlockSpec((1, C), lambda i: (0, 0)),
        ],
        out_specs=pl.BlockSpec((BLK, C), lambda i: (i, 0)),
        out_shape=jax.ShapeDtypeStruct((N, C), jnp.float32),
    )(p, zt1, dinv, cls_W, v2)


@jax.jit
def kernel(x, edge_index,
           c0_p0_W, c0_p0_b, c0_p1_W, c0_p1_b, c0_g0_W, c0_g0_b,
           c0_g1_W, c0_g1_b,
           c1_p0_W, c1_p0_b, c1_p1_W, c1_p1_b, c1_g0_W, c1_g0_b,
           c1_g1_W, c1_g1_b,
           cls_W, cls_b):
    src = edge_index[0]
    dst = edge_index[1]

    m0 = 2.0 * (c0_p0_W @ c0_g0_W) + c0_p1_W @ c0_g1_W
    v0 = 2.0 * (c0_p0_b @ c0_g0_W) + c0_p1_b @ c0_g1_W
    cb0 = 2.0 * c0_g0_b + c0_g1_b
    m1a = 2.0 * (c1_p0_W @ c1_g0_W)
    m1b = c1_p1_W @ c1_g1_W
    v1 = 2.0 * (c1_p0_b @ c1_g0_W) + c1_p1_b @ c1_g1_W + cb0 @ m1b
    cb1 = 2.0 * c1_g0_b + c1_g1_b
    v2 = cb1 @ cls_W + cls_b

    zeros1 = jnp.zeros((ROWS_A,), jnp.float32)
    zeros2 = jnp.zeros((ROWS_B, H), jnp.float32)

    src2 = src.reshape(NW * NCHUNK, K)
    dst2 = dst.reshape(NW * NCHUNK, K)
    deg_parts = _sc_degree(dst2, zeros1)
    dinv = lax.rsqrt(1.0 + deg_parts[:N] + deg_parts[N:]).reshape(N, 1)
    zt0, z1a = _tc_b(x, dinv, m0, m1a, v0.reshape(1, H))
    p0 = _sc_propagate(zt0, src2, dst2, zeros2)
    zt1 = _tc_c(p0, zt0, z1a, dinv, m1b, v1.reshape(1, H))
    p1 = _sc_propagate(zt1, src2, dst2, zeros2)
    return _tc_d(p1, zt1, dinv, cls_W, v2.reshape(1, C))

# --- scband reference (transcript-rebuilt; emitter-appended) ---
"""Pipeline reference for scband-micro-gnn-14061722927669 (READ-ONLY COPY).

The authoritative reference and input builder live on the scoring server;
editing this copy changes nothing except your own understanding.
"""

import jax, jax.numpy as jnp
import numpy as np

N = 10000
E = 320000
D = 128
H = 64
C = 47


def _lin(k, fin, fout):
    kw, kb = jax.random.split(k)
    W = jax.random.normal(kw, (fin, fout), dtype=jnp.float32) / np.sqrt(fin)
    b = jax.random.normal(kb, (fout,), dtype=jnp.float32) * 0.01
    return W, b


def setup_inputs(seed: int = 0):
    key = jax.random.key(seed)
    ks = jax.random.split(key, 16)
    inp = {}
    inp["x"] = jax.random.normal(ks[0], (N, D), dtype=jnp.float32)
    inp["edge_index"] = jax.random.randint(ks[1], (2, E), 0, N, dtype=jnp.int32)
    dims = [
        ("c0_p0", D, H), ("c0_p1", D, H), ("c0_g0", H, H), ("c0_g1", H, H),
        ("c1_p0", D, H), ("c1_p1", H, H), ("c1_g0", H, H), ("c1_g1", H, H),
        ("cls", H, C),
    ]
    for i, (name, fin, fout) in enumerate(dims):
        W, b = _lin(ks[2 + i], fin, fout)
        inp[name + "_W"] = W
        inp[name + "_b"] = b
    return inp


def _gcn(h, src, dst, W, b):
    # GCN conv with added self-loops and symmetric normalization
    n = h.shape[0]
    loop = jnp.arange(n, dtype=src.dtype)
    s = jnp.concatenate([src, loop])
    d = jnp.concatenate([dst, loop])
    deg = jax.ops.segment_sum(jnp.ones_like(s, dtype=h.dtype), d, num_segments=n)
    dinv = jax.lax.rsqrt(jnp.maximum(deg, 1.0))
    hw = h @ W
    norm = dinv[s] * dinv[d]
    msg = hw[s] * norm[:, None]
    out = jax.ops.segment_sum(msg, d, num_segments=n)
    return out + b


def _cell(s0, s1, src, dst, p):
    # action = [0, 'gcn', 1, 'gcn', 'relu', 'add'] -> indices [0, 1], concat 'add'
    s0 = s0 @ p[0] + p[1]
    s1 = s1 @ p[2] + p[3]
    states = [s0, s1]
    indices = [0, 1]
    for i in range(2):
        h1 = states[indices[i]]
        W, b = p[4 + 2 * i], p[5 + 2 * i]
        states.append(_gcn(h1, src, dst, W, b))
    # torch code: tmp = states[2]; for i in 2..: tmp = tmp + states[i]  (states[2] added twice)
    tmp = states[2]
    for i in range(2, len(states)):
        tmp = tmp + states[i]
    return tmp


def reference(x, edge_index,
              c0_p0_W, c0_p0_b, c0_p1_W, c0_p1_b, c0_g0_W, c0_g0_b, c0_g1_W, c0_g1_b,
              c1_p0_W, c1_p0_b, c1_p1_W, c1_p1_b, c1_g0_W, c1_g0_b, c1_g1_W, c1_g1_b,
              cls_W, cls_b):
    # dropout is identity in eval mode
    src, dst = edge_index[0], edge_index[1]
    p0 = (c0_p0_W, c0_p0_b, c0_p1_W, c0_p1_b, c0_g0_W, c0_g0_b, c0_g1_W, c0_g1_b)
    p1 = (c1_p0_W, c1_p0_b, c1_p1_W, c1_p1_b, c1_g0_W, c1_g0_b, c1_g1_W, c1_g1_b)
    s0 = s1 = x
    s0, s1 = s1, _cell(s0, s1, src, dst, p0)
    s0, s1 = s1, _cell(s0, s1, src, dst, p1)
    logits = s1 @ cls_W + cls_b
    return logits

if __name__ == "__main__":
    import jax
    _d = setup_inputs()
    print(jax.jit(kernel)(*tuple(_d.values())))

</pallas_src>

<mosaic_0001>
#map = affine_map<(d0, d1) -> (0, 0)>
#map1 = affine_map<(d0, d1) -> (0)>
module attributes {stable_mosaic.version = 14 : i64} {
  func.func @_deg_body(%arg0: i32, %arg1: i32, %arg2: memref<2560x125xi32, #tpu.memory_space<hbm>>, %arg3: memref<624xf32, #tpu.memory_space<hbm>>, %arg4: memref<20000xf32, #tpu.memory_space<hbm>>, %arg5: memref<80x125xi32, #tpu.memory_space<vmem>>, %arg6: memref<128xf32, #tpu.memory_space<vmem>>, %arg7: memref<624xf32, #tpu.memory_space<vmem>>, %arg8: memref<10000xf32, #tpu.memory_space<vmem_shared>>, %arg9: memref<!tpu.dma_semaphore, #tpu.memory_space<semaphore_mem>>) attributes {dimension_semantics = [#tpu.dimension_semantics<core_parallel>, #tpu.dimension_semantics<subcore_parallel>], iteration_bounds = array<i64: 2, 16>, scalar_prefetch = 0 : i64, scratch_operands = 5 : i64, tpu.core_type = #tpu.core_type<sc_vector_subcore>, window_params = [{transform_indices = #map}, {transform_indices = #map1}, {transform_indices = #map1}]} {
    %mul3A = arith.constant 2 : i32
    %mul3A_0 = arith.muli %arg1, %mul3A : i32
    %add3A = arith.addi %mul3A_0, %arg0 : i32
    %mul3A_1 = arith.constant 80 : i32
    %mul3A_2 = arith.muli %add3A, %mul3A_1 : i32
    "tpu.region"() ({
      %run_scoped3A = tpu.sem_alloc : memref<!tpu.dma_semaphore, #tpu.memory_space<semaphore_mem>>
      %dma_start3A = arith.constant 0 : i32
      %dma_start3A_37 = tpu.memref_slice %arg2[%mul3A_2, %dma_start3A] : memref<2560x125xi32, #tpu.memory_space<hbm>> -> memref<80x125xi32, #tpu.memory_space<hbm>>
      %dma_start3A_38 = arith.constant 0 : i32
      %dma_start3A_39 = tpu.memref_slice %arg2[%mul3A_2, %dma_start3A_38] : memref<2560x125xi32, #tpu.memory_space<hbm>> -> memref<80x125xi32, #tpu.memory_space<hbm>>
      tpu.enqueue_dma source(%dma_start3A_39 : memref<80x125xi32, #tpu.memory_space<hbm>>) target(%arg5 : memref<80x125xi32, #tpu.memory_space<vmem>>) target_semaphore(%run_scoped3A : memref<!tpu.dma_semaphore, #tpu.memory_space<semaphore_mem>>)
      %dma_wait3A = arith.constant 0 : i32
      %dma_wait3A_40 = tpu.memref_slice %arg2[%mul3A_2, %dma_wait3A] : memref<2560x125xi32, #tpu.memory_space<hbm>> -> memref<80x125xi32, #tpu.memory_space<hbm>>
      %dma_wait3A_41 = arith.constant 0 : i32
      %dma_wait3A_42 = tpu.memref_slice %arg2[%mul3A_2, %dma_wait3A_41] : memref<2560x125xi32, #tpu.memory_space<hbm>> -> memref<80x125xi32, #tpu.memory_space<hbm>>
      tpu.wait_dma2 semaphore(%run_scoped3A : memref<!tpu.dma_semaphore, #tpu.memory_space<semaphore_mem>>) src(%dma_wait3A_42 : memref<80x125xi32, #tpu.memory_space<hbm>>) dst(%arg5 : memref<80x125xi32, #tpu.memory_space<vmem>>)
      tpu.yield
    }) : () -> ()
    %scan3A = arith.constant 0 : i32
    %scan3A_3 = arith.constant 0 : i32
    %scan3A_4 = arith.constant 8 : i32
    %scan3A_5 = arith.addi %scan3A_3, %scan3A_4 : i32
    %scan3A_6 = arith.constant 1 : i32
    scf.for %scan3A_37 = %scan3A_3 to %scan3A_5 step %scan3A_6  : i32 {
      %broadcast_in_dim3A = arith.constant 1.000000e+00 : f32
      %broadcast_in_dim3A_38 = vector.broadcast %broadcast_in_dim3A : f32 to vector<16xf32>
      %mul3A_39 = arith.constant 16 : i32
      %mul3A_40 = arith.muli %scan3A_37, %mul3A_39 : i32
      %swap3A = arith.index_cast %mul3A_40 : i32 to index
      %swap3A_41 = tpu.vector_load %arg6[%swap3A] {strides = array<i32>} : memref<128xf32, #tpu.memory_space<vmem>>, vector<16xf32>,
      %swap3A_42 = vector.shape_cast %swap3A_41 : vector<16xf32> to vector<16xf32>
      %swap3A_43 = vector.shape_cast %broadcast_in_dim3A_38 : vector<16xf32> to vector<16xf32>
      tpu.vector_store %arg6[%swap3A], %swap3A_43 {strides = array<i32>} : memref<128xf32, #tpu.memory_space<vmem>>, vector<16xf32>,
    }
    %scan3A_7 = arith.constant 8 : i32
    "tpu.region"() ({
      %run_scoped3A = tpu.sem_alloc : memref<!tpu.dma_semaphore, #tpu.memory_space<semaphore_mem>>
      tpu.enqueue_dma source(%arg3 : memref<624xf32, #tpu.memory_space<hbm>>) target(%arg7 : memref<624xf32, #tpu.memory_space<vmem>>) target_semaphore(%run_scoped3A : memref<!tpu.dma_semaphore, #tpu.memory_space<semaphore_mem>>)
      tpu.wait_dma2 semaphore(%run_scoped3A : memref<!tpu.dma_semaphore, #tpu.memory_space<semaphore_mem>>) src(%arg3 : memref<624xf32, #tpu.memory_space<hbm>>) dst(%arg7 : memref<624xf32, #tpu.memory_space<vmem>>)
      tpu.yield
    }) : () -> ()
    %mul3A_8 = arith.constant 624 : i32
    %mul3A_9 = arith.muli %arg1, %mul3A_8 : i32
    "tpu.region"() ({
      %run_scoped3A = tpu.sem_alloc : memref<!tpu.dma_semaphore, #tpu.memory_space<semaphore_mem>>
      %dma_start3A = arith.constant 0 : i32
      %dma_start3A_37 = tpu.memref_slice %arg7[%dma_start3A] : memref<624xf32, #tpu.memory_space<vmem>> -> memref<624xf32, #tpu.memory_space<vmem>>
      %dma_start3A_38 = tpu.memref_slice %arg8[%mul3A_9] : memref<10000xf32, #tpu.memory_space<vmem_shared>> -> memref<624xf32, #tpu.memory_space<vmem_shared>>
      %dma_start3A_39 = tpu.memref_slice %arg8[%mul3A_9] : memref<10000xf32, #tpu.memory_space<vmem_shared>> -> memref<624xf32, #tpu.memory_space<vmem_shared>>
      %dma_start3A_40 = arith.constant 0 : i32
      %dma_start3A_41 = tpu.memref_slice %arg7[%dma_start3A_40] : memref<624xf32, #tpu.memory_space<vmem>> -> memref<624xf32, #tpu.memory_space<vmem>>
      tpu.enqueue_dma source(%dma_start3A_41 : memref<624xf32, #tpu.memory_space<vmem>>) target(%dma_start3A_39 : memref<624xf32, #tpu.memory_space<vmem_shared>>) target_semaphore(%run_scoped3A : memref<!tpu.dma_semaphore, #tpu.memory_space<semaphore_mem>>)
      %dma_wait3A = arith.constant 0 : i32
      %dma_wait3A_42 = tpu.memref_slice %arg7[%dma_wait3A] : memref<624xf32, #tpu.memory_space<vmem>> -> memref<624xf32, #tpu.memory_space<vmem>>
      %dma_wait3A_43 = tpu.memref_slice %arg8[%mul3A_9] : memref<10000xf32, #tpu.memory_space<vmem_shared>> -> memref<624xf32, #tpu.memory_space<vmem_shared>>
      %dma_wait3A_44 = tpu.memref_slice %arg8[%mul3A_9] : memref<10000xf32, #tpu.memory_space<vmem_shared>> -> memref<624xf32, #tpu.memory_space<vmem_shared>>
      %dma_wait3A_45 = arith.constant 0 : i32
      %dma_wait3A_46 = tpu.memref_slice %arg7[%dma_wait3A_45] : memref<624xf32, #tpu.memory_space<vmem>> -> memref<624xf32, #tpu.memory_space<vmem>>
      tpu.wait_dma2 semaphore(%run_scoped3A : memref<!tpu.dma_semaphore, #tpu.memory_space<semaphore_mem>>) src(%dma_wait3A_46 : memref<624xf32, #tpu.memory_space<vmem>>) dst(%dma_wait3A_44 : memref<624xf32, #tpu.memory_space<vmem_shared>>)
      tpu.yield
    }) : () -> ()
    %eq3A = arith.constant 15 : i32
    %eq3A_10 = arith.cmpi eq, %arg1, %eq3A : i32
    %convert_element_type3A = arith.extui %eq3A_10 : i1 to i32
    %cond3A = arith.constant 0 : i32
    %cond3A_11 = arith.cmpi ne, %convert_element_type3A, %cond3A : i32
    scf.if %cond3A_11 {
      "tpu.region"() ({
        %run_scoped3A = tpu.sem_alloc : memref<!tpu.dma_semaphore, #tpu.memory_space<semaphore_mem>>
        %dma_start3A = arith.constant 0 : i32
        %dma_start3A_37 = tpu.memref_slice %arg7[%dma_start3A] : memref<624xf32, #tpu.memory_space<vmem>> -> memref<16xf32, #tpu.memory_space<vmem>>
        %dma_start3A_38 = arith.constant 9984 : i32
        %dma_start3A_39 = tpu.memref_slice %arg8[%dma_start3A_38] : memref<10000xf32, #tpu.memory_space<vmem_shared>> -> memref<16xf32, #tpu.memory_space<vmem_shared>>
        %dma_start3A_40 = arith.constant 9984 : i32
        %dma_start3A_41 = tpu.memref_slice %arg8[%dma_start3A_40] : memref<10000xf32, #tpu.memory_space<vmem_shared>> -> memref<16xf32, #tpu.memory_space<vmem_shared>>
        %dma_start3A_42 = arith.constant 0 : i32
        %dma_start3A_43 = tpu.memref_slice %arg7[%dma_start3A_42] : memref<624xf32, #tpu.memory_space<vmem>> -> memref<16xf32, #tpu.memory_space<vmem>>
        tpu.enqueue_dma source(%dma_start3A_43 : memref<16xf32, #tpu.memory_space<vmem>>) target(%dma_start3A_41 : memref<16xf32, #tpu.memory_space<vmem_shared>>) target_semaphore(%run_scoped3A : memref<!tpu.dma_semaphore, #tpu.memory_space<semaphore_mem>>)
        %dma_wait3A = arith.constant 0 : i32
        %dma_wait3A_44 = tpu.memref_slice %arg7[%dma_wait3A] : memref<624xf32, #tpu.memory_space<vmem>> -> memref<16xf32, #tpu.memory_space<vmem>>
        %dma_wait3A_45 = arith.constant 9984 : i32
        %dma_wait3A_46 = tpu.memref_slice %arg8[%dma_wait3A_45] : memref<10000xf32, #tpu.memory_space<vmem_shared>> -> memref<16xf32, #tpu.memory_space<vmem_shared>>
        %dma_wait3A_47 = arith.constant 9984 : i32
        %dma_wait3A_48 = tpu.memref_slice %arg8[%dma_wait3A_47] : memref<10000xf32, #tpu.memory_space<vmem_shared>> -> memref<16xf32, #tpu.memory_space<vmem_shared>>
        %dma_wait3A_49 = arith.constant 0 : i32
        %dma_wait3A_50 = tpu.memref_slice %arg7[%dma_wait3A_49] : memref<624xf32, #tpu.memory_space<vmem>> -> memref<16xf32, #tpu.memory_space<vmem>>
        tpu.wait_dma2 semaphore(%run_scoped3A : memref<!tpu.dma_semaphore, #tpu.memory_space<semaphore_mem>>) src(%dma_wait3A_50 : memref<16xf32, #tpu.memory_space<vmem>>) dst(%dma_wait3A_48 : memref<16xf32, #tpu.memory_space<vmem_shared>>)
        tpu.yield
      }) : () -> ()
    } else {
    }
    %barrier3A = arith.constant 0 : index
    tpu.barrier barrier_id(%barrier3A)
    %scan3A_12 = arith.constant 0 : i32
    %scan3A_13 = arith.constant 0 : i32
    %scan3A_14 = arith.constant 80 : i32
    %scan3A_15 = arith.addi %scan3A_13, %scan3A_14 : i32
    %scan3A_16 = arith.constant 1 : i32
    scf.for %scan3A_37 = %scan3A_13 to %scan3A_15 step %scan3A_16  : i32 {
      %dma_start3A = arith.constant 0 : i32
      %dma_start3A_38 = tpu.memref_slice %arg6[%dma_start3A] : memref<128xf32, #tpu.memory_space<vmem>> -> memref<125xf32, #tpu.memory_space<vmem>>
      %dma_start3A_39 = arith.constant 0 : i32
      %dma_start3A_40 = tpu.memref_slice %arg5[%scan3A_37, %dma_start3A_39] : memref<80x125xi32, #tpu.memory_space<vmem>> -> memref<1x125xi32, #tpu.memory_space<vmem>>
      %dma_start3A_41 = tpu.memref_squeeze %dma_start3A_40 : memref<1x125xi32, #tpu.memory_space<vmem>> -> memref<125xi32, #tpu.memory_space<vmem>>
      %dma_start3A_42 = arith.constant 0 : i32
      %dma_start3A_43 = tpu.memref_slice %arg8[%dma_start3A_42] : memref<10000xf32, #tpu.memory_space<vmem_shared>> -> memref<10000xf32, #tpu.memory_space<vmem_shared>>
      tpu.enqueue_indirect_dma source(%dma_start3A_38 : memref<125xf32, #tpu.memory_space<vmem>>) target(%dma_start3A_43 : memref<10000xf32, #tpu.memory_space<vmem_shared>>) offsets(%dma_start3A_41 : memref<125xi32, #tpu.memory_space<vmem>>) semaphore(%arg9 : memref<!tpu.dma_semaphore, #tpu.memory_space<semaphore_mem>>) {add = true}
      %ge3A = arith.constant 8 : i32
      %ge3A_44 = arith.cmpi sge, %scan3A_37, %ge3A : i32
      %convert_element_type3A_45 = arith.extui %ge3A_44 : i1 to i32
      %cond3A_46 = arith.constant 0 : i32
      %cond3A_47 = arith.cmpi ne, %convert_element_type3A_45, %cond3A_46 : i32
      scf.if %cond3A_47 {
        %dma_wait3A = arith.constant 0 : i32
        %dma_wait3A_48 = tpu.memref_slice %arg6[%dma_wait3A] : memref<128xf32, #tpu.memory_space<vmem>> -> memref<125xf32, #tpu.memory_space<vmem>>
        %dma_wait3A_49 = arith.constant 0 : i32
        %dma_wait3A_50 = tpu.memref_slice %arg5[%scan3A_37, %dma_wait3A_49] : memref<80x125xi32, #tpu.memory_space<vmem>> -> memref<1x125xi32, #tpu.memory_space<vmem>>
        %dma_wait3A_51 = tpu.memref_squeeze %dma_wait3A_50 : memref<1x125xi32, #tpu.memory_space<vmem>> -> memref<125xi32, #tpu.memory_space<vmem>>
        %dma_wait3A_52 = arith.constant 0 : i32
        %dma_wait3A_53 = tpu.memref_slice %arg8[%dma_wait3A_52] : memref<10000xf32, #tpu.memory_space<vmem_shared>> -> memref<10000xf32, #tpu.memory_space<vmem_shared>>
        tpu.wait_indirect_dma semaphore(%arg9 : memref<!tpu.dma_semaphore, #tpu.memory_space<semaphore_mem>>) src(%dma_wait3A_48 : memref<125xf32, #tpu.memory_space<vmem>>) dst(%dma_wait3A_53 : memref<10000xf32, #tpu.memory_space<vmem_shared>>)
      } else {
      }
    }
    %scan3A_17 = arith.constant 80 : i32
    %scan3A_18 = arith.constant 0 : i32
    %scan3A_19 = arith.constant 0 : i32
    %scan3A_20 = arith.constant 8 : i32
    %scan3A_21 = arith.addi %scan3A_19, %scan3A_20 : i32
    %scan3A_22 = arith.constant 1 : i32
    scf.for %scan3A_37 = %scan3A_19 to %scan3A_21 step %scan3A_22  : i32 {
      %dma_wait3A = arith.constant 0 : i32
      %dma_wait3A_38 = tpu.memref_slice %arg6[%dma_wait3A] : memref<128xf32, #tpu.memory_space<vmem>> -> memref<125xf32, #tpu.memory_space<vmem>>
      %dma_wait3A_39 = arith.constant 0 : i32
      %dma_wait3A_40 = tpu.memref_slice %arg5[%scan3A_37, %dma_wait3A_39] : memref<80x125xi32, #tpu.memory_space<vmem>> -> memref<1x125xi32, #tpu.memory_space<vmem>>
      %dma_wait3A_41 = tpu.memref_squeeze %dma_wait3A_40 : memref<1x125xi32, #tpu.memory_space<vmem>> -> memref<125xi32, #tpu.memory_space<vmem>>
      %dma_wait3A_42 = arith.constant 0 : i32
      %dma_wait3A_43 = tpu.memref_slice %arg8[%dma_wait3A_42] : memref<10000xf32, #tpu.memory_space<vmem_shared>> -> memref<10000xf32, #tpu.memory_space<vmem_shared>>
      tpu.wait_indirect_dma semaphore(%arg9 : memref<!tpu.dma_semaphore, #tpu.memory_space<semaphore_mem>>) src(%dma_wait3A_38 : memref<125xf32, #tpu.memory_space<vmem>>) dst(%dma_wait3A_43 : memref<10000xf32, #tpu.memory_space<vmem_shared>>)
    }
    %scan3A_23 = arith.constant 8 : i32
    %barrier3A_24 = arith.constant 0 : index
    tpu.barrier barrier_id(%barrier3A_24)
    %mul3A_25 = arith.constant 624 : i32
    %mul3A_26 = arith.muli %arg1, %mul3A_25 : i32
    "tpu.region"() ({
      %run_scoped3A = tpu.sem_alloc : memref<!tpu.dma_semaphore, #tpu.memory_space<semaphore_mem>>
      %dma_start3A = arith.constant 0 : i32
      %dma_start3A_37 = tpu.memref_slice %arg7[%dma_start3A] : memref<624xf32, #tpu.memory_space<vmem>> -> memref<624xf32, #tpu.memory_space<vmem>>
      %dma_start3A_38 = tpu.memref_slice %arg8[%mul3A_26] : memref<10000xf32, #tpu.memory_space<vmem_shared>> -> memref<624xf32, #tpu.memory_space<vmem_shared>>
      %dma_start3A_39 = arith.constant 0 : i32
      %dma_start3A_40 = tpu.memref_slice %arg7[%dma_start3A_39] : memref<624xf32, #tpu.memory_space<vmem>> -> memref<624xf32, #tpu.memory_space<vmem>>
      %dma_start3A_41 = tpu.memref_slice %arg8[%mul3A_26] : memref<10000xf32, #tpu.memory_space<vmem_shared>> -> memref<624xf32, #tpu.memory_space<vmem_shared>>
      tpu.enqueue_dma source(%dma_start3A_41 : memref<624xf32, #tpu.memory_space<vmem_shared>>) target(%dma_start3A_40 : memref<624xf32, #tpu.memory_space<vmem>>) target_semaphore(%run_scoped3A : memref<!tpu.dma_semaphore, #tpu.memory_space<semaphore_mem>>)
      %dma_wait3A = arith.constant 0 : i32
      %dma_wait3A_42 = tpu.memref_slice %arg7[%dma_wait3A] : memref<624xf32, #tpu.memory_space<vmem>> -> memref<624xf32, #tpu.memory_space<vmem>>
      %dma_wait3A_43 = tpu.memref_slice %arg8[%mul3A_26] : memref<10000xf32, #tpu.memory_space<vmem_shared>> -> memref<624xf32, #tpu.memory_space<vmem_shared>>
      %dma_wait3A_44 = arith.constant 0 : i32
      %dma_wait3A_45 = tpu.memref_slice %arg7[%dma_wait3A_44] : memref<624xf32, #tpu.memory_space<vmem>> -> memref<624xf32, #tpu.memory_space<vmem>>
      %dma_wait3A_46 = tpu.memref_slice %arg8[%mul3A_26] : memref<10000xf32, #tpu.memory_space<vmem_shared>> -> memref<624xf32, #tpu.memory_space<vmem_shared>>
      tpu.wait_dma2 semaphore(%run_scoped3A : memref<!tpu.dma_semaphore, #tpu.memory_space<semaphore_mem>>) src(%dma_wait3A_46 : memref<624xf32, #tpu.memory_space<vmem_shared>>) dst(%dma_wait3A_45 : memref<624xf32, #tpu.memory_space<vmem>>)
      tpu.yield
    }) : () -> ()
    %mul3A_27 = arith.constant 10000 : i32
    %mul3A_28 = arith.muli %arg0, %mul3A_27 : i32
    %mul3A_29 = arith.constant 624 : i32
    %mul3A_30 = arith.muli %arg1, %mul3A_29 : i32
    %add3A_31 = arith.addi %mul3A_28, %mul3A_30 : i32
    "tpu.region"() ({
      %run_scoped3A = tpu.sem_alloc : memref<!tpu.dma_semaphore, #tpu.memory_space<semaphore_mem>>
      %dma_start3A = arith.constant 0 : i32
      %dma_start3A_37 = tpu.memref_slice %arg7[%dma_start3A] : memref<624xf32, #tpu.memory_space<vmem>> -> memref<624xf32, #tpu.memory_space<vmem>>
      %dma_start3A_38 = tpu.memref_slice %arg4[%add3A_31] : memref<20000xf32, #tpu.memory_space<hbm>> -> memref<624xf32, #tpu.memory_space<hbm>>
      %dma_start3A_39 = tpu.memref_slice %arg4[%add3A_31] : memref<20000xf32, #tpu.memory_space<hbm>> -> memref<624xf32, #tpu.memory_space<hbm>>
      %dma_start3A_40 = arith.constant 0 : i32
      %dma_start3A_41 = tpu.memref_slice %arg7[%dma_start3A_40] : memref<624xf32, #tpu.memory_space<vmem>> -> memref<624xf32, #tpu.memory_space<vmem>>
      tpu.enqueue_dma source(%dma_start3A_41 : memref<624xf32, #tpu.memory_space<vmem>>) target(%dma_start3A_39 : memref<624xf32, #tpu.memory_space<hbm>>) target_semaphore(%run_scoped3A : memref<!tpu.dma_semaphore, #tpu.memory_space<semaphore_mem>>)
      %dma_wait3A = arith.constant 0 : i32
      %dma_wait3A_42 = tpu.memref_slice %arg7[%dma_wait3A] : memref<624xf32, #tpu.memory_space<vmem>> -> memref<624xf32, #tpu.memory_space<vmem>>
      %dma_wait3A_43 = tpu.memref_slice %arg4[%add3A_31] : memref<20000xf32, #tpu.memory_space<hbm>> -> memref<624xf32, #tpu.memory_space<hbm>>
      %dma_wait3A_44 = tpu.memref_slice %arg4[%add3A_31] : memref<20000xf32, #tpu.memory_space<hbm>> -> memref<624xf32, #tpu.memory_space<hbm>>
      %dma_wait3A_45 = arith.constant 0 : i32
      %dma_wait3A_46 = tpu.memref_slice %arg7[%dma_wait3A_45] : memref<624xf32, #tpu.memory_space<vmem>> -> memref<624xf32, #tpu.memory_space<vmem>>
      tpu.wait_dma2 semaphore(%run_scoped3A : memref<!tpu.dma_semaphore, #tpu.memory_space<semaphore_mem>>) src(%dma_wait3A_46 : memref<624xf32, #tpu.memory_space<vmem>>) dst(%dma_wait3A_44 : memref<624xf32, #tpu.memory_space<hbm>>)
      tpu.yield
    }) : () -> ()
    %eq3A_32 = arith.constant 15 : i32
    %eq3A_33 = arith.cmpi eq, %arg1, %eq3A_32 : i32
    %convert_element_type3A_34 = arith.extui %eq3A_33 : i1 to i32
    %cond3A_35 = arith.constant 0 : i32
    %cond3A_36 = arith.cmpi ne, %convert_element_type3A_34, %cond3A_35 : i32
    scf.if %cond3A_36 {
      "tpu.region"() ({
        %run_scoped3A = tpu.sem_alloc : memref<!tpu.dma_semaphore, #tpu.memory_space<semaphore_mem>>
        %dma_start3A = arith.constant 0 : i32
        %dma_start3A_41 = tpu.memref_slice %arg7[%dma_start3A] : memref<624xf32, #tpu.memory_space<vmem>> -> memref<16xf32, #tpu.memory_space<vmem>>
        %dma_start3A_42 = arith.constant 9984 : i32
        %dma_start3A_43 = tpu.memref_slice %arg8[%dma_start3A_42] : memref<10000xf32, #tpu.memory_space<vmem_shared>> -> memref<16xf32, #tpu.memory_space<vmem_shared>>
        %dma_start3A_44 = arith.constant 0 : i32
        %dma_start3A_45 = tpu.memref_slice %arg7[%dma_start3A_44] : memref<624xf32, #tpu.memory_space<vmem>> -> memref<16xf32, #tpu.memory_space<vmem>>
        %dma_start3A_46 = arith.constant 9984 : i32
        %dma_start3A_47 = tpu.memref_slice %arg8[%dma_start3A_46] : memref<10000xf32, #tpu.memory_space<vmem_shared>> -> memref<16xf32, #tpu.memory_space<vmem_shared>>
        tpu.enqueue_dma source(%dma_start3A_47 : memref<16xf32, #tpu.memory_space<vmem_shared>>) target(%dma_start3A_45 : memref<16xf32, #tpu.memory_space<vmem>>) target_semaphore(%run_scoped3A : memref<!tpu.dma_semaphore, #tpu.memory_space<semaphore_mem>>)
        %dma_wait3A = arith.constant 0 : i32
        %dma_wait3A_48 = tpu.memref_slice %arg7[%dma_wait3A] : memref<624xf32, #tpu.memory_space<vmem>> -> memref<16xf32, #tpu.memory_space<vmem>>
        %dma_wait3A_49 = arith.constant 9984 : i32
        %dma_wait3A_50 = tpu.memref_slice %arg8[%dma_wait3A_49] : memref<10000xf32, #tpu.memory_space<vmem_shared>> -> memref<16xf32, #tpu.memory_space<vmem_shared>>
        %dma_wait3A_51 = arith.constant 0 : i32
        %dma_wait3A_52 = tpu.memref_slice %arg7[%dma_wait3A_51] : memref<624xf32, #tpu.memory_space<vmem>> -> memref<16xf32, #tpu.memory_space<vmem>>
        %dma_wait3A_53 = arith.constant 9984 : i32
        %dma_wait3A_54 = tpu.memref_slice %arg8[%dma_wait3A_53] : memref<10000xf32, #tpu.memory_space<vmem_shared>> -> memref<16xf32, #tpu.memory_space<vmem_shared>>
        tpu.wait_dma2 semaphore(%run_scoped3A : memref<!tpu.dma_semaphore, #tpu.memory_space<semaphore_mem>>) src(%dma_wait3A_54 : memref<16xf32, #tpu.memory_space<vmem_shared>>) dst(%dma_wait3A_52 : memref<16xf32, #tpu.memory_space<vmem>>)
        tpu.yield
      }) : () -> ()
      %mul3A_37 = arith.constant 10000 : i32
      %mul3A_38 = arith.muli %arg0, %mul3A_37 : i32
      %add3A_39 = arith.constant 9984 : i32
      %add3A_40 = arith.addi %mul3A_38, %add3A_39 : i32
      "tpu.region"() ({
        %run_scoped3A = tpu.sem_alloc : memref<!tpu.dma_semaphore, #tpu.memory_space<semaphore_mem>>
        %dma_start3A = arith.constant 0 : i32
        %dma_start3A_41 = tpu.memref_slice %arg7[%dma_start3A] : memref<624xf32, #tpu.memory_space<vmem>> -> memref<16xf32, #tpu.memory_space<vmem>>
        %dma_start3A_42 = tpu.memref_slice %arg4[%add3A_40] : memref<20000xf32, #tpu.memory_space<hbm>> -> memref<16xf32, #tpu.memory_space<hbm>>
        %dma_start3A_43 = tpu.memref_slice %arg4[%add3A_40] : memref<20000xf32, #tpu.memory_space<hbm>> -> memref<16xf32, #tpu.memory_space<hbm>>
        %dma_start3A_44 = arith.constant 0 : i32
        %dma_start3A_45 = tpu.memref_slice %arg7[%dma_start3A_44] : memref<624xf32, #tpu.memory_space<vmem>> -> memref<16xf32, #tpu.memory_space<vmem>>
        tpu.enqueue_dma source(%dma_start3A_45 : memref<16xf32, #tpu.memory_space<vmem>>) target(%dma_start3A_43 : memref<16xf32, #tpu.memory_space<hbm>>) target_semaphore(%run_scoped3A : memref<!tpu.dma_semaphore, #tpu.memory_space<semaphore_mem>>)
        %dma_wait3A = arith.constant 0 : i32
        %dma_wait3A_46 = tpu.memref_slice %arg7[%dma_wait3A] : memref<624xf32, #tpu.memory_space<vmem>> -> memref<16xf32, #tpu.memory_space<vmem>>
        %dma_wait3A_47 = tpu.memref_slice %arg4[%add3A_40] : memref<20000xf32, #tpu.memory_space<hbm>> -> memref<16xf32, #tpu.memory_space<hbm>>
        %dma_wait3A_48 = tpu.memref_slice %arg4[%add3A_40] : memref<20000xf32, #tpu.memory_space<hbm>> -> memref<16xf32, #tpu.memory_space<hbm>>
        %dma_wait3A_49 = arith.constant 0 : i32
        %dma_wait3A_50 = tpu.memref_slice %arg7[%dma_wait3A_49] : memref<624xf32, #tpu.memory_space<vmem>> -> memref<16xf32, #tpu.memory_space<vmem>>
        tpu.wait_dma2 semaphore(%run_scoped3A : memref<!tpu.dma_semaphore, #tpu.memory_space<semaphore_mem>>) src(%dma_wait3A_50 : memref<16xf32, #tpu.memory_space<vmem>>) dst(%dma_wait3A_48 : memref<16xf32, #tpu.memory_space<hbm>>)
        tpu.yield
      }) : () -> ()
    } else {
    }
    return
  }
}

#map = affine_map<(d0, d1) -> (0, 0)>
#map1 = affine_map<(d0, d1) -> (0, 0, 0)>
module attributes {stable_mosaic.version = 14 : i64} {
  func.func @_prop_body(%arg0: i32, %arg1: i32, %arg2: memref<10000x64xf32, #tpu.memory_space<hbm>>, %arg3: memref<2560x125xi32, #tpu.memory_space<hbm>>, %arg4: memref<2560x125xi32, #tpu.memory_space<hbm>>, %arg5: memref<312x64xf32, #tpu.memory_space<hbm>>, %arg6: memref<2x10000x64xf32, #tpu.memory_space<hbm>>, %arg7: memref<80x125xi32, #tpu.memory_space<vmem>>, %arg8: memref<80x125xi32, #tpu.memory_space<vmem>>, %arg9: memref<125x64xf32, #tpu.memory_space<vmem>>, %arg10: memref<125x64xf32, #tpu.memory_space<vmem>>, %arg11: memref<125x64xf32, #tpu.memory_space<vmem>>, %arg12: memref<125x64xf32, #tpu.memory_space<vmem>>, %arg13: memref<312x64xf32, #tpu.memory_space<vmem>>, %arg14: memref<10000x64xf32, #tpu.memory_space<vmem_shared>>, %arg15: memref<!tpu.dma_semaphore, #tpu.memory_space<semaphore_mem>>, %arg16: memref<!tpu.dma_semaphore, #tpu.memory_space<semaphore_mem>>, %arg17: memref<!tpu.dma_semaphore, #tpu.memory_space<semaphore_mem>>, %arg18: memref<!tpu.dma_semaphore, #tpu.memory_space<semaphore_mem>>, %arg19: memref<!tpu.dma_semaphore, #tpu.memory_space<semaphore_mem>>, %arg20: memref<!tpu.dma_semaphore, #tpu.memory_space<semaphore_mem>>, %arg21: memref<!tpu.dma_semaphore, #tpu.memory_space<semaphore_mem>>, %arg22: memref<!tpu.dma_semaphore, #tpu.memory_space<semaphore_mem>>) attributes {dimension_semantics = [#tpu.dimension_semantics<core_parallel>, #tpu.dimension_semantics<subcore_parallel>], iteration_bounds = array<i64: 2, 16>, scalar_prefetch = 0 : i64, scratch_operands = 16 : i64, tpu.core_type = #tpu.core_type<sc_vector_subcore>, window_params = [{transform_indices = #map}, {transform_indices = #map}, {transform_indices = #map}, {transform_indices = #map}, {transform_indices = #map1}]} {
    %mul3A = arith.constant 2 : i32
    %mul3A_0 = arith.muli %arg1, %mul3A : i32
    %add3A = arith.addi %mul3A_0, %arg0 : i32
    %mul3A_1 = arith.constant 80 : i32
    %mul3A_2 = arith.muli %add3A, %mul3A_1 : i32
    "tpu.region"() ({
      %run_scoped3A = tpu.sem_alloc : memref<!tpu.dma_semaphore, #tpu.memory_space<semaphore_mem>>
      %dma_start3A_76 = arith.constant 0 : i32
      %dma_start3A_77 = tpu.memref_slice %arg3[%mul3A_2, %dma_start3A_76] : memref<2560x125xi32, #tpu.memory_space<hbm>> -> memref<80x125xi32, #tpu.memory_space<hbm>>
      %dma_start3A_78 = arith.constant 0 : i32
      %dma_start3A_79 = tpu.memref_slice %arg3[%mul3A_2, %dma_start3A_78] : memref<2560x125xi32, #tpu.memory_space<hbm>> -> memref<80x125xi32, #tpu.memory_space<hbm>>
      tpu.enqueue_dma source(%dma_start3A_79 : memref<80x125xi32, #tpu.memory_space<hbm>>) target(%arg7 : memref<80x125xi32, #tpu.memory_space<vmem>>) target_semaphore(%run_scoped3A : memref<!tpu.dma_semaphore, #tpu.memory_space<semaphore_mem>>)
      %dma_wait3A_80 = arith.constant 0 : i32
      %dma_wait3A_81 = tpu.memref_slice %arg3[%mul3A_2, %dma_wait3A_80] : memref<2560x125xi32, #tpu.memory_space<hbm>> -> memref<80x125xi32, #tpu.memory_space<hbm>>
      %dma_wait3A_82 = arith.constant 0 : i32
      %dma_wait3A_83 = tpu.memref_slice %arg3[%mul3A_2, %dma_wait3A_82] : memref<2560x125xi32, #tpu.memory_space<hbm>> -> memref<80x125xi32, #tpu.memory_space<hbm>>
      tpu.wait_dma2 semaphore(%run_scoped3A : memref<!tpu.dma_semaphore, #tpu.memory_space<semaphore_mem>>) src(%dma_wait3A_83 : memref<80x125xi32, #tpu.memory_space<hbm>>) dst(%arg7 : memref<80x125xi32, #tpu.memory_space<vmem>>)
      tpu.yield
    }) : () -> ()
    %mul3A_3 = arith.constant 80 : i32
    %mul3A_4 = arith.muli %add3A, %mul3A_3 : i32
    "tpu.region"() ({
      %run_scoped3A = tpu.sem_alloc : memref<!tpu.dma_semaphore, #tpu.memory_space<semaphore_mem>>
      %dma_start3A_76 = arith.constant 0 : i32
      %dma_start3A_77 = tpu.memref_slice %arg4[%mul3A_4, %dma_start3A_76] : memref<2560x125xi32, #tpu.memory_space<hbm>> -> memref<80x125xi32, #tpu.memory_space<hbm>>
      %dma_start3A_78 = arith.constant 0 : i32
      %dma_start3A_79 = tpu.memref_slice %arg4[%mul3A_4, %dma_start3A_78] : memref<2560x125xi32, #tpu.memory_space<hbm>> -> memref<80x125xi32, #tpu.memory_space<hbm>>
      tpu.enqueue_dma source(%dma_start3A_79 : memref<80x125xi32, #tpu.memory_space<hbm>>) target(%arg8 : memref<80x125xi32, #tpu.memory_space<vmem>>) target_semaphore(%run_scoped3A : memref<!tpu.dma_semaphore, #tpu.memory_space<semaphore_mem>>)
      %dma_wait3A_80 = arith.constant 0 : i32
      %dma_wait3A_81 = tpu.memref_slice %arg4[%mul3A_4, %dma_wait3A_80] : memref<2560x125xi32, #tpu.memory_space<hbm>> -> memref<80x125xi32, #tpu.memory_space<hbm>>
      %dma_wait3A_82 = arith.constant 0 : i32
      %dma_wait3A_83 = tpu.memref_slice %arg4[%mul3A_4, %dma_wait3A_82] : memref<2560x125xi32, #tpu.memory_space<hbm>> -> memref<80x125xi32, #tpu.memory_space<hbm>>
      tpu.wait_dma2 semaphore(%run_scoped3A : memref<!tpu.dma_semaphore, #tpu.memory_space<semaphore_mem>>) src(%dma_wait3A_83 : memref<80x125xi32, #tpu.memory_space<hbm>>) dst(%arg8 : memref<80x125xi32, #tpu.memory_space<vmem>>)
      tpu.yield
    }) : () -> ()
    "tpu.region"() ({
      %run_scoped3A = tpu.sem_alloc : memref<!tpu.dma_semaphore, #tpu.memory_space<semaphore_mem>>
      tpu.enqueue_dma source(%arg5 : memref<312x64xf32, #tpu.memory_space<hbm>>) target(%arg13 : memref<312x64xf32, #tpu.memory_space<vmem>>) target_semaphore(%run_scoped3A : memref<!tpu.dma_semaphore, #tpu.memory_space<semaphore_mem>>)
      tpu.wait_dma2 semaphore(%run_scoped3A : memref<!tpu.dma_semaphore, #tpu.memory_space<semaphore_mem>>) src(%arg5 : memref<312x64xf32, #tpu.memory_space<hbm>>) dst(%arg13 : memref<312x64xf32, #tpu.memory_space<vmem>>)
      tpu.yield
    }) : () -> ()
    %mul3A_5 = arith.constant 624 : i32
    %mul3A_6 = arith.muli %arg1, %mul3A_5 : i32
    "tpu.region"() ({
      %run_scoped3A = tpu.sem_alloc : memref<!tpu.dma_semaphore, #tpu.memory_space<semaphore_mem>>
      %dma_start3A_76 = arith.constant 0 : i32
      %dma_start3A_77 = tpu.memref_slice %arg14[%mul3A_6, %dma_start3A_76] : memref<10000x64xf32, #tpu.memory_space<vmem_shared>> -> memref<312x64xf32, #tpu.memory_space<vmem_shared>>
      %dma_start3A_78 = arith.constant 0 : i32
      %dma_start3A_79 = tpu.memref_slice %arg14[%mul3A_6, %dma_start3A_78] : memref<10000x64xf32, #tpu.memory_space<vmem_shared>> -> memref<312x64xf32, #tpu.memory_space<vmem_shared>>
      tpu.enqueue_dma source(%arg13 : memref<312x64xf32, #tpu.memory_space<vmem>>) target(%dma_start3A_79 : memref<312x64xf32, #tpu.memory_space<vmem_shared>>) target_semaphore(%run_scoped3A : memref<!tpu.dma_semaphore, #tpu.memory_space<semaphore_mem>>)
      %dma_wait3A_80 = arith.constant 0 : i32
      %dma_wait3A_81 = tpu.memref_slice %arg14[%mul3A_6, %dma_wait3A_80] : memref<10000x64xf32, #tpu.memory_space<vmem_shared>> -> memref<312x64xf32, #tpu.memory_space<vmem_shared>>
      %dma_wait3A_82 = arith.constant 0 : i32
      %dma_wait3A_83 = tpu.memref_slice %arg14[%mul3A_6, %dma_wait3A_82] : memref<10000x64xf32, #tpu.memory_space<vmem_shared>> -> memref<312x64xf32, #tpu.memory_space<vmem_shared>>
      tpu.wait_dma2 semaphore(%run_scoped3A : memref<!tpu.dma_semaphore, #tpu.memory_space<semaphore_mem>>) src(%arg13 : memref<312x64xf32, #tpu.memory_space<vmem>>) dst(%dma_wait3A_83 : memref<312x64xf32, #tpu.memory_space<vmem_shared>>)
      tpu.yield
    }) : () -> ()
    %mul3A_7 = arith.constant 624 : i32
    %mul3A_8 = arith.muli %arg1, %mul3A_7 : i32
    %add3A_9 = arith.constant 312 : i32
    %add3A_10 = arith.addi %mul3A_8, %add3A_9 : i32
    "tpu.region"() ({
      %run_scoped3A = tpu.sem_alloc : memref<!tpu.dma_semaphore, #tpu.memory_space<semaphore_mem>>
      %dma_start3A_76 = arith.constant 0 : i32
      %dma_start3A_77 = tpu.memref_slice %arg14[%add3A_10, %dma_start3A_76] : memref<10000x64xf32, #tpu.memory_space<vmem_shared>> -> memref<312x64xf32, #tpu.memory_space<vmem_shared>>
      %dma_start3A_78 = arith.constant 0 : i32
      %dma_start3A_79 = tpu.memref_slice %arg14[%add3A_10, %dma_start3A_78] : memref<10000x64xf32, #tpu.memory_space<vmem_shared>> -> memref<312x64xf32, #tpu.memory_space<vmem_shared>>
      tpu.enqueue_dma source(%arg13 : memref<312x64xf32, #tpu.memory_space<vmem>>) target(%dma_start3A_79 : memref<312x64xf32, #tpu.memory_space<vmem_shared>>) target_semaphore(%run_scoped3A : memref<!tpu.dma_semaphore, #tpu.memory_space<semaphore_mem>>)
      %dma_wait3A_80 = arith.constant 0 : i32
      %dma_wait3A_81 = tpu.memref_slice %arg14[%add3A_10, %dma_wait3A_80] : memref<10000x64xf32, #tpu.memory_space<vmem_shared>> -> memref<312x64xf32, #tpu.memory_space<vmem_shared>>
      %dma_wait3A_82 = arith.constant 0 : i32
      %dma_wait3A_83 = tpu.memref_slice %arg14[%add3A_10, %dma_wait3A_82] : memref<10000x64xf32, #tpu.memory_space<vmem_shared>> -> memref<312x64xf32, #tpu.memory_space<vmem_shared>>
      tpu.wait_dma2 semaphore(%run_scoped3A : memref<!tpu.dma_semaphore, #tpu.memory_space<semaphore_mem>>) src(%arg13 : memref<312x64xf32, #tpu.memory_space<vmem>>) dst(%dma_wait3A_83 : memref<312x64xf32, #tpu.memory_space<vmem_shared>>)
      tpu.yield
    }) : () -> ()
    %eq3A = arith.constant 15 : i32
    %eq3A_11 = arith.cmpi eq, %arg1, %eq3A : i32
    %convert_element_type3A = arith.extui %eq3A_11 : i1 to i32
    %cond3A = arith.constant 0 : i32
    %cond3A_12 = arith.cmpi ne, %convert_element_type3A, %cond3A : i32
    scf.if %cond3A_12 {
      "tpu.region"() ({
        %run_scoped3A = tpu.sem_alloc : memref<!tpu.dma_semaphore, #tpu.memory_space<semaphore_mem>>
        %dma_start3A_76 = arith.constant 0 : i32
        %dma_start3A_77 = arith.constant 0 : i32
        %dma_start3A_78 = tpu.memref_slice %arg13[%dma_start3A_76, %dma_start3A_77] : memref<312x64xf32, #tpu.memory_space<vmem>> -> memref<16x64xf32, #tpu.memory_space<vmem>>
        %dma_start3A_79 = arith.constant 9984 : i32
        %dma_start3A_80 = arith.constant 0 : i32
        %dma_start3A_81 = tpu.memref_slice %arg14[%dma_start3A_79, %dma_start3A_80] : memref<10000x64xf32, #tpu.memory_space<vmem_shared>> -> memref<16x64xf32, #tpu.memory_space<vmem_shared>>
        %dma_start3A_82 = arith.constant 9984 : i32
        %dma_start3A_83 = arith.constant 0 : i32
        %dma_start3A_84 = tpu.memref_slice %arg14[%dma_start3A_82, %dma_start3A_83] : memref<10000x64xf32, #tpu.memory_space<vmem_shared>> -> memref<16x64xf32, #tpu.memory_space<vmem_shared>>
        %dma_start3A_85 = arith.constant 0 : i32
        %dma_start3A_86 = arith.constant 0 : i32
        %dma_start3A_87 = tpu.memref_slice %arg13[%dma_start3A_85, %dma_start3A_86] : memref<312x64xf32, #tpu.memory_space<vmem>> -> memref<16x64xf32, #tpu.memory_space<vmem>>
        tpu.enqueue_dma source(%dma_start3A_87 : memref<16x64xf32, #tpu.memory_space<vmem>>) target(%dma_start3A_84 : memref<16x64xf32, #tpu.memory_space<vmem_shared>>) target_semaphore(%run_scoped3A : memref<!tpu.dma_semaphore, #tpu.memory_space<semaphore_mem>>)
        %dma_wait3A_88 = arith.constant 0 : i32
        %dma_wait3A_89 = arith.constant 0 : i32
        %dma_wait3A_90 = tpu.memref_slice %arg13[%dma_wait3A_88, %dma_wait3A_89] : memref<312x64xf32, #tpu.memory_space<vmem>> -> memref<16x64xf32, #tpu.memory_space<vmem>>
        %dma_wait3A_91 = arith.constant 9984 : i32
        %dma_wait3A_92 = arith.constant 0 : i32
        %dma_wait3A_93 = tpu.memref_slice %arg14[%dma_wait3A_91, %dma_wait3A_92] : memref<10000x64xf32, #tpu.memory_space<vmem_shared>> -> memref<16x64xf32, #tpu.memory_space<vmem_shared>>
        %dma_wait3A_94 = arith.constant 9984 : i32
        %dma_wait3A_95 = arith.constant 0 : i32
        %dma_wait3A_96 = tpu.memref_slice %arg14[%dma_wait3A_94, %dma_wait3A_95] : memref<10000x64xf32, #tpu.memory_space<vmem_shared>> -> memref<16x64xf32, #tpu.memory_space<vmem_shared>>
        %dma_wait3A_97 = arith.constant 0 : i32
        %dma_wait3A_98 = arith.constant 0 : i32
        %dma_wait3A_99 = tpu.memref_slice %arg13[%dma_wait3A_97, %dma_wait3A_98] : memref<312x64xf32, #tpu.memory_space<vmem>> -> memref<16x64xf32, #tpu.memory_space<vmem>>
        tpu.wait_dma2 semaphore(%run_scoped3A : memref<!tpu.dma_semaphore, #tpu.memory_space<semaphore_mem>>) src(%dma_wait3A_99 : memref<16x64xf32, #tpu.memory_space<vmem>>) dst(%dma_wait3A_96 : memref<16x64xf32, #tpu.memory_space<vmem_shared>>)
        tpu.yield
      }) : () -> ()
    } else {
    }
    %barrier3A = arith.constant 0 : index
    tpu.barrier barrier_id(%barrier3A)
    %dma_start3A = arith.constant 0 : i32
    %dma_start3A_13 = arith.constant 0 : i32
    %dma_start3A_14 = tpu.memref_slice %arg7[%dma_start3A, %dma_start3A_13] : memref<80x125xi32, #tpu.memory_space<vmem>> -> memref<1x125xi32, #tpu.memory_space<vmem>>
    %dma_start3A_15 = tpu.memref_squeeze %dma_start3A_14 : memref<1x125xi32, #tpu.memory_space<vmem>> -> memref<125xi32, #tpu.memory_space<vmem>>
    %dma_start3A_16 = arith.constant 0 : i32
    %dma_start3A_17 = arith.constant 0 : i32
    %dma_start3A_18 = tpu.memref_slice %arg2[%dma_start3A_16, %dma_start3A_17] : memref<10000x64xf32, #tpu.memory_space<hbm>> -> memref<10000x64xf32, #tpu.memory_space<hbm>>
    tpu.enqueue_indirect_dma source(%dma_start3A_18 : memref<10000x64xf32, #tpu.memory_space<hbm>>) target(%arg9 : memref<125x64xf32, #tpu.memory_space<vmem>>) offsets(%dma_start3A_15 : memref<125xi32, #tpu.memory_space<vmem>>) semaphore(%arg15 : memref<!tpu.dma_semaphore, #tpu.memory_space<semaphore_mem>>)
    %dma_start3A_19 = arith.constant 1 : i32
    %dma_start3A_20 = arith.constant 0 : i32
    %dma_start3A_21 = tpu.memref_slice %arg7[%dma_start3A_19, %dma_start3A_20] : memref<80x125xi32, #tpu.memory_space<vmem>> -> memref<1x125xi32, #tpu.memory_space<vmem>>
    %dma_start3A_22 = tpu.memref_squeeze %dma_start3A_21 : memref<1x125xi32, #tpu.memory_space<vmem>> -> memref<125xi32, #tpu.memory_space<vmem>>
    %dma_start3A_23 = arith.constant 0 : i32
    %dma_start3A_24 = arith.constant 0 : i32
    %dma_start3A_25 = tpu.memref_slice %arg2[%dma_start3A_23, %dma_start3A_24] : memref<10000x64xf32, #tpu.memory_space<hbm>> -> memref<10000x64xf32, #tpu.memory_space<hbm>>
    tpu.enqueue_indirect_dma source(%dma_start3A_25 : memref<10000x64xf32, #tpu.memory_space<hbm>>) target(%arg10 : memref<125x64xf32, #tpu.memory_space<vmem>>) offsets(%dma_start3A_22 : memref<125xi32, #tpu.memory_space<vmem>>) semaphore(%arg16 : memref<!tpu.dma_semaphore, #tpu.memory_space<semaphore_mem>>)
    %scan3A = arith.constant 0 : i32
    %scan3A_26 = arith.constant 0 : i32
    %scan3A_27 = arith.constant 20 : i32
    %scan3A_28 = arith.addi %scan3A_26, %scan3A_27 : i32
    %scan3A_29 = arith.constant 1 : i32
    scf.for %scan3A_76 = %scan3A_26 to %scan3A_28 step %scan3A_29  : i32 {
      %mul3A_77 = arith.constant 4 : i32
      %mul3A_78 = arith.muli %mul3A_77, %scan3A_76 : i32
      %add3A_79 = arith.constant 0 : i32
      %add3A_80 = arith.addi %mul3A_78, %add3A_79 : i32
      %dma_wait3A_81 = arith.constant 0 : i32
      %dma_wait3A_82 = tpu.memref_slice %arg7[%add3A_80, %dma_wait3A_81] : memref<80x125xi32, #tpu.memory_space<vmem>> -> memref<1x125xi32, #tpu.memory_space<vmem>>
      %dma_wait3A_83 = tpu.memref_squeeze %dma_wait3A_82 : memref<1x125xi32, #tpu.memory_space<vmem>> -> memref<125xi32, #tpu.memory_space<vmem>>
      %dma_wait3A_84 = arith.constant 0 : i32
      %dma_wait3A_85 = arith.constant 0 : i32
      %dma_wait3A_86 = tpu.memref_slice %arg2[%dma_wait3A_84, %dma_wait3A_85] : memref<10000x64xf32, #tpu.memory_space<hbm>> -> memref<10000x64xf32, #tpu.memory_space<hbm>>
      tpu.wait_indirect_dma semaphore(%arg15 : memref<!tpu.dma_semaphore, #tpu.memory_space<semaphore_mem>>) src(%dma_wait3A_86 : memref<10000x64xf32, #tpu.memory_space<hbm>>) dst(%arg9 : memref<125x64xf32, #tpu.memory_space<vmem>>)
      %dma_start3A_87 = arith.constant 0 : i32
      %dma_start3A_88 = tpu.memref_slice %arg8[%add3A_80, %dma_start3A_87] : memref<80x125xi32, #tpu.memory_space<vmem>> -> memref<1x125xi32, #tpu.memory_space<vmem>>
      %dma_start3A_89 = tpu.memref_squeeze %dma_start3A_88 : memref<1x125xi32, #tpu.memory_space<vmem>> -> memref<125xi32, #tpu.memory_space<vmem>>
      %dma_start3A_90 = arith.constant 0 : i32
      %dma_start3A_91 = arith.constant 0 : i32
      %dma_start3A_92 = tpu.memref_slice %arg14[%dma_start3A_90, %dma_start3A_91] : memref<10000x64xf32, #tpu.memory_space<vmem_shared>> -> memref<10000x64xf32, #tpu.memory_space<vmem_shared>>
      tpu.enqueue_indirect_dma source(%arg9 : memref<125x64xf32, #tpu.memory_space<vmem>>) target(%dma_start3A_92 : memref<10000x64xf32, #tpu.memory_space<vmem_shared>>) offsets(%dma_start3A_89 : memref<125xi32, #tpu.memory_space<vmem>>) semaphore(%arg19 : memref<!tpu.dma_semaphore, #tpu.memory_space<semaphore_mem>>) {add = true}
      %add3A_93 = arith.constant 2 : i32
      %add3A_94 = arith.addi %add3A_80, %add3A_93 : i32
      %lt3A = arith.constant 80 : i32
      %lt3A_95 = arith.cmpi slt, %add3A_94, %lt3A : i32
      %convert_element_type3A_96 = arith.extui %lt3A_95 : i1 to i32
      %cond3A_97 = arith.constant 0 : i32
      %cond3A_98 = arith.cmpi ne, %convert_element_type3A_96, %cond3A_97 : i32
      scf.if %cond3A_98 {
        %ge3A = arith.constant 2 : i32
        %ge3A_168 = arith.cmpi sge, %add3A_80, %ge3A : i32
        %convert_element_type3A_169 = arith.extui %ge3A_168 : i1 to i32
        %cond3A_170 = arith.constant 0 : i32
        %cond3A_171 = arith.cmpi ne, %convert_element_type3A_169, %cond3A_170 : i32
        scf.if %cond3A_171 {
          %sub3A = arith.constant 2 : i32
          %sub3A_180 = arith.subi %add3A_80, %sub3A : i32
          %dma_wait3A_181 = arith.constant 0 : i32
          %dma_wait3A_182 = tpu.memref_slice %arg8[%sub3A_180, %dma_wait3A_181] : memref<80x125xi32, #tpu.memory_space<vmem>> -> memref<1x125xi32, #tpu.memory_space<vmem>>
          %dma_wait3A_183 = tpu.memref_squeeze %dma_wait3A_182 : memref<1x125xi32, #tpu.memory_space<vmem>> -> memref<125xi32, #tpu.memory_space<vmem>>
          %dma_wait3A_184 = arith.constant 0 : i32
          %dma_wait3A_185 = arith.constant 0 : i32
          %dma_wait3A_186 = tpu.memref_slice %arg14[%dma_wait3A_184, %dma_wait3A_185] : memref<10000x64xf32, #tpu.memory_space<vmem_shared>> -> memref<10000x64xf32, #tpu.memory_space<vmem_shared>>
          tpu.wait_indirect_dma semaphore(%arg21 : memref<!tpu.dma_semaphore, #tpu.memory_space<semaphore_mem>>) src(%arg11 : memref<125x64xf32, #tpu.memory_space<vmem>>) dst(%dma_wait3A_186 : memref<10000x64xf32, #tpu.memory_space<vmem_shared>>)
        } else {
        }
        %add3A_172 = arith.constant 2 : i32
        %add3A_173 = arith.addi %add3A_80, %add3A_172 : i32
        %dma_start3A_174 = arith.constant 0 : i32
        %dma_start3A_175 = tpu.memref_slice %arg7[%add3A_173, %dma_start3A_174] : memref<80x125xi32, #tpu.memory_space<vmem>> -> memref<1x125xi32, #tpu.memory_space<vmem>>
        %dma_start3A_176 = tpu.memref_squeeze %dma_start3A_175 : memref<1x125xi32, #tpu.memory_space<vmem>> -> memref<125xi32, #tpu.memory_space<vmem>>
        %dma_start3A_177 = arith.constant 0 : i32
        %dma_start3A_178 = arith.constant 0 : i32
        %dma_start3A_179 = tpu.memref_slice %arg2[%dma_start3A_177, %dma_start3A_178] : memref<10000x64xf32, #tpu.memory_space<hbm>> -> memref<10000x64xf32, #tpu.memory_space<hbm>>
        tpu.enqueue_indirect_dma source(%dma_start3A_179 : memref<10000x64xf32, #tpu.memory_space<hbm>>) target(%arg11 : memref<125x64xf32, #tpu.memory_space<vmem>>) offsets(%dma_start3A_176 : memref<125xi32, #tpu.memory_space<vmem>>) semaphore(%arg17 : memref<!tpu.dma_semaphore, #tpu.memory_space<semaphore_mem>>)
      } else {
      }
      %mul3A_99 = arith.constant 4 : i32
      %mul3A_100 = arith.muli %mul3A_99, %scan3A_76 : i32
      %add3A_101 = arith.constant 1 : i32
      %add3A_102 = arith.addi %mul3A_100, %add3A_101 : i32
      %dma_wait3A_103 = arith.constant 0 : i32
      %dma_wait3A_104 = tpu.memref_slice %arg7[%add3A_102, %dma_wait3A_103] : memref<80x125xi32, #tpu.memory_space<vmem>> -> memref<1x125xi32, #tpu.memory_space<vmem>>
      %dma_wait3A_105 = tpu.memref_squeeze %dma_wait3A_104 : memref<1x125xi32, #tpu.memory_space<vmem>> -> memref<125xi32, #tpu.memory_space<vmem>>
      %dma_wait3A_106 = arith.constant 0 : i32
      %dma_wait3A_107 = arith.constant 0 : i32
      %dma_wait3A_108 = tpu.memref_slice %arg2[%dma_wait3A_106, %dma_wait3A_107] : memref<10000x64xf32, #tpu.memory_space<hbm>> -> memref<10000x64xf32, #tpu.memory_space<hbm>>
      tpu.wait_indirect_dma semaphore(%arg16 : memref<!tpu.dma_semaphore, #tpu.memory_space<semaphore_mem>>) src(%dma_wait3A_108 : memref<10000x64xf32, #tpu.memory_space<hbm>>) dst(%arg10 : memref<125x64xf32, #tpu.memory_space<vmem>>)
      %dma_start3A_109 = arith.constant 0 : i32
      %dma_start3A_110 = tpu.memref_slice %arg8[%add3A_102, %dma_start3A_109] : memref<80x125xi32, #tpu.memory_space<vmem>> -> memref<1x125xi32, #tpu.memory_space<vmem>>
      %dma_start3A_111 = tpu.memref_squeeze %dma_start3A_110 : memref<1x125xi32, #tpu.memory_space<vmem>> -> memref<125xi32, #tpu.memory_space<vmem>>
      %dma_start3A_112 = arith.constant 0 : i32
      %dma_start3A_113 = arith.constant 0 : i32
      %dma_start3A_114 = tpu.memref_slice %arg14[%dma_start3A_112, %dma_start3A_113] : memref<10000x64xf32, #tpu.memory_space<vmem_shared>> -> memref<10000x64xf32, #tpu.memory_space<vmem_shared>>
      tpu.enqueue_indirect_dma source(%arg10 : memref<125x64xf32, #tpu.memory_space<vmem>>) target(%dma_start3A_114 : memref<10000x64xf32, #tpu.memory_space<vmem_shared>>) offsets(%dma_start3A_111 : memref<125xi32, #tpu.memory_space<vmem>>) semaphore(%arg20 : memref<!tpu.dma_semaphore, #tpu.memory_space<semaphore_mem>>) {add = true}
      %add3A_115 = arith.constant 2 : i32
      %add3A_116 = arith.addi %add3A_102, %add3A_115 : i32
      %lt3A_117 = arith.constant 80 : i32
      %lt3A_118 = arith.cmpi slt, %add3A_116, %lt3A_117 : i32
      %convert_element_type3A_119 = arith.extui %lt3A_118 : i1 to i32
      %cond3A_120 = arith.constant 0 : i32
      %cond3A_121 = arith.cmpi ne, %convert_element_type3A_119, %cond3A_120 : i32
      scf.if %cond3A_121 {
        %ge3A = arith.constant 2 : i32
        %ge3A_168 = arith.cmpi sge, %add3A_102, %ge3A : i32
        %convert_element_type3A_169 = arith.extui %ge3A_168 : i1 to i32
        %cond3A_170 = arith.constant 0 : i32
        %cond3A_171 = arith.cmpi ne, %convert_element_type3A_169, %cond3A_170 : i32
        scf.if %cond3A_171 {
          %sub3A = arith.constant 2 : i32
          %sub3A_180 = arith.subi %add3A_102, %sub3A : i32
          %dma_wait3A_181 = arith.constant 0 : i32
          %dma_wait3A_182 = tpu.memref_slice %arg8[%sub3A_180, %dma_wait3A_181] : memref<80x125xi32, #tpu.memory_space<vmem>> -> memref<1x125xi32, #tpu.memory_space<vmem>>
          %dma_wait3A_183 = tpu.memref_squeeze %dma_wait3A_182 : memref<1x125xi32, #tpu.memory_space<vmem>> -> memref<125xi32, #tpu.memory_space<vmem>>
          %dma_wait3A_184 = arith.constant 0 : i32
          %dma_wait3A_185 = arith.constant 0 : i32
          %dma_wait3A_186 = tpu.memref_slice %arg14[%dma_wait3A_184, %dma_wait3A_185] : memref<10000x64xf32, #tpu.memory_space<vmem_shared>> -> memref<10000x64xf32, #tpu.memory_space<vmem_shared>>
          tpu.wait_indirect_dma semaphore(%arg22 : memref<!tpu.dma_semaphore, #tpu.memory_space<semaphore_mem>>) src(%arg12 : memref<125x64xf32, #tpu.memory_space<vmem>>) dst(%dma_wait3A_186 : memref<10000x64xf32, #tpu.memory_space<vmem_shared>>)
        } else {
        }
        %add3A_172 = arith.constant 2 : i32
        %add3A_173 = arith.addi %add3A_102, %add3A_172 : i32
        %dma_start3A_174 = arith.constant 0 : i32
        %dma_start3A_175 = tpu.memref_slice %arg7[%add3A_173, %dma_start3A_174] : memref<80x125xi32, #tpu.memory_space<vmem>> -> memref<1x125xi32, #tpu.memory_space<vmem>>
        %dma_start3A_176 = tpu.memref_squeeze %dma_start3A_175 : memref<1x125xi32, #tpu.memory_space<vmem>> -> memref<125xi32, #tpu.memory_space<vmem>>
        %dma_start3A_177 = arith.constant 0 : i32
        %dma_start3A_178 = arith.constant 0 : i32
        %dma_start3A_179 = tpu.memref_slice %arg2[%dma_start3A_177, %dma_start3A_178] : memref<10000x64xf32, #tpu.memory_space<hbm>> -> memref<10000x64xf32, #tpu.memory_space<hbm>>
        tpu.enqueue_indirect_dma source(%dma_start3A_179 : memref<10000x64xf32, #tpu.memory_space<hbm>>) target(%arg12 : memref<125x64xf32, #tpu.memory_space<vmem>>) offsets(%dma_start3A_176 : memref<125xi32, #tpu.memory_space<vmem>>) semaphore(%arg18 : memref<!tpu.dma_semaphore, #tpu.memory_space<semaphore_mem>>)
      } else {
      }
      %mul3A_122 = arith.constant 4 : i32
      %mul3A_123 = arith.muli %mul3A_122, %scan3A_76 : i32
      %add3A_124 = arith.constant 2 : i32
      %add3A_125 = arith.addi %mul3A_123, %add3A_124 : i32
      %dma_wait3A_126 = arith.constant 0 : i32
      %dma_wait3A_127 = tpu.memref_slice %arg7[%add3A_125, %dma_wait3A_126] : memref<80x125xi32, #tpu.memory_space<vmem>> -> memref<1x125xi32, #tpu.memory_space<vmem>>
      %dma_wait3A_128 = tpu.memref_squeeze %dma_wait3A_127 : memref<1x125xi32, #tpu.memory_space<vmem>> -> memref<125xi32, #tpu.memory_space<vmem>>
      %dma_wait3A_129 = arith.constant 0 : i32
      %dma_wait3A_130 = arith.constant 0 : i32
      %dma_wait3A_131 = tpu.memref_slice %arg2[%dma_wait3A_129, %dma_wait3A_130] : memref<10000x64xf32, #tpu.memory_space<hbm>> -> memref<10000x64xf32, #tpu.memory_space<hbm>>
      tpu.wait_indirect_dma semaphore(%arg17 : memref<!tpu.dma_semaphore, #tpu.memory_space<semaphore_mem>>) src(%dma_wait3A_131 : memref<10000x64xf32, #tpu.memory_space<hbm>>) dst(%arg11 : memref<125x64xf32, #tpu.memory_space<vmem>>)
      %dma_start3A_132 = arith.constant 0 : i32
      %dma_start3A_133 = tpu.memref_slice %arg8[%add3A_125, %dma_start3A_132] : memref<80x125xi32, #tpu.memory_space<vmem>> -> memref<1x125xi32, #tpu.memory_space<vmem>>
      %dma_start3A_134 = tpu.memref_squeeze %dma_start3A_133 : memref<1x125xi32, #tpu.memory_space<vmem>> -> memref<125xi32, #tpu.memory_space<vmem>>
      %dma_start3A_135 = arith.constant 0 : i32
      %dma_start3A_136 = arith.constant 0 : i32
      %dma_start3A_137 = tpu.memref_slice %arg14[%dma_start3A_135, %dma_start3A_136] : memref<10000x64xf32, #tpu.memory_space<vmem_shared>> -> memref<10000x64xf32, #tpu.memory_space<vmem_shared>>
      tpu.enqueue_indirect_dma source(%arg11 : memref<125x64xf32, #tpu.memory_space<vmem>>) target(%dma_start3A_137 : memref<10000x64xf32, #tpu.memory_space<vmem_shared>>) offsets(%dma_start3A_134 : memref<125xi32, #tpu.memory_space<vmem>>) semaphore(%arg21 : memref<!tpu.dma_semaphore, #tpu.memory_space<semaphore_mem>>) {add = true}
      %add3A_138 = arith.constant 2 : i32
      %add3A_139 = arith.addi %add3A_125, %add3A_138 : i32
      %lt3A_140 = arith.constant 80 : i32
      %lt3A_141 = arith.cmpi slt, %add3A_139, %lt3A_140 : i32
      %convert_element_type3A_142 = arith.extui %lt3A_141 : i1 to i32
      %cond3A_143 = arith.constant 0 : i32
      %cond3A_144 = arith.cmpi ne, %convert_element_type3A_142, %cond3A_143 : i32
      scf.if %cond3A_144 {
        %ge3A = arith.constant 2 : i32
        %ge3A_168 = arith.cmpi sge, %add3A_125, %ge3A : i32
        %convert_element_type3A_169 = arith.extui %ge3A_168 : i1 to i32
        %cond3A_170 = arith.constant 0 : i32
        %cond3A_171 = arith.cmpi ne, %convert_element_type3A_169, %cond3A_170 : i32
        scf.if %cond3A_171 {
          %sub3A = arith.constant 2 : i32
          %sub3A_180 = arith.subi %add3A_125, %sub3A : i32
          %dma_wait3A_181 = arith.constant 0 : i32
          %dma_wait3A_182 = tpu.memref_slice %arg8[%sub3A_180, %dma_wait3A_181] : memref<80x125xi32, #tpu.memory_space<vmem>> -> memref<1x125xi32, #tpu.memory_space<vmem>>
          %dma_wait3A_183 = tpu.memref_squeeze %dma_wait3A_182 : memref<1x125xi32, #tpu.memory_space<vmem>> -> memref<125xi32, #tpu.memory_space<vmem>>
          %dma_wait3A_184 = arith.constant 0 : i32
          %dma_wait3A_185 = arith.constant 0 : i32
          %dma_wait3A_186 = tpu.memref_slice %arg14[%dma_wait3A_184, %dma_wait3A_185] : memref<10000x64xf32, #tpu.memory_space<vmem_shared>> -> memref<10000x64xf32, #tpu.memory_space<vmem_shared>>
          tpu.wait_indirect_dma semaphore(%arg19 : memref<!tpu.dma_semaphore, #tpu.memory_space<semaphore_mem>>) src(%arg9 : memref<125x64xf32, #tpu.memory_space<vmem>>) dst(%dma_wait3A_186 : memref<10000x64xf32, #tpu.memory_space<vmem_shared>>)
        } else {
        }
        %add3A_172 = arith.constant 2 : i32
        %add3A_173 = arith.addi %add3A_125, %add3A_172 : i32
        %dma_start3A_174 = arith.constant 0 : i32
        %dma_start3A_175 = tpu.memref_slice %arg7[%add3A_173, %dma_start3A_174] : memref<80x125xi32, #tpu.memory_space<vmem>> -> memref<1x125xi32, #tpu.memory_space<vmem>>
        %dma_start3A_176 = tpu.memref_squeeze %dma_start3A_175 : memref<1x125xi32, #tpu.memory_space<vmem>> -> memref<125xi32, #tpu.memory_space<vmem>>
        %dma_start3A_177 = arith.constant 0 : i32
        %dma_start3A_178 = arith.constant 0 : i32
        %dma_start3A_179 = tpu.memref_slice %arg2[%dma_start3A_177, %dma_start3A_178] : memref<10000x64xf32, #tpu.memory_space<hbm>> -> memref<10000x64xf32, #tpu.memory_space<hbm>>
        tpu.enqueue_indirect_dma source(%dma_start3A_179 : memref<10000x64xf32, #tpu.memory_space<hbm>>) target(%arg9 : memref<125x64xf32, #tpu.memory_space<vmem>>) offsets(%dma_start3A_176 : memref<125xi32, #tpu.memory_space<vmem>>) semaphore(%arg15 : memref<!tpu.dma_semaphore, #tpu.memory_space<semaphore_mem>>)
      } else {
      }
      %mul3A_145 = arith.constant 4 : i32
      %mul3A_146 = arith.muli %mul3A_145, %scan3A_76 : i32
      %add3A_147 = arith.constant 3 : i32
      %add3A_148 = arith.addi %mul3A_146, %add3A_147 : i32
      %dma_wait3A_149 = arith.constant 0 : i32
      %dma_wait3A_150 = tpu.memref_slice %arg7[%add3A_148, %dma_wait3A_149] : memref<80x125xi32, #tpu.memory_space<vmem>> -> memref<1x125xi32, #tpu.memory_space<vmem>>
      %dma_wait3A_151 = tpu.memref_squeeze %dma_wait3A_150 : memref<1x125xi32, #tpu.memory_space<vmem>> -> memref<125xi32, #tpu.memory_space<vmem>>
      %dma_wait3A_152 = arith.constant 0 : i32
      %dma_wait3A_153 = arith.constant 0 : i32
      %dma_wait3A_154 = tpu.memref_slice %arg2[%dma_wait3A_152, %dma_wait3A_153] : memref<10000x64xf32, #tpu.memory_space<hbm>> -> memref<10000x64xf32, #tpu.memory_space<hbm>>
      tpu.wait_indirect_dma semaphore(%arg18 : memref<!tpu.dma_semaphore, #tpu.memory_space<semaphore_mem>>) src(%dma_wait3A_154 : memref<10000x64xf32, #tpu.memory_space<hbm>>) dst(%arg12 : memref<125x64xf32, #tpu.memory_space<vmem>>)
      %dma_start3A_155 = arith.constant 0 : i32
      %dma_start3A_156 = tpu.memref_slice %arg8[%add3A_148, %dma_start3A_155] : memref<80x125xi32, #tpu.memory_space<vmem>> -> memref<1x125xi32, #tpu.memory_space<vmem>>
      %dma_start3A_157 = tpu.memref_squeeze %dma_start3A_156 : memref<1x125xi32, #tpu.memory_space<vmem>> -> memref<125xi32, #tpu.memory_space<vmem>>
      %dma_start3A_158 = arith.constant 0 : i32
      %dma_start3A_159 = arith.constant 0 : i32
      %dma_start3A_160 = tpu.memref_slice %arg14[%dma_start3A_158, %dma_start3A_159] : memref<10000x64xf32, #tpu.memory_space<vmem_shared>> -> memref<10000x64xf32, #tpu.memory_space<vmem_shared>>
      tpu.enqueue_indirect_dma source(%arg12 : memref<125x64xf32, #tpu.memory_space<vmem>>) target(%dma_start3A_160 : memref<10000x64xf32, #tpu.memory_space<vmem_shared>>) offsets(%dma_start3A_157 : memref<125xi32, #tpu.memory_space<vmem>>) semaphore(%arg22 : memref<!tpu.dma_semaphore, #tpu.memory_space<semaphore_mem>>) {add = true}
      %add3A_161 = arith.constant 2 : i32
      %add3A_162 = arith.addi %add3A_148, %add3A_161 : i32
      %lt3A_163 = arith.constant 80 : i32
      %lt3A_164 = arith.cmpi slt, %add3A_162, %lt3A_163 : i32
      %convert_element_type3A_165 = arith.extui %lt3A_164 : i1 to i32
      %cond3A_166 = arith.constant 0 : i32
      %cond3A_167 = arith.cmpi ne, %convert_element_type3A_165, %cond3A_166 : i32
      scf.if %cond3A_167 {
        %ge3A = arith.constant 2 : i32
        %ge3A_168 = arith.cmpi sge, %add3A_148, %ge3A : i32
        %convert_element_type3A_169 = arith.extui %ge3A_168 : i1 to i32
        %cond3A_170 = arith.constant 0 : i32
        %cond3A_171 = arith.cmpi ne, %convert_element_type3A_169, %cond3A_170 : i32
        scf.if %cond3A_171 {
          %sub3A = arith.constant 2 : i32
          %sub3A_180 = arith.subi %add3A_148, %sub3A : i32
          %dma_wait3A_181 = arith.constant 0 : i32
          %dma_wait3A_182 = tpu.memref_slice %arg8[%sub3A_180, %dma_wait3A_181] : memref<80x125xi32, #tpu.memory_space<vmem>> -> memref<1x125xi32, #tpu.memory_space<vmem>>
          %dma_wait3A_183 = tpu.memref_squeeze %dma_wait3A_182 : memref<1x125xi32, #tpu.memory_space<vmem>> -> memref<125xi32, #tpu.memory_space<vmem>>
          %dma_wait3A_184 = arith.constant 0 : i32
          %dma_wait3A_185 = arith.constant 0 : i32
          %dma_wait3A_186 = tpu.memref_slice %arg14[%dma_wait3A_184, %dma_wait3A_185] : memref<10000x64xf32, #tpu.memory_space<vmem_shared>> -> memref<10000x64xf32, #tpu.memory_space<vmem_shared>>
          tpu.wait_indirect_dma semaphore(%arg20 : memref<!tpu.dma_semaphore, #tpu.memory_space<semaphore_mem>>) src(%arg10 : memref<125x64xf32, #tpu.memory_space<vmem>>) dst(%dma_wait3A_186 : memref<10000x64xf32, #tpu.memory_space<vmem_shared>>)
        } else {
        }
        %add3A_172 = arith.constant 2 : i32
        %add3A_173 = arith.addi %add3A_148, %add3A_172 : i32
        %dma_start3A_174 = arith.constant 0 : i32
        %dma_start3A_175 = tpu.memref_slice %arg7[%add3A_173, %dma_start3A_174] : memref<80x125xi32, #tpu.memory_space<vmem>> -> memref<1x125xi32, #tpu.memory_space<vmem>>
        %dma_start3A_176 = tpu.memref_squeeze %dma_start3A_175 : memref<1x125xi32, #tpu.memory_space<vmem>> -> memref<125xi32, #tpu.memory_space<vmem>>
        %dma_start3A_177 = arith.constant 0 : i32
        %dma_start3A_178 = arith.constant 0 : i32
        %dma_start3A_179 = tpu.memref_slice %arg2[%dma_start3A_177, %dma_start3A_178] : memref<10000x64xf32, #tpu.memory_space<hbm>> -> memref<10000x64xf32, #tpu.memory_space<hbm>>
        tpu.enqueue_indirect_dma source(%dma_start3A_179 : memref<10000x64xf32, #tpu.memory_space<hbm>>) target(%arg10 : memref<125x64xf32, #tpu.memory_space<vmem>>) offsets(%dma_start3A_176 : memref<125xi32, #tpu.memory_space<vmem>>) semaphore(%arg16 : memref<!tpu.dma_semaphore, #tpu.memory_space<semaphore_mem>>)
      } else {
      }
    }
    %scan3A_30 = arith.constant 20 : i32
    %dma_wait3A = arith.constant 76 : i32
    %dma_wait3A_31 = arith.constant 0 : i32
    %dma_wait3A_32 = tpu.memref_slice %arg8[%dma_wait3A, %dma_wait3A_31] : memref<80x125xi32, #tpu.memory_space<vmem>> -> memref<1x125xi32, #tpu.memory_space<vmem>>
    %dma_wait3A_33 = tpu.memref_squeeze %dma_wait3A_32 : memref<1x125xi32, #tpu.memory_space<vmem>> -> memref<125xi32, #tpu.memory_space<vmem>>
    %dma_wait3A_34 = arith.constant 0 : i32
    %dma_wait3A_35 = arith.constant 0 : i32
    %dma_wait3A_36 = tpu.memref_slice %arg14[%dma_wait3A_34, %dma_wait3A_35] : memref<10000x64xf32, #tpu.memory_space<vmem_shared>> -> memref<10000x64xf32, #tpu.memory_space<vmem_shared>>
    tpu.wait_indirect_dma semaphore(%arg19 : memref<!tpu.dma_semaphore, #tpu.memory_space<semaphore_mem>>) src(%arg9 : memref<125x64xf32, #tpu.memory_space<vmem>>) dst(%dma_wait3A_36 : memref<10000x64xf32, #tpu.memory_space<vmem_shared>>)
    %dma_wait3A_37 = arith.constant 77 : i32
    %dma_wait3A_38 = arith.constant 0 : i32
    %dma_wait3A_39 = tpu.memref_slice %arg8[%dma_wait3A_37, %dma_wait3A_38] : memref<80x125xi32, #tpu.memory_space<vmem>> -> memref<1x125xi32, #tpu.memory_space<vmem>>
    %dma_wait3A_40 = tpu.memref_squeeze %dma_wait3A_39 : memref<1x125xi32, #tpu.memory_space<vmem>> -> memref<125xi32, #tpu.memory_space<vmem>>
    %dma_wait3A_41 = arith.constant 0 : i32
    %dma_wait3A_42 = arith.constant 0 : i32
    %dma_wait3A_43 = tpu.memref_slice %arg14[%dma_wait3A_41, %dma_wait3A_42] : memref<10000x64xf32, #tpu.memory_space<vmem_shared>> -> memref<10000x64xf32, #tpu.memory_space<vmem_shared>>
    tpu.wait_indirect_dma semaphore(%arg20 : memref<!tpu.dma_semaphore, #tpu.memory_space<semaphore_mem>>) src(%arg10 : memref<125x64xf32, #tpu.memory_space<vmem>>) dst(%dma_wait3A_43 : memref<10000x64xf32, #tpu.memory_space<vmem_shared>>)
    %dma_wait3A_44 = arith.constant 78 : i32
    %dma_wait3A_45 = arith.constant 0 : i32
    %dma_wait3A_46 = tpu.memref_slice %arg8[%dma_wait3A_44, %dma_wait3A_45] : memref<80x125xi32, #tpu.memory_space<vmem>> -> memref<1x125xi32, #tpu.memory_space<vmem>>
    %dma_wait3A_47 = tpu.memref_squeeze %dma_wait3A_46 : memref<1x125xi32, #tpu.memory_space<vmem>> -> memref<125xi32, #tpu.memory_space<vmem>>
    %dma_wait3A_48 = arith.constant 0 : i32
    %dma_wait3A_49 = arith.constant 0 : i32
    %dma_wait3A_50 = tpu.memref_slice %arg14[%dma_wait3A_48, %dma_wait3A_49] : memref<10000x64xf32, #tpu.memory_space<vmem_shared>> -> memref<10000x64xf32, #tpu.memory_space<vmem_shared>>
    tpu.wait_indirect_dma semaphore(%arg21 : memref<!tpu.dma_semaphore, #tpu.memory_space<semaphore_mem>>) src(%arg11 : memref<125x64xf32, #tpu.memory_space<vmem>>) dst(%dma_wait3A_50 : memref<10000x64xf32, #tpu.memory_space<vmem_shared>>)
    %dma_wait3A_51 = arith.constant 79 : i32
    %dma_wait3A_52 = arith.constant 0 : i32
    %dma_wait3A_53 = tpu.memref_slice %arg8[%dma_wait3A_51, %dma_wait3A_52] : memref<80x125xi32, #tpu.memory_space<vmem>> -> memref<1x125xi32, #tpu.memory_space<vmem>>
    %dma_wait3A_54 = tpu.memref_squeeze %dma_wait3A_53 : memref<1x125xi32, #tpu.memory_space<vmem>> -> memref<125xi32, #tpu.memory_space<vmem>>
    %dma_wait3A_55 = arith.constant 0 : i32
    %dma_wait3A_56 = arith.constant 0 : i32
    %dma_wait3A_57 = tpu.memref_slice %arg14[%dma_wait3A_55, %dma_wait3A_56] : memref<10000x64xf32, #tpu.memory_space<vmem_shared>> -> memref<10000x64xf32, #tpu.memory_space<vmem_shared>>
    tpu.wait_indirect_dma semaphore(%arg22 : memref<!tpu.dma_semaphore, #tpu.memory_space<semaphore_mem>>) src(%arg12 : memref<125x64xf32, #tpu.memory_space<vmem>>) dst(%dma_wait3A_57 : memref<10000x64xf32, #tpu.memory_space<vmem_shared>>)
    %barrier3A_58 = arith.constant 0 : index
    tpu.barrier barrier_id(%barrier3A_58)
    %mul3A_59 = arith.constant 624 : i32
    %mul3A_60 = arith.muli %arg1, %mul3A_59 : i32
    "tpu.region"() ({
      %run_scoped3A = tpu.sem_alloc : memref<!tpu.dma_semaphore, #tpu.memory_space<semaphore_mem>>
      %dma_start3A_76 = arith.constant 0 : i32
      %dma_start3A_77 = tpu.memref_slice %arg14[%mul3A_60, %dma_start3A_76] : memref<10000x64xf32, #tpu.memory_space<vmem_shared>> -> memref<312x64xf32, #tpu.memory_space<vmem_shared>>
      %dma_start3A_78 = arith.constant 0 : i32
      %dma_start3A_79 = tpu.memref_slice %arg14[%mul3A_60, %dma_start3A_78] : memref<10000x64xf32, #tpu.memory_space<vmem_shared>> -> memref<312x64xf32, #tpu.memory_space<vmem_shared>>
      tpu.enqueue_dma source(%dma_start3A_79 : memref<312x64xf32, #tpu.memory_space<vmem_shared>>) target(%arg13 : memref<312x64xf32, #tpu.memory_space<vmem>>) target_semaphore(%run_scoped3A : memref<!tpu.dma_semaphore, #tpu.memory_space<semaphore_mem>>)
      %dma_wait3A_80 = arith.constant 0 : i32
      %dma_wait3A_81 = tpu.memref_slice %arg14[%mul3A_60, %dma_wait3A_80] : memref<10000x64xf32, #tpu.memory_space<vmem_shared>> -> memref<312x64xf32, #tpu.memory_space<vmem_shared>>
      %dma_wait3A_82 = arith.constant 0 : i32
      %dma_wait3A_83 = tpu.memref_slice %arg14[%mul3A_60, %dma_wait3A_82] : memref<10000x64xf32, #tpu.memory_space<vmem_shared>> -> memref<312x64xf32, #tpu.memory_space<vmem_shared>>
      tpu.wait_dma2 semaphore(%run_scoped3A : memref<!tpu.dma_semaphore, #tpu.memory_space<semaphore_mem>>) src(%dma_wait3A_83 : memref<312x64xf32, #tpu.memory_space<vmem_shared>>) dst(%arg13 : memref<312x64xf32, #tpu.memory_space<vmem>>)
      tpu.yield
    }) : () -> ()
    %mul3A_61 = arith.constant 624 : i32
    %mul3A_62 = arith.muli %arg1, %mul3A_61 : i32
    "tpu.region"() ({
      %run_scoped3A = tpu.sem_alloc : memref<!tpu.dma_semaphore, #tpu.memory_space<semaphore_mem>>
      %dma_start3A_76 = arith.constant 0 : i32
      %dma_start3A_77 = tpu.memref_slice %arg6[%arg0, %mul3A_62, %dma_start3A_76] : memref<2x10000x64xf32, #tpu.memory_space<hbm>> -> memref<1x312x64xf32, #tpu.memory_space<hbm>>
      %dma_start3A_78 = tpu.memref_squeeze %dma_start3A_77 : memref<1x312x64xf32, #tpu.memory_space<hbm>> -> memref<312x64xf32, #tpu.memory_space<hbm>>
      %dma_start3A_79 = arith.constant 0 : i32
      %dma_start3A_80 = tpu.memref_slice %arg6[%arg0, %mul3A_62, %dma_start3A_79] : memref<2x10000x64xf32, #tpu.memory_space<hbm>> -> memref<1x312x64xf32, #tpu.memory_space<hbm>>
      %dma_start3A_81 = tpu.memref_squeeze %dma_start3A_80 : memref<1x312x64xf32, #tpu.memory_space<hbm>> -> memref<312x64xf32, #tpu.memory_space<hbm>>
      tpu.enqueue_dma source(%arg13 : memref<312x64xf32, #tpu.memory_space<vmem>>) target(%dma_start3A_81 : memref<312x64xf32, #tpu.memory_space<hbm>>) target_semaphore(%run_scoped3A : memref<!tpu.dma_semaphore, #tpu.memory_space<semaphore_mem>>)
      %dma_wait3A_82 = arith.constant 0 : i32
      %dma_wait3A_83 = tpu.memref_slice %arg6[%arg0, %mul3A_62, %dma_wait3A_82] : memref<2x10000x64xf32, #tpu.memory_space<hbm>> -> memref<1x312x64xf32, #tpu.memory_space<hbm>>
      %dma_wait3A_84 = tpu.memref_squeeze %dma_wait3A_83 : memref<1x312x64xf32, #tpu.memory_space<hbm>> -> memref<312x64xf32, #tpu.memory_space<hbm>>
      %dma_wait3A_85 = arith.constant 0 : i32
      %dma_wait3A_86 = tpu.memref_slice %arg6[%arg0, %mul3A_62, %dma_wait3A_85] : memref<2x10000x64xf32, #tpu.memory_space<hbm>> -> memref<1x312x64xf32, #tpu.memory_space<hbm>>
      %dma_wait3A_87 = tpu.memref_squeeze %dma_wait3A_86 : memref<1x312x64xf32, #tpu.memory_space<hbm>> -> memref<312x64xf32, #tpu.memory_space<hbm>>
      tpu.wait_dma2 semaphore(%run_scoped3A : memref<!tpu.dma_semaphore, #tpu.memory_space<semaphore_mem>>) src(%arg13 : memref<312x64xf32, #tpu.memory_space<vmem>>) dst(%dma_wait3A_87 : memref<312x64xf32, #tpu.memory_space<hbm>>)
      tpu.yield
    }) : () -> ()
    %mul3A_63 = arith.constant 624 : i32
    %mul3A_64 = arith.muli %arg1, %mul3A_63 : i32
    %add3A_65 = arith.constant 312 : i32
    %add3A_66 = arith.addi %mul3A_64, %add3A_65 : i32
    "tpu.region"() ({
      %run_scoped3A = tpu.sem_alloc : memref<!tpu.dma_semaphore, #tpu.memory_space<semaphore_mem>>
      %dma_start3A_76 = arith.constant 0 : i32
      %dma_start3A_77 = tpu.memref_slice %arg14[%add3A_66, %dma_start3A_76] : memref<10000x64xf32, #tpu.memory_space<vmem_shared>> -> memref<312x64xf32, #tpu.memory_space<vmem_shared>>
      %dma_start3A_78 = arith.constant 0 : i32
      %dma_start3A_79 = tpu.memref_slice %arg14[%add3A_66, %dma_start3A_78] : memref<10000x64xf32, #tpu.memory_space<vmem_shared>> -> memref<312x64xf32, #tpu.memory_space<vmem_shared>>
      tpu.enqueue_dma source(%dma_start3A_79 : memref<312x64xf32, #tpu.memory_space<vmem_shared>>) target(%arg13 : memref<312x64xf32, #tpu.memory_space<vmem>>) target_semaphore(%run_scoped3A : memref<!tpu.dma_semaphore, #tpu.memory_space<semaphore_mem>>)
      %dma_wait3A_80 = arith.constant 0 : i32
      %dma_wait3A_81 = tpu.memref_slice %arg14[%add3A_66, %dma_wait3A_80] : memref<10000x64xf32, #tpu.memory_space<vmem_shared>> -> memref<312x64xf32, #tpu.memory_space<vmem_shared>>
      %dma_wait3A_82 = arith.constant 0 : i32
      %dma_wait3A_83 = tpu.memref_slice %arg14[%add3A_66, %dma_wait3A_82] : memref<10000x64xf32, #tpu.memory_space<vmem_shared>> -> memref<312x64xf32, #tpu.memory_space<vmem_shared>>
      tpu.wait_dma2 semaphore(%run_scoped3A : memref<!tpu.dma_semaphore, #tpu.memory_space<semaphore_mem>>) src(%dma_wait3A_83 : memref<312x64xf32, #tpu.memory_space<vmem_shared>>) dst(%arg13 : memref<312x64xf32, #tpu.memory_space<vmem>>)
      tpu.yield
    }) : () -> ()
    %mul3A_67 = arith.constant 624 : i32
    %mul3A_68 = arith.muli %arg1, %mul3A_67 : i32
    %add3A_69 = arith.constant 312 : i32
    %add3A_70 = arith.addi %mul3A_68, %add3A_69 : i32
    "tpu.region"() ({
      %run_scoped3A = tpu.sem_alloc : memref<!tpu.dma_semaphore, #tpu.memory_space<semaphore_mem>>
      %dma_start3A_76 = arith.constant 0 : i32
      %dma_start3A_77 = tpu.memref_slice %arg6[%arg0, %add3A_70, %dma_start3A_76] : memref<2x10000x64xf32, #tpu.memory_space<hbm>> -> memref<1x312x64xf32, #tpu.memory_space<hbm>>
      %dma_start3A_78 = tpu.memref_squeeze %dma_start3A_77 : memref<1x312x64xf32, #tpu.memory_space<hbm>> -> memref<312x64xf32, #tpu.memory_space<hbm>>
      %dma_start3A_79 = arith.constant 0 : i32
      %dma_start3A_80 = tpu.memref_slice %arg6[%arg0, %add3A_70, %dma_start3A_79] : memref<2x10000x64xf32, #tpu.memory_space<hbm>> -> memref<1x312x64xf32, #tpu.memory_space<hbm>>
      %dma_start3A_81 = tpu.memref_squeeze %dma_start3A_80 : memref<1x312x64xf32, #tpu.memory_space<hbm>> -> memref<312x64xf32, #tpu.memory_space<hbm>>
      tpu.enqueue_dma source(%arg13 : memref<312x64xf32, #tpu.memory_space<vmem>>) target(%dma_start3A_81 : memref<312x64xf32, #tpu.memory_space<hbm>>) target_semaphore(%run_scoped3A : memref<!tpu.dma_semaphore, #tpu.memory_space<semaphore_mem>>)
      %dma_wait3A_82 = arith.constant 0 : i32
      %dma_wait3A_83 = tpu.memref_slice %arg6[%arg0, %add3A_70, %dma_wait3A_82] : memref<2x10000x64xf32, #tpu.memory_space<hbm>> -> memref<1x312x64xf32, #tpu.memory_space<hbm>>
      %dma_wait3A_84 = tpu.memref_squeeze %dma_wait3A_83 : memref<1x312x64xf32, #tpu.memory_space<hbm>> -> memref<312x64xf32, #tpu.memory_space<hbm>>
      %dma_wait3A_85 = arith.constant 0 : i32
      %dma_wait3A_86 = tpu.memref_slice %arg6[%arg0, %add3A_70, %dma_wait3A_85] : memref<2x10000x64xf32, #tpu.memory_space<hbm>> -> memref<1x312x64xf32, #tpu.memory_space<hbm>>
      %dma_wait3A_87 = tpu.memref_squeeze %dma_wait3A_86 : memref<1x312x64xf32, #tpu.memory_space<hbm>> -> memref<312x64xf32, #tpu.memory_space<hbm>>
      tpu.wait_dma2 semaphore(%run_scoped3A : memref<!tpu.dma_semaphore, #tpu.memory_space<semaphore_mem>>) src(%arg13 : memref<312x64xf32, #tpu.memory_space<vmem>>) dst(%dma_wait3A_87 : memref<312x64xf32, #tpu.memory_space<hbm>>)
      tpu.yield
    }) : () -> ()
    %eq3A_71 = arith.constant 15 : i32
    %eq3A_72 = arith.cmpi eq, %arg1, %eq3A_71 : i32
    %convert_element_type3A_73 = arith.extui %eq3A_72 : i1 to i32
    %cond3A_74 = arith.constant 0 : i32
    %cond3A_75 = arith.cmpi ne, %convert_element_type3A_73, %cond3A_74 : i32
    scf.if %cond3A_75 {
      "tpu.region"() ({
        %run_scoped3A = tpu.sem_alloc : memref<!tpu.dma_semaphore, #tpu.memory_space<semaphore_mem>>
        %dma_start3A_76 = arith.constant 0 : i32
        %dma_start3A_77 = arith.constant 0 : i32
        %dma_start3A_78 = tpu.memref_slice %arg13[%dma_start3A_76, %dma_start3A_77] : memref<312x64xf32, #tpu.memory_space<vmem>> -> memref<16x64xf32, #tpu.memory_space<vmem>>
        %dma_start3A_79 = arith.constant 9984 : i32
        %dma_start3A_80 = arith.constant 0 : i32
        %dma_start3A_81 = tpu.memref_slice %arg14[%dma_start3A_79, %dma_start3A_80] : memref<10000x64xf32, #tpu.memory_space<vmem_shared>> -> memref<16x64xf32, #tpu.memory_space<vmem_shared>>
        %dma_start3A_82 = arith.constant 0 : i32
        %dma_start3A_83 = arith.constant 0 : i32
        %dma_start3A_84 = tpu.memref_slice %arg13[%dma_start3A_82, %dma_start3A_83] : memref<312x64xf32, #tpu.memory_space<vmem>> -> memref<16x64xf32, #tpu.memory_space<vmem>>
        %dma_start3A_85 = arith.constant 9984 : i32
        %dma_start3A_86 = arith.constant 0 : i32
        %dma_start3A_87 = tpu.memref_slice %arg14[%dma_start3A_85, %dma_start3A_86] : memref<10000x64xf32, #tpu.memory_space<vmem_shared>> -> memref<16x64xf32, #tpu.memory_space<vmem_shared>>
        tpu.enqueue_dma source(%dma_start3A_87 : memref<16x64xf32, #tpu.memory_space<vmem_shared>>) target(%dma_start3A_84 : memref<16x64xf32, #tpu.memory_space<vmem>>) target_semaphore(%run_scoped3A : memref<!tpu.dma_semaphore, #tpu.memory_space<semaphore_mem>>)
        %dma_wait3A_88 = arith.constant 0 : i32
        %dma_wait3A_89 = arith.constant 0 : i32
        %dma_wait3A_90 = tpu.memref_slice %arg13[%dma_wait3A_88, %dma_wait3A_89] : memref<312x64xf32, #tpu.memory_space<vmem>> -> memref<16x64xf32, #tpu.memory_space<vmem>>
        %dma_wait3A_91 = arith.constant 9984 : i32
        %dma_wait3A_92 = arith.constant 0 : i32
        %dma_wait3A_93 = tpu.memref_slice %arg14[%dma_wait3A_91, %dma_wait3A_92] : memref<10000x64xf32, #tpu.memory_space<vmem_shared>> -> memref<16x64xf32, #tpu.memory_space<vmem_shared>>
        %dma_wait3A_94 = arith.constant 0 : i32
        %dma_wait3A_95 = arith.constant 0 : i32
        %dma_wait3A_96 = tpu.memref_slice %arg13[%dma_wait3A_94, %dma_wait3A_95] : memref<312x64xf32, #tpu.memory_space<vmem>> -> memref<16x64xf32, #tpu.memory_space<vmem>>
        %dma_wait3A_97 = arith.constant 9984 : i32
        %dma_wait3A_98 = arith.constant 0 : i32
        %dma_wait3A_99 = tpu.memref_slice %arg14[%dma_wait3A_97, %dma_wait3A_98] : memref<10000x64xf32, #tpu.memory_space<vmem_shared>> -> memref<16x64xf32, #tpu.memory_space<vmem_shared>>
        tpu.wait_dma2 semaphore(%run_scoped3A : memref<!tpu.dma_semaphore, #tpu.memory_space<semaphore_mem>>) src(%dma_wait3A_99 : memref<16x64xf32, #tpu.memory_space<vmem_shared>>) dst(%dma_wait3A_96 : memref<16x64xf32, #tpu.memory_space<vmem>>)
        tpu.yield
      }) : () -> ()
      "tpu.region"() ({
        %run_scoped3A = tpu.sem_alloc : memref<!tpu.dma_semaphore, #tpu.memory_space<semaphore_mem>>
        %dma_start3A_76 = arith.constant 0 : i32
        %dma_start3A_77 = arith.constant 0 : i32
        %dma_start3A_78 = tpu.memref_slice %arg13[%dma_start3A_76, %dma_start3A_77] : memref<312x64xf32, #tpu.memory_space<vmem>> -> memref<16x64xf32, #tpu.memory_space<vmem>>
        %dma_start3A_79 = arith.constant 9984 : i32
        %dma_start3A_80 = arith.constant 0 : i32
        %dma_start3A_81 = tpu.memref_slice %arg6[%arg0, %dma_start3A_79, %dma_start3A_80] : memref<2x10000x64xf32, #tpu.memory_space<hbm>> -> memref<1x16x64xf32, #tpu.memory_space<hbm>>
        %dma_start3A_82 = tpu.memref_squeeze %dma_start3A_81 : memref<1x16x64xf32, #tpu.memory_space<hbm>> -> memref<16x64xf32, #tpu.memory_space<hbm>>
        %dma_start3A_83 = arith.constant 9984 : i32
        %dma_start3A_84 = arith.constant 0 : i32
        %dma_start3A_85 = tpu.memref_slice %arg6[%arg0, %dma_start3A_83, %dma_start3A_84] : memref<2x10000x64xf32, #tpu.memory_space<hbm>> -> memref<1x16x64xf32, #tpu.memory_space<hbm>>
        %dma_start3A_86 = tpu.memref_squeeze %dma_start3A_85 : memref<1x16x64xf32, #tpu.memory_space<hbm>> -> memref<16x64xf32, #tpu.memory_space<hbm>>
        %dma_start3A_87 = arith.constant 0 : i32
        %dma_start3A_88 = arith.constant 0 : i32
        %dma_start3A_89 = tpu.memref_slice %arg13[%dma_start3A_87, %dma_start3A_88] : memref<312x64xf32, #tpu.memory_space<vmem>> -> memref<16x64xf32, #tpu.memory_space<vmem>>
        tpu.enqueue_dma source(%dma_start3A_89 : memref<16x64xf32, #tpu.memory_space<vmem>>) target(%dma_start3A_86 : memref<16x64xf32, #tpu.memory_space<hbm>>) target_semaphore(%run_scoped3A : memref<!tpu.dma_semaphore, #tpu.memory_space<semaphore_mem>>)
        %dma_wait3A_90 = arith.constant 0 : i32
        %dma_wait3A_91 = arith.constant 0 : i32
        %dma_wait3A_92 = tpu.memref_slice %arg13[%dma_wait3A_90, %dma_wait3A_91] : memref<312x64xf32, #tpu.memory_space<vmem>> -> memref<16x64xf32, #tpu.memory_space<vmem>>
        %dma_wait3A_93 = arith.constant 9984 : i32
        %dma_wait3A_94 = arith.constant 0 : i32
        %dma_wait3A_95 = tpu.memref_slice %arg6[%arg0, %dma_wait3A_93, %dma_wait3A_94] : memref<2x10000x64xf32, #tpu.memory_space<hbm>> -> memref<1x16x64xf32, #tpu.memory_space<hbm>>
        %dma_wait3A_96 = tpu.memref_squeeze %dma_wait3A_95 : memref<1x16x64xf32, #tpu.memory_space<hbm>> -> memref<16x64xf32, #tpu.memory_space<hbm>>
        %dma_wait3A_97 = arith.constant 9984 : i32
        %dma_wait3A_98 = arith.constant 0 : i32
        %dma_wait3A_99 = tpu.memref_slice %arg6[%arg0, %dma_wait3A_97, %dma_wait3A_98] : memref<2x10000x64xf32, #tpu.memory_space<hbm>> -> memref<1x16x64xf32, #tpu.memory_space<hbm>>
        %dma_wait3A_100 = tpu.memref_squeeze %dma_wait3A_99 : memref<1x16x64xf32, #tpu.memory_space<hbm>> -> memref<16x64xf32, #tpu.memory_space<hbm>>
        %dma_wait3A_101 = arith.constant 0 : i32
        %dma_wait3A_102 = arith.constant 0 : i32
        %dma_wait3A_103 = tpu.memref_slice %arg13[%dma_wait3A_101, %dma_wait3A_102] : memref<312x64xf32, #tpu.memory_space<vmem>> -> memref<16x64xf32, #tpu.memory_space<vmem>>
        tpu.wait_dma2 semaphore(%run_scoped3A : memref<!tpu.dma_semaphore, #tpu.memory_space<semaphore_mem>>) src(%dma_wait3A_103 : memref<16x64xf32, #tpu.memory_space<vmem>>) dst(%dma_wait3A_100 : memref<16x64xf32, #tpu.memory_space<hbm>>)
        tpu.yield
      }) : () -> ()
    } else {
    }
    return
  }
}

#map = affine_map<(d0, d1) -> (0, 0)>
#map1 = affine_map<(d0, d1) -> (0, 0, 0)>
module attributes {stable_mosaic.version = 14 : i64} {
  func.func @_prop_body(%arg0: i32, %arg1: i32, %arg2: memref<10000x64xf32, #tpu.memory_space<hbm>>, %arg3: memref<2560x125xi32, #tpu.memory_space<hbm>>, %arg4: memref<2560x125xi32, #tpu.memory_space<hbm>>, %arg5: memref<312x64xf32, #tpu.memory_space<hbm>>, %arg6: memref<2x10000x64xf32, #tpu.memory_space<hbm>>, %arg7: memref<80x125xi32, #tpu.memory_space<vmem>>, %arg8: memref<80x125xi32, #tpu.memory_space<vmem>>, %arg9: memref<125x64xf32, #tpu.memory_space<vmem>>, %arg10: memref<125x64xf32, #tpu.memory_space<vmem>>, %arg11: memref<125x64xf32, #tpu.memory_space<vmem>>, %arg12: memref<125x64xf32, #tpu.memory_space<vmem>>, %arg13: memref<312x64xf32, #tpu.memory_space<vmem>>, %arg14: memref<10000x64xf32, #tpu.memory_space<vmem_shared>>, %arg15: memref<!tpu.dma_semaphore, #tpu.memory_space<semaphore_mem>>, %arg16: memref<!tpu.dma_semaphore, #tpu.memory_space<semaphore_mem>>, %arg17: memref<!tpu.dma_semaphore, #tpu.memory_space<semaphore_mem>>, %arg18: memref<!tpu.dma_semaphore, #tpu.memory_space<semaphore_mem>>, %arg19: memref<!tpu.dma_semaphore, #tpu.memory_space<semaphore_mem>>, %arg20: memref<!tpu.dma_semaphore, #tpu.memory_space<semaphore_mem>>, %arg21: memref<!tpu.dma_semaphore, #tpu.memory_space<semaphore_mem>>, %arg22: memref<!tpu.dma_semaphore, #tpu.memory_space<semaphore_mem>>) attributes {dimension_semantics = [#tpu.dimension_semantics<core_parallel>, #tpu.dimension_semantics<subcore_parallel>], iteration_bounds = array<i64: 2, 16>, scalar_prefetch = 0 : i64, scratch_operands = 16 : i64, tpu.core_type = #tpu.core_type<sc_vector_subcore>, window_params = [{transform_indices = #map}, {transform_indices = #map}, {transform_indices = #map}, {transform_indices = #map}, {transform_indices = #map1}]} {
    %mul3A = arith.constant 2 : i32
    %mul3A_0 = arith.muli %arg1, %mul3A : i32
    %add3A = arith.addi %mul3A_0, %arg0 : i32
    %mul3A_1 = arith.constant 80 : i32
    %mul3A_2 = arith.muli %add3A, %mul3A_1 : i32
    "tpu.region"() ({
      %run_scoped3A = tpu.sem_alloc : memref<!tpu.dma_semaphore, #tpu.memory_space<semaphore_mem>>
      %dma_start3A_76 = arith.constant 0 : i32
      %dma_start3A_77 = tpu.memref_slice %arg3[%mul3A_2, %dma_start3A_76] : memref<2560x125xi32, #tpu.memory_space<hbm>> -> memref<80x125xi32, #tpu.memory_space<hbm>>
      %dma_start3A_78 = arith.constant 0 : i32
      %dma_start3A_79 = tpu.memref_slice %arg3[%mul3A_2, %dma_start3A_78] : memref<2560x125xi32, #tpu.memory_space<hbm>> -> memref<80x125xi32, #tpu.memory_space<hbm>>
      tpu.enqueue_dma source(%dma_start3A_79 : memref<80x125xi32, #tpu.memory_space<hbm>>) target(%arg7 : memref<80x125xi32, #tpu.memory_space<vmem>>) target_semaphore(%run_scoped3A : memref<!tpu.dma_semaphore, #tpu.memory_space<semaphore_mem>>)
      %dma_wait3A_80 = arith.constant 0 : i32
      %dma_wait3A_81 = tpu.memref_slice %arg3[%mul3A_2, %dma_wait3A_80] : memref<2560x125xi32, #tpu.memory_space<hbm>> -> memref<80x125xi32, #tpu.memory_space<hbm>>
      %dma_wait3A_82 = arith.constant 0 : i32
      %dma_wait3A_83 = tpu.memref_slice %arg3[%mul3A_2, %dma_wait3A_82] : memref<2560x125xi32, #tpu.memory_space<hbm>> -> memref<80x125xi32, #tpu.memory_space<hbm>>
      tpu.wait_dma2 semaphore(%run_scoped3A : memref<!tpu.dma_semaphore, #tpu.memory_space<semaphore_mem>>) src(%dma_wait3A_83 : memref<80x125xi32, #tpu.memory_space<hbm>>) dst(%arg7 : memref<80x125xi32, #tpu.memory_space<vmem>>)
      tpu.yield
    }) : () -> ()
    %mul3A_3 = arith.constant 80 : i32
    %mul3A_4 = arith.muli %add3A, %mul3A_3 : i32
    "tpu.region"() ({
      %run_scoped3A = tpu.sem_alloc : memref<!tpu.dma_semaphore, #tpu.memory_space<semaphore_mem>>
      %dma_start3A_76 = arith.constant 0 : i32
      %dma_start3A_77 = tpu.memref_slice %arg4[%mul3A_4, %dma_start3A_76] : memref<2560x125xi32, #tpu.memory_space<hbm>> -> memref<80x125xi32, #tpu.memory_space<hbm>>
      %dma_start3A_78 = arith.constant 0 : i32
      %dma_start3A_79 = tpu.memref_slice %arg4[%mul3A_4, %dma_start3A_78] : memref<2560x125xi32, #tpu.memory_space<hbm>> -> memref<80x125xi32, #tpu.memory_space<hbm>>
      tpu.enqueue_dma source(%dma_start3A_79 : memref<80x125xi32, #tpu.memory_space<hbm>>) target(%arg8 : memref<80x125xi32, #tpu.memory_space<vmem>>) target_semaphore(%run_scoped3A : memref<!tpu.dma_semaphore, #tpu.memory_space<semaphore_mem>>)
      %dma_wait3A_80 = arith.constant 0 : i32
      %dma_wait3A_81 = tpu.memref_slice %arg4[%mul3A_4, %dma_wait3A_80] : memref<2560x125xi32, #tpu.memory_space<hbm>> -> memref<80x125xi32, #tpu.memory_space<hbm>>
      %dma_wait3A_82 = arith.constant 0 : i32
      %dma_wait3A_83 = tpu.memref_slice %arg4[%mul3A_4, %dma_wait3A_82] : memref<2560x125xi32, #tpu.memory_space<hbm>> -> memref<80x125xi32, #tpu.memory_space<hbm>>
      tpu.wait_dma2 semaphore(%run_scoped3A : memref<!tpu.dma_semaphore, #tpu.memory_space<semaphore_mem>>) src(%dma_wait3A_83 : memref<80x125xi32, #tpu.memory_space<hbm>>) dst(%arg8 : memref<80x125xi32, #tpu.memory_space<vmem>>)
      tpu.yield
    }) : () -> ()
    "tpu.region"() ({
      %run_scoped3A = tpu.sem_alloc : memref<!tpu.dma_semaphore, #tpu.memory_space<semaphore_mem>>
      tpu.enqueue_dma source(%arg5 : memref<312x64xf32, #tpu.memory_space<hbm>>) target(%arg13 : memref<312x64xf32, #tpu.memory_space<vmem>>) target_semaphore(%run_scoped3A : memref<!tpu.dma_semaphore, #tpu.memory_space<semaphore_mem>>)
      tpu.wait_dma2 semaphore(%run_scoped3A : memref<!tpu.dma_semaphore, #tpu.memory_space<semaphore_mem>>) src(%arg5 : memref<312x64xf32, #tpu.memory_space<hbm>>) dst(%arg13 : memref<312x64xf32, #tpu.memory_space<vmem>>)
      tpu.yield
    }) : () -> ()
    %mul3A_5 = arith.constant 624 : i32
    %mul3A_6 = arith.muli %arg1, %mul3A_5 : i32
    "tpu.region"() ({
      %run_scoped3A = tpu.sem_alloc : memref<!tpu.dma_semaphore, #tpu.memory_space<semaphore_mem>>
      %dma_start3A_76 = arith.constant 0 : i32
      %dma_start3A_77 = tpu.memref_slice %arg14[%mul3A_6, %dma_start3A_76] : memref<10000x64xf32, #tpu.memory_space<vmem_shared>> -> memref<312x64xf32, #tpu.memory_space<vmem_shared>>
      %dma_start3A_78 = arith.constant 0 : i32
      %dma_start3A_79 = tpu.memref_slice %arg14[%mul3A_6, %dma_start3A_78] : memref<10000x64xf32, #tpu.memory_space<vmem_shared>> -> memref<312x64xf32, #tpu.memory_space<vmem_shared>>
      tpu.enqueue_dma source(%arg13 : memref<312x64xf32, #tpu.memory_space<vmem>>) target(%dma_start3A_79 : memref<312x64xf32, #tpu.memory_space<vmem_shared>>) target_semaphore(%run_scoped3A : memref<!tpu.dma_semaphore, #tpu.memory_space<semaphore_mem>>)
      %dma_wait3A_80 = arith.constant 0 : i32
      %dma_wait3A_81 = tpu.memref_slice %arg14[%mul3A_6, %dma_wait3A_80] : memref<10000x64xf32, #tpu.memory_space<vmem_shared>> -> memref<312x64xf32, #tpu.memory_space<vmem_shared>>
      %dma_wait3A_82 = arith.constant 0 : i32
      %dma_wait3A_83 = tpu.memref_slice %arg14[%mul3A_6, %dma_wait3A_82] : memref<10000x64xf32, #tpu.memory_space<vmem_shared>> -> memref<312x64xf32, #tpu.memory_space<vmem_shared>>
      tpu.wait_dma2 semaphore(%run_scoped3A : memref<!tpu.dma_semaphore, #tpu.memory_space<semaphore_mem>>) src(%arg13 : memref<312x64xf32, #tpu.memory_space<vmem>>) dst(%dma_wait3A_83 : memref<312x64xf32, #tpu.memory_space<vmem_shared>>)
      tpu.yield
    }) : () -> ()
    %mul3A_7 = arith.constant 624 : i32
    %mul3A_8 = arith.muli %arg1, %mul3A_7 : i32
    %add3A_9 = arith.constant 312 : i32
    %add3A_10 = arith.addi %mul3A_8, %add3A_9 : i32
    "tpu.region"() ({
      %run_scoped3A = tpu.sem_alloc : memref<!tpu.dma_semaphore, #tpu.memory_space<semaphore_mem>>
      %dma_start3A_76 = arith.constant 0 : i32
      %dma_start3A_77 = tpu.memref_slice %arg14[%add3A_10, %dma_start3A_76] : memref<10000x64xf32, #tpu.memory_space<vmem_shared>> -> memref<312x64xf32, #tpu.memory_space<vmem_shared>>
      %dma_start3A_78 = arith.constant 0 : i32
      %dma_start3A_79 = tpu.memref_slice %arg14[%add3A_10, %dma_start3A_78] : memref<10000x64xf32, #tpu.memory_space<vmem_shared>> -> memref<312x64xf32, #tpu.memory_space<vmem_shared>>
      tpu.enqueue_dma source(%arg13 : memref<312x64xf32, #tpu.memory_space<vmem>>) target(%dma_start3A_79 : memref<312x64xf32, #tpu.memory_space<vmem_shared>>) target_semaphore(%run_scoped3A : memref<!tpu.dma_semaphore, #tpu.memory_space<semaphore_mem>>)
      %dma_wait3A_80 = arith.constant 0 : i32
      %dma_wait3A_81 = tpu.memref_slice %arg14[%add3A_10, %dma_wait3A_80] : memref<10000x64xf32, #tpu.memory_space<vmem_shared>> -> memref<312x64xf32, #tpu.memory_space<vmem_shared>>
      %dma_wait3A_82 = arith.constant 0 : i32
      %dma_wait3A_83 = tpu.memref_slice %arg14[%add3A_10, %dma_wait3A_82] : memref<10000x64xf32, #tpu.memory_space<vmem_shared>> -> memref<312x64xf32, #tpu.memory_space<vmem_shared>>
      tpu.wait_dma2 semaphore(%run_scoped3A : memref<!tpu.dma_semaphore, #tpu.memory_space<semaphore_mem>>) src(%arg13 : memref<312x64xf32, #tpu.memory_space<vmem>>) dst(%dma_wait3A_83 : memref<312x64xf32, #tpu.memory_space<vmem_shared>>)
      tpu.yield
    }) : () -> ()
    %eq3A = arith.constant 15 : i32
    %eq3A_11 = arith.cmpi eq, %arg1, %eq3A : i32
    %convert_element_type3A = arith.extui %eq3A_11 : i1 to i32
    %cond3A = arith.constant 0 : i32
    %cond3A_12 = arith.cmpi ne, %convert_element_type3A, %cond3A : i32
    scf.if %cond3A_12 {
      "tpu.region"() ({
        %run_scoped3A = tpu.sem_alloc : memref<!tpu.dma_semaphore, #tpu.memory_space<semaphore_mem>>
        %dma_start3A_76 = arith.constant 0 : i32
        %dma_start3A_77 = arith.constant 0 : i32
        %dma_start3A_78 = tpu.memref_slice %arg13[%dma_start3A_76, %dma_start3A_77] : memref<312x64xf32, #tpu.memory_space<vmem>> -> memref<16x64xf32, #tpu.memory_space<vmem>>
        %dma_start3A_79 = arith.constant 9984 : i32
        %dma_start3A_80 = arith.constant 0 : i32
        %dma_start3A_81 = tpu.memref_slice %arg14[%dma_start3A_79, %dma_start3A_80] : memref<10000x64xf32, #tpu.memory_space<vmem_shared>> -> memref<16x64xf32, #tpu.memory_space<vmem_shared>>
        %dma_start3A_82 = arith.constant 9984 : i32
        %dma_start3A_83 = arith.constant 0 : i32
        %dma_start3A_84 = tpu.memref_slice %arg14[%dma_start3A_82, %dma_start3A_83] : memref<10000x64xf32, #tpu.memory_space<vmem_shared>> -> memref<16x64xf32, #tpu.memory_space<vmem_shared>>
        %dma_start3A_85 = arith.constant 0 : i32
        %dma_start3A_86 = arith.constant 0 : i32
        %dma_start3A_87 = tpu.memref_slice %arg13[%dma_start3A_85, %dma_start3A_86] : memref<312x64xf32, #tpu.memory_space<vmem>> -> memref<16x64xf32, #tpu.memory_space<vmem>>
        tpu.enqueue_dma source(%dma_start3A_87 : memref<16x64xf32, #tpu.memory_space<vmem>>) target(%dma_start3A_84 : memref<16x64xf32, #tpu.memory_space<vmem_shared>>) target_semaphore(%run_scoped3A : memref<!tpu.dma_semaphore, #tpu.memory_space<semaphore_mem>>)
        %dma_wait3A_88 = arith.constant 0 : i32
        %dma_wait3A_89 = arith.constant 0 : i32
        %dma_wait3A_90 = tpu.memref_slice %arg13[%dma_wait3A_88, %dma_wait3A_89] : memref<312x64xf32, #tpu.memory_space<vmem>> -> memref<16x64xf32, #tpu.memory_space<vmem>>
        %dma_wait3A_91 = arith.constant 9984 : i32
        %dma_wait3A_92 = arith.constant 0 : i32
        %dma_wait3A_93 = tpu.memref_slice %arg14[%dma_wait3A_91, %dma_wait3A_92] : memref<10000x64xf32, #tpu.memory_space<vmem_shared>> -> memref<16x64xf32, #tpu.memory_space<vmem_shared>>
        %dma_wait3A_94 = arith.constant 9984 : i32
        %dma_wait3A_95 = arith.constant 0 : i32
        %dma_wait3A_96 = tpu.memref_slice %arg14[%dma_wait3A_94, %dma_wait3A_95] : memref<10000x64xf32, #tpu.memory_space<vmem_shared>> -> memref<16x64xf32, #tpu.memory_space<vmem_shared>>
        %dma_wait3A_97 = arith.constant 0 : i32
        %dma_wait3A_98 = arith.constant 0 : i32
        %dma_wait3A_99 = tpu.memref_slice %arg13[%dma_wait3A_97, %dma_wait3A_98] : memref<312x64xf32, #tpu.memory_space<vmem>> -> memref<16x64xf32, #tpu.memory_space<vmem>>
        tpu.wait_dma2 semaphore(%run_scoped3A : memref<!tpu.dma_semaphore, #tpu.memory_space<semaphore_mem>>) src(%dma_wait3A_99 : memref<16x64xf32, #tpu.memory_space<vmem>>) dst(%dma_wait3A_96 : memref<16x64xf32, #tpu.memory_space<vmem_shared>>)
        tpu.yield
      }) : () -> ()
    } else {
    }
    %barrier3A = arith.constant 0 : index
    tpu.barrier barrier_id(%barrier3A)
    %dma_start3A = arith.constant 0 : i32
    %dma_start3A_13 = arith.constant 0 : i32
    %dma_start3A_14 = tpu.memref_slice %arg7[%dma_start3A, %dma_start3A_13] : memref<80x125xi32, #tpu.memory_space<vmem>> -> memref<1x125xi32, #tpu.memory_space<vmem>>
    %dma_start3A_15 = tpu.memref_squeeze %dma_start3A_14 : memref<1x125xi32, #tpu.memory_space<vmem>> -> memref<125xi32, #tpu.memory_space<vmem>>
    %dma_start3A_16 = arith.constant 0 : i32
    %dma_start3A_17 = arith.constant 0 : i32
    %dma_start3A_18 = tpu.memref_slice %arg2[%dma_start3A_16, %dma_start3A_17] : memref<10000x64xf32, #tpu.memory_space<hbm>> -> memref<10000x64xf32, #tpu.memory_space<hbm>>
    tpu.enqueue_indirect_dma source(%dma_start3A_18 : memref<10000x64xf32, #tpu.memory_space<hbm>>) target(%arg9 : memref<125x64xf32, #tpu.memory_space<vmem>>) offsets(%dma_start3A_15 : memref<125xi32, #tpu.memory_space<vmem>>) semaphore(%arg15 : memref<!tpu.dma_semaphore, #tpu.memory_space<semaphore_mem>>)
    %dma_start3A_19 = arith.constant 1 : i32
    %dma_start3A_20 = arith.constant 0 : i32
    %dma_start3A_21 = tpu.memref_slice %arg7[%dma_start3A_19, %dma_start3A_20] : memref<80x125xi32, #tpu.memory_space<vmem>> -> memref<1x125xi32, #tpu.memory_space<vmem>>
    %dma_start3A_22 = tpu.memref_squeeze %dma_start3A_21 : memref<1x125xi32, #tpu.memory_space<vmem>> -> memref<125xi32, #tpu.memory_space<vmem>>
    %dma_start3A_23 = arith.constant 0 : i32
    %dma_start3A_24 = arith.constant 0 : i32
    %dma_start3A_25 = tpu.memref_slice %arg2[%dma_start3A_23, %dma_start3A_24] : memref<10000x64xf32, #tpu.memory_space<hbm>> -> memref<10000x64xf32, #tpu.memory_space<hbm>>
    tpu.enqueue_indirect_dma source(%dma_start3A_25 : memref<10000x64xf32, #tpu.memory_space<hbm>>) target(%arg10 : memref<125x64xf32, #tpu.memory_space<vmem>>) offsets(%dma_start3A_22 : memref<125xi32, #tpu.memory_space<vmem>>) semaphore(%arg16 : memref<!tpu.dma_semaphore, #tpu.memory_space<semaphore_mem>>)
    %scan3A = arith.constant 0 : i32
    %scan3A_26 = arith.constant 0 : i32
    %scan3A_27 = arith.constant 20 : i32
    %scan3A_28 = arith.addi %scan3A_26, %scan3A_27 : i32
    %scan3A_29 = arith.constant 1 : i32
    scf.for %scan3A_76 = %scan3A_26 to %scan3A_28 step %scan3A_29  : i32 {
      %mul3A_77 = arith.constant 4 : i32
      %mul3A_78 = arith.muli %mul3A_77, %scan3A_76 : i32
      %add3A_79 = arith.constant 0 : i32
      %add3A_80 = arith.addi %mul3A_78, %add3A_79 : i32
      %dma_wait3A_81 = arith.constant 0 : i32
      %dma_wait3A_82 = tpu.memref_slice %arg7[%add3A_80, %dma_wait3A_81] : memref<80x125xi32, #tpu.memory_space<vmem>> -> memref<1x125xi32, #tpu.memory_space<vmem>>
      %dma_wait3A_83 = tpu.memref_squeeze %dma_wait3A_82 : memref<1x125xi32, #tpu.memory_space<vmem>> -> memref<125xi32, #tpu.memory_space<vmem>>
      %dma_wait3A_84 = arith.constant 0 : i32
      %dma_wait3A_85 = arith.constant 0 : i32
      %dma_wait3A_86 = tpu.memref_slice %arg2[%dma_wait3A_84, %dma_wait3A_85] : memref<10000x64xf32, #tpu.memory_space<hbm>> -> memref<10000x64xf32, #tpu.memory_space<hbm>>
      tpu.wait_indirect_dma semaphore(%arg15 : memref<!tpu.dma_semaphore, #tpu.memory_space<semaphore_mem>>) src(%dma_wait3A_86 : memref<10000x64xf32, #tpu.memory_space<hbm>>) dst(%arg9 : memref<125x64xf32, #tpu.memory_space<vmem>>)
      %dma_start3A_87 = arith.constant 0 : i32
      %dma_start3A_88 = tpu.memref_slice %arg8[%add3A_80, %dma_start3A_87] : memref<80x125xi32, #tpu.memory_space<vmem>> -> memref<1x125xi32, #tpu.memory_space<vmem>>
      %dma_start3A_89 = tpu.memref_squeeze %dma_start3A_88 : memref<1x125xi32, #tpu.memory_space<vmem>> -> memref<125xi32, #tpu.memory_space<vmem>>
      %dma_start3A_90 = arith.constant 0 : i32
      %dma_start3A_91 = arith.constant 0 : i32
      %dma_start3A_92 = tpu.memref_slice %arg14[%dma_start3A_90, %dma_start3A_91] : memref<10000x64xf32, #tpu.memory_space<vmem_shared>> -> memref<10000x64xf32, #tpu.memory_space<vmem_shared>>
      tpu.enqueue_indirect_dma source(%arg9 : memref<125x64xf32, #tpu.memory_space<vmem>>) target(%dma_start3A_92 : memref<10000x64xf32, #tpu.memory_space<vmem_shared>>) offsets(%dma_start3A_89 : memref<125xi32, #tpu.memory_space<vmem>>) semaphore(%arg19 : memref<!tpu.dma_semaphore, #tpu.memory_space<semaphore_mem>>) {add = true}
      %add3A_93 = arith.constant 2 : i32
      %add3A_94 = arith.addi %add3A_80, %add3A_93 : i32
      %lt3A = arith.constant 80 : i32
      %lt3A_95 = arith.cmpi slt, %add3A_94, %lt3A : i32
      %convert_element_type3A_96 = arith.extui %lt3A_95 : i1 to i32
      %cond3A_97 = arith.constant 0 : i32
      %cond3A_98 = arith.cmpi ne, %convert_element_type3A_96, %cond3A_97 : i32
      scf.if %cond3A_98 {
        %ge3A = arith.constant 2 : i32
        %ge3A_168 = arith.cmpi sge, %add3A_80, %ge3A : i32
        %convert_element_type3A_169 = arith.extui %ge3A_168 : i1 to i32
        %cond3A_170 = arith.constant 0 : i32
        %cond3A_171 = arith.cmpi ne, %convert_element_type3A_169, %cond3A_170 : i32
        scf.if %cond3A_171 {
          %sub3A = arith.constant 2 : i32
          %sub3A_180 = arith.subi %add3A_80, %sub3A : i32
          %dma_wait3A_181 = arith.constant 0 : i32
          %dma_wait3A_182 = tpu.memref_slice %arg8[%sub3A_180, %dma_wait3A_181] : memref<80x125xi32, #tpu.memory_space<vmem>> -> memref<1x125xi32, #tpu.memory_space<vmem>>
          %dma_wait3A_183 = tpu.memref_squeeze %dma_wait3A_182 : memref<1x125xi32, #tpu.memory_space<vmem>> -> memref<125xi32, #tpu.memory_space<vmem>>
          %dma_wait3A_184 = arith.constant 0 : i32
          %dma_wait3A_185 = arith.constant 0 : i32
          %dma_wait3A_186 = tpu.memref_slice %arg14[%dma_wait3A_184, %dma_wait3A_185] : memref<10000x64xf32, #tpu.memory_space<vmem_shared>> -> memref<10000x64xf32, #tpu.memory_space<vmem_shared>>
          tpu.wait_indirect_dma semaphore(%arg21 : memref<!tpu.dma_semaphore, #tpu.memory_space<semaphore_mem>>) src(%arg11 : memref<125x64xf32, #tpu.memory_space<vmem>>) dst(%dma_wait3A_186 : memref<10000x64xf32, #tpu.memory_space<vmem_shared>>)
        } else {
        }
        %add3A_172 = arith.constant 2 : i32
        %add3A_173 = arith.addi %add3A_80, %add3A_172 : i32
        %dma_start3A_174 = arith.constant 0 : i32
        %dma_start3A_175 = tpu.memref_slice %arg7[%add3A_173, %dma_start3A_174] : memref<80x125xi32, #tpu.memory_space<vmem>> -> memref<1x125xi32, #tpu.memory_space<vmem>>
        %dma_start3A_176 = tpu.memref_squeeze %dma_start3A_175 : memref<1x125xi32, #tpu.memory_space<vmem>> -> memref<125xi32, #tpu.memory_space<vmem>>
        %dma_start3A_177 = arith.constant 0 : i32
        %dma_start3A_178 = arith.constant 0 : i32
        %dma_start3A_179 = tpu.memref_slice %arg2[%dma_start3A_177, %dma_start3A_178] : memref<10000x64xf32, #tpu.memory_space<hbm>> -> memref<10000x64xf32, #tpu.memory_space<hbm>>
        tpu.enqueue_indirect_dma source(%dma_start3A_179 : memref<10000x64xf32, #tpu.memory_space<hbm>>) target(%arg11 : memref<125x64xf32, #tpu.memory_space<vmem>>) offsets(%dma_start3A_176 : memref<125xi32, #tpu.memory_space<vmem>>) semaphore(%arg17 : memref<!tpu.dma_semaphore, #tpu.memory_space<semaphore_mem>>)
      } else {
      }
      %mul3A_99 = arith.constant 4 : i32
      %mul3A_100 = arith.muli %mul3A_99, %scan3A_76 : i32
      %add3A_101 = arith.constant 1 : i32
      %add3A_102 = arith.addi %mul3A_100, %add3A_101 : i32
      %dma_wait3A_103 = arith.constant 0 : i32
      %dma_wait3A_104 = tpu.memref_slice %arg7[%add3A_102, %dma_wait3A_103] : memref<80x125xi32, #tpu.memory_space<vmem>> -> memref<1x125xi32, #tpu.memory_space<vmem>>
      %dma_wait3A_105 = tpu.memref_squeeze %dma_wait3A_104 : memref<1x125xi32, #tpu.memory_space<vmem>> -> memref<125xi32, #tpu.memory_space<vmem>>
      %dma_wait3A_106 = arith.constant 0 : i32
      %dma_wait3A_107 = arith.constant 0 : i32
      %dma_wait3A_108 = tpu.memref_slice %arg2[%dma_wait3A_106, %dma_wait3A_107] : memref<10000x64xf32, #tpu.memory_space<hbm>> -> memref<10000x64xf32, #tpu.memory_space<hbm>>
      tpu.wait_indirect_dma semaphore(%arg16 : memref<!tpu.dma_semaphore, #tpu.memory_space<semaphore_mem>>) src(%dma_wait3A_108 : memref<10000x64xf32, #tpu.memory_space<hbm>>) dst(%arg10 : memref<125x64xf32, #tpu.memory_space<vmem>>)
      %dma_start3A_109 = arith.constant 0 : i32
      %dma_start3A_110 = tpu.memref_slice %arg8[%add3A_102, %dma_start3A_109] : memref<80x125xi32, #tpu.memory_space<vmem>> -> memref<1x125xi32, #tpu.memory_space<vmem>>
      %dma_start3A_111 = tpu.memref_squeeze %dma_start3A_110 : memref<1x125xi32, #tpu.memory_space<vmem>> -> memref<125xi32, #tpu.memory_space<vmem>>
      %dma_start3A_112 = arith.constant 0 : i32
      %dma_start3A_113 = arith.constant 0 : i32
      %dma_start3A_114 = tpu.memref_slice %arg14[%dma_start3A_112, %dma_start3A_113] : memref<10000x64xf32, #tpu.memory_space<vmem_shared>> -> memref<10000x64xf32, #tpu.memory_space<vmem_shared>>
      tpu.enqueue_indirect_dma source(%arg10 : memref<125x64xf32, #tpu.memory_space<vmem>>) target(%dma_start3A_114 : memref<10000x64xf32, #tpu.memory_space<vmem_shared>>) offsets(%dma_start3A_111 : memref<125xi32, #tpu.memory_space<vmem>>) semaphore(%arg20 : memref<!tpu.dma_semaphore, #tpu.memory_space<semaphore_mem>>) {add = true}
      %add3A_115 = arith.constant 2 : i32
      %add3A_116 = arith.addi %add3A_102, %add3A_115 : i32
      %lt3A_117 = arith.constant 80 : i32
      %lt3A_118 = arith.cmpi slt, %add3A_116, %lt3A_117 : i32
      %convert_element_type3A_119 = arith.extui %lt3A_118 : i1 to i32
      %cond3A_120 = arith.constant 0 : i32
      %cond3A_121 = arith.cmpi ne, %convert_element_type3A_119, %cond3A_120 : i32
      scf.if %cond3A_121 {
        %ge3A = arith.constant 2 : i32
        %ge3A_168 = arith.cmpi sge, %add3A_102, %ge3A : i32
        %convert_element_type3A_169 = arith.extui %ge3A_168 : i1 to i32
        %cond3A_170 = arith.constant 0 : i32
        %cond3A_171 = arith.cmpi ne, %convert_element_type3A_169, %cond3A_170 : i32
        scf.if %cond3A_171 {
          %sub3A = arith.constant 2 : i32
          %sub3A_180 = arith.subi %add3A_102, %sub3A : i32
          %dma_wait3A_181 = arith.constant 0 : i32
          %dma_wait3A_182 = tpu.memref_slice %arg8[%sub3A_180, %dma_wait3A_181] : memref<80x125xi32, #tpu.memory_space<vmem>> -> memref<1x125xi32, #tpu.memory_space<vmem>>
          %dma_wait3A_183 = tpu.memref_squeeze %dma_wait3A_182 : memref<1x125xi32, #tpu.memory_space<vmem>> -> memref<125xi32, #tpu.memory_space<vmem>>
          %dma_wait3A_184 = arith.constant 0 : i32
          %dma_wait3A_185 = arith.constant 0 : i32
          %dma_wait3A_186 = tpu.memref_slice %arg14[%dma_wait3A_184, %dma_wait3A_185] : memref<10000x64xf32, #tpu.memory_space<vmem_shared>> -> memref<10000x64xf32, #tpu.memory_space<vmem_shared>>
          tpu.wait_indirect_dma semaphore(%arg22 : memref<!tpu.dma_semaphore, #tpu.memory_space<semaphore_mem>>) src(%arg12 : memref<125x64xf32, #tpu.memory_space<vmem>>) dst(%dma_wait3A_186 : memref<10000x64xf32, #tpu.memory_space<vmem_shared>>)
        } else {
        }
        %add3A_172 = arith.constant 2 : i32
        %add3A_173 = arith.addi %add3A_102, %add3A_172 : i32
        %dma_start3A_174 = arith.constant 0 : i32
        %dma_start3A_175 = tpu.memref_slice %arg7[%add3A_173, %dma_start3A_174] : memref<80x125xi32, #tpu.memory_space<vmem>> -> memref<1x125xi32, #tpu.memory_space<vmem>>
        %dma_start3A_176 = tpu.memref_squeeze %dma_start3A_175 : memref<1x125xi32, #tpu.memory_space<vmem>> -> memref<125xi32, #tpu.memory_space<vmem>>
        %dma_start3A_177 = arith.constant 0 : i32
        %dma_start3A_178 = arith.constant 0 : i32
        %dma_start3A_179 = tpu.memref_slice %arg2[%dma_start3A_177, %dma_start3A_178] : memref<10000x64xf32, #tpu.memory_space<hbm>> -> memref<10000x64xf32, #tpu.memory_space<hbm>>
        tpu.enqueue_indirect_dma source(%dma_start3A_179 : memref<10000x64xf32, #tpu.memory_space<hbm>>) target(%arg12 : memref<125x64xf32, #tpu.memory_space<vmem>>) offsets(%dma_start3A_176 : memref<125xi32, #tpu.memory_space<vmem>>) semaphore(%arg18 : memref<!tpu.dma_semaphore, #tpu.memory_space<semaphore_mem>>)
      } else {
      }
      %mul3A_122 = arith.constant 4 : i32
      %mul3A_123 = arith.muli %mul3A_122, %scan3A_76 : i32
      %add3A_124 = arith.constant 2 : i32
      %add3A_125 = arith.addi %mul3A_123, %add3A_124 : i32
      %dma_wait3A_126 = arith.constant 0 : i32
      %dma_wait3A_127 = tpu.memref_slice %arg7[%add3A_125, %dma_wait3A_126] : memref<80x125xi32, #tpu.memory_space<vmem>> -> memref<1x125xi32, #tpu.memory_space<vmem>>
      %dma_wait3A_128 = tpu.memref_squeeze %dma_wait3A_127 : memref<1x125xi32, #tpu.memory_space<vmem>> -> memref<125xi32, #tpu.memory_space<vmem>>
      %dma_wait3A_129 = arith.constant 0 : i32
      %dma_wait3A_130 = arith.constant 0 : i32
      %dma_wait3A_131 = tpu.memref_slice %arg2[%dma_wait3A_129, %dma_wait3A_130] : memref<10000x64xf32, #tpu.memory_space<hbm>> -> memref<10000x64xf32, #tpu.memory_space<hbm>>
      tpu.wait_indirect_dma semaphore(%arg17 : memref<!tpu.dma_semaphore, #tpu.memory_space<semaphore_mem>>) src(%dma_wait3A_131 : memref<10000x64xf32, #tpu.memory_space<hbm>>) dst(%arg11 : memref<125x64xf32, #tpu.memory_space<vmem>>)
      %dma_start3A_132 = arith.constant 0 : i32
      %dma_start3A_133 = tpu.memref_slice %arg8[%add3A_125, %dma_start3A_132] : memref<80x125xi32, #tpu.memory_space<vmem>> -> memref<1x125xi32, #tpu.memory_space<vmem>>
      %dma_start3A_134 = tpu.memref_squeeze %dma_start3A_133 : memref<1x125xi32, #tpu.memory_space<vmem>> -> memref<125xi32, #tpu.memory_space<vmem>>
      %dma_start3A_135 = arith.constant 0 : i32
      %dma_start3A_136 = arith.constant 0 : i32
      %dma_start3A_137 = tpu.memref_slice %arg14[%dma_start3A_135, %dma_start3A_136] : memref<10000x64xf32, #tpu.memory_space<vmem_shared>> -> memref<10000x64xf32, #tpu.memory_space<vmem_shared>>
      tpu.enqueue_indirect_dma source(%arg11 : memref<125x64xf32, #tpu.memory_space<vmem>>) target(%dma_start3A_137 : memref<10000x64xf32, #tpu.memory_space<vmem_shared>>) offsets(%dma_start3A_134 : memref<125xi32, #tpu.memory_space<vmem>>) semaphore(%arg21 : memref<!tpu.dma_semaphore, #tpu.memory_space<semaphore_mem>>) {add = true}
      %add3A_138 = arith.constant 2 : i32
      %add3A_139 = arith.addi %add3A_125, %add3A_138 : i32
      %lt3A_140 = arith.constant 80 : i32
      %lt3A_141 = arith.cmpi slt, %add3A_139, %lt3A_140 : i32
      %convert_element_type3A_142 = arith.extui %lt3A_141 : i1 to i32
      %cond3A_143 = arith.constant 0 : i32
      %cond3A_144 = arith.cmpi ne, %convert_element_type3A_142, %cond3A_143 : i32
      scf.if %cond3A_144 {
        %ge3A = arith.constant 2 : i32
        %ge3A_168 = arith.cmpi sge, %add3A_125, %ge3A : i32
        %convert_element_type3A_169 = arith.extui %ge3A_168 : i1 to i32
        %cond3A_170 = arith.constant 0 : i32
        %cond3A_171 = arith.cmpi ne, %convert_element_type3A_169, %cond3A_170 : i32
        scf.if %cond3A_171 {
          %sub3A = arith.constant 2 : i32
          %sub3A_180 = arith.subi %add3A_125, %sub3A : i32
          %dma_wait3A_181 = arith.constant 0 : i32
          %dma_wait3A_182 = tpu.memref_slice %arg8[%sub3A_180, %dma_wait3A_181] : memref<80x125xi32, #tpu.memory_space<vmem>> -> memref<1x125xi32, #tpu.memory_space<vmem>>
          %dma_wait3A_183 = tpu.memref_squeeze %dma_wait3A_182 : memref<1x125xi32, #tpu.memory_space<vmem>> -> memref<125xi32, #tpu.memory_space<vmem>>
          %dma_wait3A_184 = arith.constant 0 : i32
          %dma_wait3A_185 = arith.constant 0 : i32
          %dma_wait3A_186 = tpu.memref_slice %arg14[%dma_wait3A_184, %dma_wait3A_185] : memref<10000x64xf32, #tpu.memory_space<vmem_shared>> -> memref<10000x64xf32, #tpu.memory_space<vmem_shared>>
          tpu.wait_indirect_dma semaphore(%arg19 : memref<!tpu.dma_semaphore, #tpu.memory_space<semaphore_mem>>) src(%arg9 : memref<125x64xf32, #tpu.memory_space<vmem>>) dst(%dma_wait3A_186 : memref<10000x64xf32, #tpu.memory_space<vmem_shared>>)
        } else {
        }
        %add3A_172 = arith.constant 2 : i32
        %add3A_173 = arith.addi %add3A_125, %add3A_172 : i32
        %dma_start3A_174 = arith.constant 0 : i32
        %dma_start3A_175 = tpu.memref_slice %arg7[%add3A_173, %dma_start3A_174] : memref<80x125xi32, #tpu.memory_space<vmem>> -> memref<1x125xi32, #tpu.memory_space<vmem>>
        %dma_start3A_176 = tpu.memref_squeeze %dma_start3A_175 : memref<1x125xi32, #tpu.memory_space<vmem>> -> memref<125xi32, #tpu.memory_space<vmem>>
        %dma_start3A_177 = arith.constant 0 : i32
        %dma_start3A_178 = arith.constant 0 : i32
        %dma_start3A_179 = tpu.memref_slice %arg2[%dma_start3A_177, %dma_start3A_178] : memref<10000x64xf32, #tpu.memory_space<hbm>> -> memref<10000x64xf32, #tpu.memory_space<hbm>>
        tpu.enqueue_indirect_dma source(%dma_start3A_179 : memref<10000x64xf32, #tpu.memory_space<hbm>>) target(%arg9 : memref<125x64xf32, #tpu.memory_space<vmem>>) offsets(%dma_start3A_176 : memref<125xi32, #tpu.memory_space<vmem>>) semaphore(%arg15 : memref<!tpu.dma_semaphore, #tpu.memory_space<semaphore_mem>>)
      } else {
      }
      %mul3A_145 = arith.constant 4 : i32
      %mul3A_146 = arith.muli %mul3A_145, %scan3A_76 : i32
      %add3A_147 = arith.constant 3 : i32
      %add3A_148 = arith.addi %mul3A_146, %add3A_147 : i32
      %dma_wait3A_149 = arith.constant 0 : i32
      %dma_wait3A_150 = tpu.memref_slice %arg7[%add3A_148, %dma_wait3A_149] : memref<80x125xi32, #tpu.memory_space<vmem>> -> memref<1x125xi32, #tpu.memory_space<vmem>>
      %dma_wait3A_151 = tpu.memref_squeeze %dma_wait3A_150 : memref<1x125xi32, #tpu.memory_space<vmem>> -> memref<125xi32, #tpu.memory_space<vmem>>
      %dma_wait3A_152 = arith.constant 0 : i32
      %dma_wait3A_153 = arith.constant 0 : i32
      %dma_wait3A_154 = tpu.memref_slice %arg2[%dma_wait3A_152, %dma_wait3A_153] : memref<10000x64xf32, #tpu.memory_space<hbm>> -> memref<10000x64xf32, #tpu.memory_space<hbm>>
      tpu.wait_indirect_dma semaphore(%arg18 : memref<!tpu.dma_semaphore, #tpu.memory_space<semaphore_mem>>) src(%dma_wait3A_154 : memref<10000x64xf32, #tpu.memory_space<hbm>>) dst(%arg12 : memref<125x64xf32, #tpu.memory_space<vmem>>)
      %dma_start3A_155 = arith.constant 0 : i32
      %dma_start3A_156 = tpu.memref_slice %arg8[%add3A_148, %dma_start3A_155] : memref<80x125xi32, #tpu.memory_space<vmem>> -> memref<1x125xi32, #tpu.memory_space<vmem>>
      %dma_start3A_157 = tpu.memref_squeeze %dma_start3A_156 : memref<1x125xi32, #tpu.memory_space<vmem>> -> memref<125xi32, #tpu.memory_space<vmem>>
      %dma_start3A_158 = arith.constant 0 : i32
      %dma_start3A_159 = arith.constant 0 : i32
      %dma_start3A_160 = tpu.memref_slice %arg14[%dma_start3A_158, %dma_start3A_159] : memref<10000x64xf32, #tpu.memory_space<vmem_shared>> -> memref<10000x64xf32, #tpu.memory_space<vmem_shared>>
      tpu.enqueue_indirect_dma source(%arg12 : memref<125x64xf32, #tpu.memory_space<vmem>>) target(%dma_start3A_160 : memref<10000x64xf32, #tpu.memory_space<vmem_shared>>) offsets(%dma_start3A_157 : memref<125xi32, #tpu.memory_space<vmem>>) semaphore(%arg22 : memref<!tpu.dma_semaphore, #tpu.memory_space<semaphore_mem>>) {add = true}
      %add3A_161 = arith.constant 2 : i32
      %add3A_162 = arith.addi %add3A_148, %add3A_161 : i32
      %lt3A_163 = arith.constant 80 : i32
      %lt3A_164 = arith.cmpi slt, %add3A_162, %lt3A_163 : i32
      %convert_element_type3A_165 = arith.extui %lt3A_164 : i1 to i32
      %cond3A_166 = arith.constant 0 : i32
      %cond3A_167 = arith.cmpi ne, %convert_element_type3A_165, %cond3A_166 : i32
      scf.if %cond3A_167 {
        %ge3A = arith.constant 2 : i32
        %ge3A_168 = arith.cmpi sge, %add3A_148, %ge3A : i32
        %convert_element_type3A_169 = arith.extui %ge3A_168 : i1 to i32
        %cond3A_170 = arith.constant 0 : i32
        %cond3A_171 = arith.cmpi ne, %convert_element_type3A_169, %cond3A_170 : i32
        scf.if %cond3A_171 {
          %sub3A = arith.constant 2 : i32
          %sub3A_180 = arith.subi %add3A_148, %sub3A : i32
          %dma_wait3A_181 = arith.constant 0 : i32
          %dma_wait3A_182 = tpu.memref_slice %arg8[%sub3A_180, %dma_wait3A_181] : memref<80x125xi32, #tpu.memory_space<vmem>> -> memref<1x125xi32, #tpu.memory_space<vmem>>
          %dma_wait3A_183 = tpu.memref_squeeze %dma_wait3A_182 : memref<1x125xi32, #tpu.memory_space<vmem>> -> memref<125xi32, #tpu.memory_space<vmem>>
          %dma_wait3A_184 = arith.constant 0 : i32
          %dma_wait3A_185 = arith.constant 0 : i32
          %dma_wait3A_186 = tpu.memref_slice %arg14[%dma_wait3A_184, %dma_wait3A_185] : memref<10000x64xf32, #tpu.memory_space<vmem_shared>> -> memref<10000x64xf32, #tpu.memory_space<vmem_shared>>
          tpu.wait_indirect_dma semaphore(%arg20 : memref<!tpu.dma_semaphore, #tpu.memory_space<semaphore_mem>>) src(%arg10 : memref<125x64xf32, #tpu.memory_space<vmem>>) dst(%dma_wait3A_186 : memref<10000x64xf32, #tpu.memory_space<vmem_shared>>)
        } else {
        }
        %add3A_172 = arith.constant 2 : i32
        %add3A_173 = arith.addi %add3A_148, %add3A_172 : i32
        %dma_start3A_174 = arith.constant 0 : i32
        %dma_start3A_175 = tpu.memref_slice %arg7[%add3A_173, %dma_start3A_174] : memref<80x125xi32, #tpu.memory_space<vmem>> -> memref<1x125xi32, #tpu.memory_space<vmem>>
        %dma_start3A_176 = tpu.memref_squeeze %dma_start3A_175 : memref<1x125xi32, #tpu.memory_space<vmem>> -> memref<125xi32, #tpu.memory_space<vmem>>
        %dma_start3A_177 = arith.constant 0 : i32
        %dma_start3A_178 = arith.constant 0 : i32
        %dma_start3A_179 = tpu.memref_slice %arg2[%dma_start3A_177, %dma_start3A_178] : memref<10000x64xf32, #tpu.memory_space<hbm>> -> memref<10000x64xf32, #tpu.memory_space<hbm>>
        tpu.enqueue_indirect_dma source(%dma_start3A_179 : memref<10000x64xf32, #tpu.memory_space<hbm>>) target(%arg10 : memref<125x64xf32, #tpu.memory_space<vmem>>) offsets(%dma_start3A_176 : memref<125xi32, #tpu.memory_space<vmem>>) semaphore(%arg16 : memref<!tpu.dma_semaphore, #tpu.memory_space<semaphore_mem>>)
      } else {
      }
    }
    %scan3A_30 = arith.constant 20 : i32
    %dma_wait3A = arith.constant 76 : i32
    %dma_wait3A_31 = arith.constant 0 : i32
    %dma_wait3A_32 = tpu.memref_slice %arg8[%dma_wait3A, %dma_wait3A_31] : memref<80x125xi32, #tpu.memory_space<vmem>> -> memref<1x125xi32, #tpu.memory_space<vmem>>
    %dma_wait3A_33 = tpu.memref_squeeze %dma_wait3A_32 : memref<1x125xi32, #tpu.memory_space<vmem>> -> memref<125xi32, #tpu.memory_space<vmem>>
    %dma_wait3A_34 = arith.constant 0 : i32
    %dma_wait3A_35 = arith.constant 0 : i32
    %dma_wait3A_36 = tpu.memref_slice %arg14[%dma_wait3A_34, %dma_wait3A_35] : memref<10000x64xf32, #tpu.memory_space<vmem_shared>> -> memref<10000x64xf32, #tpu.memory_space<vmem_shared>>
    tpu.wait_indirect_dma semaphore(%arg19 : memref<!tpu.dma_semaphore, #tpu.memory_space<semaphore_mem>>) src(%arg9 : memref<125x64xf32, #tpu.memory_space<vmem>>) dst(%dma_wait3A_36 : memref<10000x64xf32, #tpu.memory_space<vmem_shared>>)
    %dma_wait3A_37 = arith.constant 77 : i32
    %dma_wait3A_38 = arith.constant 0 : i32
    %dma_wait3A_39 = tpu.memref_slice %arg8[%dma_wait3A_37, %dma_wait3A_38] : memref<80x125xi32, #tpu.memory_space<vmem>> -> memref<1x125xi32, #tpu.memory_space<vmem>>
    %dma_wait3A_40 = tpu.memref_squeeze %dma_wait3A_39 : memref<1x125xi32, #tpu.memory_space<vmem>> -> memref<125xi32, #tpu.memory_space<vmem>>
    %dma_wait3A_41 = arith.constant 0 : i32
    %dma_wait3A_42 = arith.constant 0 : i32
    %dma_wait3A_43 = tpu.memref_slice %arg14[%dma_wait3A_41, %dma_wait3A_42] : memref<10000x64xf32, #tpu.memory_space<vmem_shared>> -> memref<10000x64xf32, #tpu.memory_space<vmem_shared>>
    tpu.wait_indirect_dma semaphore(%arg20 : memref<!tpu.dma_semaphore, #tpu.memory_space<semaphore_mem>>) src(%arg10 : memref<125x64xf32, #tpu.memory_space<vmem>>) dst(%dma_wait3A_43 : memref<10000x64xf32, #tpu.memory_space<vmem_shared>>)
    %dma_wait3A_44 = arith.constant 78 : i32
    %dma_wait3A_45 = arith.constant 0 : i32
    %dma_wait3A_46 = tpu.memref_slice %arg8[%dma_wait3A_44, %dma_wait3A_45] : memref<80x125xi32, #tpu.memory_space<vmem>> -> memref<1x125xi32, #tpu.memory_space<vmem>>
    %dma_wait3A_47 = tpu.memref_squeeze %dma_wait3A_46 : memref<1x125xi32, #tpu.memory_space<vmem>> -> memref<125xi32, #tpu.memory_space<vmem>>
    %dma_wait3A_48 = arith.constant 0 : i32
    %dma_wait3A_49 = arith.constant 0 : i32
    %dma_wait3A_50 = tpu.memref_slice %arg14[%dma_wait3A_48, %dma_wait3A_49] : memref<10000x64xf32, #tpu.memory_space<vmem_shared>> -> memref<10000x64xf32, #tpu.memory_space<vmem_shared>>
    tpu.wait_indirect_dma semaphore(%arg21 : memref<!tpu.dma_semaphore, #tpu.memory_space<semaphore_mem>>) src(%arg11 : memref<125x64xf32, #tpu.memory_space<vmem>>) dst(%dma_wait3A_50 : memref<10000x64xf32, #tpu.memory_space<vmem_shared>>)
    %dma_wait3A_51 = arith.constant 79 : i32
    %dma_wait3A_52 = arith.constant 0 : i32
    %dma_wait3A_53 = tpu.memref_slice %arg8[%dma_wait3A_51, %dma_wait3A_52] : memref<80x125xi32, #tpu.memory_space<vmem>> -> memref<1x125xi32, #tpu.memory_space<vmem>>
    %dma_wait3A_54 = tpu.memref_squeeze %dma_wait3A_53 : memref<1x125xi32, #tpu.memory_space<vmem>> -> memref<125xi32, #tpu.memory_space<vmem>>
    %dma_wait3A_55 = arith.constant 0 : i32
    %dma_wait3A_56 = arith.constant 0 : i32
    %dma_wait3A_57 = tpu.memref_slice %arg14[%dma_wait3A_55, %dma_wait3A_56] : memref<10000x64xf32, #tpu.memory_space<vmem_shared>> -> memref<10000x64xf32, #tpu.memory_space<vmem_shared>>
    tpu.wait_indirect_dma semaphore(%arg22 : memref<!tpu.dma_semaphore, #tpu.memory_space<semaphore_mem>>) src(%arg12 : memref<125x64xf32, #tpu.memory_space<vmem>>) dst(%dma_wait3A_57 : memref<10000x64xf32, #tpu.memory_space<vmem_shared>>)
    %barrier3A_58 = arith.constant 0 : index
    tpu.barrier barrier_id(%barrier3A_58)
    %mul3A_59 = arith.constant 624 : i32
    %mul3A_60 = arith.muli %arg1, %mul3A_59 : i32
    "tpu.region"() ({
      %run_scoped3A = tpu.sem_alloc : memref<!tpu.dma_semaphore, #tpu.memory_space<semaphore_mem>>
      %dma_start3A_76 = arith.constant 0 : i32
      %dma_start3A_77 = tpu.memref_slice %arg14[%mul3A_60, %dma_start3A_76] : memref<10000x64xf32, #tpu.memory_space<vmem_shared>> -> memref<312x64xf32, #tpu.memory_space<vmem_shared>>
      %dma_start3A_78 = arith.constant 0 : i32
      %dma_start3A_79 = tpu.memref_slice %arg14[%mul3A_60, %dma_start3A_78] : memref<10000x64xf32, #tpu.memory_space<vmem_shared>> -> memref<312x64xf32, #tpu.memory_space<vmem_shared>>
      tpu.enqueue_dma source(%dma_start3A_79 : memref<312x64xf32, #tpu.memory_space<vmem_shared>>) target(%arg13 : memref<312x64xf32, #tpu.memory_space<vmem>>) target_semaphore(%run_scoped3A : memref<!tpu.dma_semaphore, #tpu.memory_space<semaphore_mem>>)
      %dma_wait3A_80 = arith.constant 0 : i32
      %dma_wait3A_81 = tpu.memref_slice %arg14[%mul3A_60, %dma_wait3A_80] : memref<10000x64xf32, #tpu.memory_space<vmem_shared>> -> memref<312x64xf32, #tpu.memory_space<vmem_shared>>
      %dma_wait3A_82 = arith.constant 0 : i32
      %dma_wait3A_83 = tpu.memref_slice %arg14[%mul3A_60, %dma_wait3A_82] : memref<10000x64xf32, #tpu.memory_space<vmem_shared>> -> memref<312x64xf32, #tpu.memory_space<vmem_shared>>
      tpu.wait_dma2 semaphore(%run_scoped3A : memref<!tpu.dma_semaphore, #tpu.memory_space<semaphore_mem>>) src(%dma_wait3A_83 : memref<312x64xf32, #tpu.memory_space<vmem_shared>>) dst(%arg13 : memref<312x64xf32, #tpu.memory_space<vmem>>)
      tpu.yield
    }) : () -> ()
    %mul3A_61 = arith.constant 624 : i32
    %mul3A_62 = arith.muli %arg1, %mul3A_61 : i32
    "tpu.region"() ({
      %run_scoped3A = tpu.sem_alloc : memref<!tpu.dma_semaphore, #tpu.memory_space<semaphore_mem>>
      %dma_start3A_76 = arith.constant 0 : i32
      %dma_start3A_77 = tpu.memref_slice %arg6[%arg0, %mul3A_62, %dma_start3A_76] : memref<2x10000x64xf32, #tpu.memory_space<hbm>> -> memref<1x312x64xf32, #tpu.memory_space<hbm>>
      %dma_start3A_78 = tpu.memref_squeeze %dma_start3A_77 : memref<1x312x64xf32, #tpu.memory_space<hbm>> -> memref<312x64xf32, #tpu.memory_space<hbm>>
      %dma_start3A_79 = arith.constant 0 : i32
      %dma_start3A_80 = tpu.memref_slice %arg6[%arg0, %mul3A_62, %dma_start3A_79] : memref<2x10000x64xf32, #tpu.memory_space<hbm>> -> memref<1x312x64xf32, #tpu.memory_space<hbm>>
      %dma_start3A_81 = tpu.memref_squeeze %dma_start3A_80 : memref<1x312x64xf32, #tpu.memory_space<hbm>> -> memref<312x64xf32, #tpu.memory_space<hbm>>
      tpu.enqueue_dma source(%arg13 : memref<312x64xf32, #tpu.memory_space<vmem>>) target(%dma_start3A_81 : memref<312x64xf32, #tpu.memory_space<hbm>>) target_semaphore(%run_scoped3A : memref<!tpu.dma_semaphore, #tpu.memory_space<semaphore_mem>>)
      %dma_wait3A_82 = arith.constant 0 : i32
      %dma_wait3A_83 = tpu.memref_slice %arg6[%arg0, %mul3A_62, %dma_wait3A_82] : memref<2x10000x64xf32, #tpu.memory_space<hbm>> -> memref<1x312x64xf32, #tpu.memory_space<hbm>>
      %dma_wait3A_84 = tpu.memref_squeeze %dma_wait3A_83 : memref<1x312x64xf32, #tpu.memory_space<hbm>> -> memref<312x64xf32, #tpu.memory_space<hbm>>
      %dma_wait3A_85 = arith.constant 0 : i32
      %dma_wait3A_86 = tpu.memref_slice %arg6[%arg0, %mul3A_62, %dma_wait3A_85] : memref<2x10000x64xf32, #tpu.memory_space<hbm>> -> memref<1x312x64xf32, #tpu.memory_space<hbm>>
      %dma_wait3A_87 = tpu.memref_squeeze %dma_wait3A_86 : memref<1x312x64xf32, #tpu.memory_space<hbm>> -> memref<312x64xf32, #tpu.memory_space<hbm>>
      tpu.wait_dma2 semaphore(%run_scoped3A : memref<!tpu.dma_semaphore, #tpu.memory_space<semaphore_mem>>) src(%arg13 : memref<312x64xf32, #tpu.memory_space<vmem>>) dst(%dma_wait3A_87 : memref<312x64xf32, #tpu.memory_space<hbm>>)
      tpu.yield
    }) : () -> ()
    %mul3A_63 = arith.constant 624 : i32
    %mul3A_64 = arith.muli %arg1, %mul3A_63 : i32
    %add3A_65 = arith.constant 312 : i32
    %add3A_66 = arith.addi %mul3A_64, %add3A_65 : i32
    "tpu.region"() ({
      %run_scoped3A = tpu.sem_alloc : memref<!tpu.dma_semaphore, #tpu.memory_space<semaphore_mem>>
      %dma_start3A_76 = arith.constant 0 : i32
      %dma_start3A_77 = tpu.memref_slice %arg14[%add3A_66, %dma_start3A_76] : memref<10000x64xf32, #tpu.memory_space<vmem_shared>> -> memref<312x64xf32, #tpu.memory_space<vmem_shared>>
      %dma_start3A_78 = arith.constant 0 : i32
      %dma_start3A_79 = tpu.memref_slice %arg14[%add3A_66, %dma_start3A_78] : memref<10000x64xf32, #tpu.memory_space<vmem_shared>> -> memref<312x64xf32, #tpu.memory_space<vmem_shared>>
      tpu.enqueue_dma source(%dma_start3A_79 : memref<312x64xf32, #tpu.memory_space<vmem_shared>>) target(%arg13 : memref<312x64xf32, #tpu.memory_space<vmem>>) target_semaphore(%run_scoped3A : memref<!tpu.dma_semaphore, #tpu.memory_space<semaphore_mem>>)
      %dma_wait3A_80 = arith.constant 0 : i32
      %dma_wait3A_81 = tpu.memref_slice %arg14[%add3A_66, %dma_wait3A_80] : memref<10000x64xf32, #tpu.memory_space<vmem_shared>> -> memref<312x64xf32, #tpu.memory_space<vmem_shared>>
      %dma_wait3A_82 = arith.constant 0 : i32
      %dma_wait3A_83 = tpu.memref_slice %arg14[%add3A_66, %dma_wait3A_82] : memref<10000x64xf32, #tpu.memory_space<vmem_shared>> -> memref<312x64xf32, #tpu.memory_space<vmem_shared>>
      tpu.wait_dma2 semaphore(%run_scoped3A : memref<!tpu.dma_semaphore, #tpu.memory_space<semaphore_mem>>) src(%dma_wait3A_83 : memref<312x64xf32, #tpu.memory_space<vmem_shared>>) dst(%arg13 : memref<312x64xf32, #tpu.memory_space<vmem>>)
      tpu.yield
    }) : () -> ()
    %mul3A_67 = arith.constant 624 : i32
    %mul3A_68 = arith.muli %arg1, %mul3A_67 : i32
    %add3A_69 = arith.constant 312 : i32
    %add3A_70 = arith.addi %mul3A_68, %add3A_69 : i32
    "tpu.region"() ({
      %run_scoped3A = tpu.sem_alloc : memref<!tpu.dma_semaphore, #tpu.memory_space<semaphore_mem>>
      %dma_start3A_76 = arith.constant 0 : i32
      %dma_start3A_77 = tpu.memref_slice %arg6[%arg0, %add3A_70, %dma_start3A_76] : memref<2x10000x64xf32, #tpu.memory_space<hbm>> -> memref<1x312x64xf32, #tpu.memory_space<hbm>>
      %dma_start3A_78 = tpu.memref_squeeze %dma_start3A_77 : memref<1x312x64xf32, #tpu.memory_space<hbm>> -> memref<312x64xf32, #tpu.memory_space<hbm>>
      %dma_start3A_79 = arith.constant 0 : i32
      %dma_start3A_80 = tpu.memref_slice %arg6[%arg0, %add3A_70, %dma_start3A_79] : memref<2x10000x64xf32, #tpu.memory_space<hbm>> -> memref<1x312x64xf32, #tpu.memory_space<hbm>>
      %dma_start3A_81 = tpu.memref_squeeze %dma_start3A_80 : memref<1x312x64xf32, #tpu.memory_space<hbm>> -> memref<312x64xf32, #tpu.memory_space<hbm>>
      tpu.enqueue_dma source(%arg13 : memref<312x64xf32, #tpu.memory_space<vmem>>) target(%dma_start3A_81 : memref<312x64xf32, #tpu.memory_space<hbm>>) target_semaphore(%run_scoped3A : memref<!tpu.dma_semaphore, #tpu.memory_space<semaphore_mem>>)
      %dma_wait3A_82 = arith.constant 0 : i32
      %dma_wait3A_83 = tpu.memref_slice %arg6[%arg0, %add3A_70, %dma_wait3A_82] : memref<2x10000x64xf32, #tpu.memory_space<hbm>> -> memref<1x312x64xf32, #tpu.memory_space<hbm>>
      %dma_wait3A_84 = tpu.memref_squeeze %dma_wait3A_83 : memref<1x312x64xf32, #tpu.memory_space<hbm>> -> memref<312x64xf32, #tpu.memory_space<hbm>>
      %dma_wait3A_85 = arith.constant 0 : i32
      %dma_wait3A_86 = tpu.memref_slice %arg6[%arg0, %add3A_70, %dma_wait3A_85] : memref<2x10000x64xf32, #tpu.memory_space<hbm>> -> memref<1x312x64xf32, #tpu.memory_space<hbm>>
      %dma_wait3A_87 = tpu.memref_squeeze %dma_wait3A_86 : memref<1x312x64xf32, #tpu.memory_space<hbm>> -> memref<312x64xf32, #tpu.memory_space<hbm>>
      tpu.wait_dma2 semaphore(%run_scoped3A : memref<!tpu.dma_semaphore, #tpu.memory_space<semaphore_mem>>) src(%arg13 : memref<312x64xf32, #tpu.memory_space<vmem>>) dst(%dma_wait3A_87 : memref<312x64xf32, #tpu.memory_space<hbm>>)
      tpu.yield
    }) : () -> ()
    %eq3A_71 = arith.constant 15 : i32
    %eq3A_72 = arith.cmpi eq, %arg1, %eq3A_71 : i32
    %convert_element_type3A_73 = arith.extui %eq3A_72 : i1 to i32
    %cond3A_74 = arith.constant 0 : i32
    %cond3A_75 = arith.cmpi ne, %convert_element_type3A_73, %cond3A_74 : i32
    scf.if %cond3A_75 {
      "tpu.region"() ({
        %run_scoped3A = tpu.sem_alloc : memref<!tpu.dma_semaphore, #tpu.memory_space<semaphore_mem>>
        %dma_start3A_76 = arith.constant 0 : i32
        %dma_start3A_77 = arith.constant 0 : i32
        %dma_start3A_78 = tpu.memref_slice %arg13[%dma_start3A_76, %dma_start3A_77] : memref<312x64xf32, #tpu.memory_space<vmem>> -> memref<16x64xf32, #tpu.memory_space<vmem>>
        %dma_start3A_79 = arith.constant 9984 : i32
        %dma_start3A_80 = arith.constant 0 : i32
        %dma_start3A_81 = tpu.memref_slice %arg14[%dma_start3A_79, %dma_start3A_80] : memref<10000x64xf32, #tpu.memory_space<vmem_shared>> -> memref<16x64xf32, #tpu.memory_space<vmem_shared>>
        %dma_start3A_82 = arith.constant 0 : i32
        %dma_start3A_83 = arith.constant 0 : i32
        %dma_start3A_84 = tpu.memref_slice %arg13[%dma_start3A_82, %dma_start3A_83] : memref<312x64xf32, #tpu.memory_space<vmem>> -> memref<16x64xf32, #tpu.memory_space<vmem>>
        %dma_start3A_85 = arith.constant 9984 : i32
        %dma_start3A_86 = arith.constant 0 : i32
        %dma_start3A_87 = tpu.memref_slice %arg14[%dma_start3A_85, %dma_start3A_86] : memref<10000x64xf32, #tpu.memory_space<vmem_shared>> -> memref<16x64xf32, #tpu.memory_space<vmem_shared>>
        tpu.enqueue_dma source(%dma_start3A_87 : memref<16x64xf32, #tpu.memory_space<vmem_shared>>) target(%dma_start3A_84 : memref<16x64xf32, #tpu.memory_space<vmem>>) target_semaphore(%run_scoped3A : memref<!tpu.dma_semaphore, #tpu.memory_space<semaphore_mem>>)
        %dma_wait3A_88 = arith.constant 0 : i32
        %dma_wait3A_89 = arith.constant 0 : i32
        %dma_wait3A_90 = tpu.memref_slice %arg13[%dma_wait3A_88, %dma_wait3A_89] : memref<312x64xf32, #tpu.memory_space<vmem>> -> memref<16x64xf32, #tpu.memory_space<vmem>>
        %dma_wait3A_91 = arith.constant 9984 : i32
        %dma_wait3A_92 = arith.constant 0 : i32
        %dma_wait3A_93 = tpu.memref_slice %arg14[%dma_wait3A_91, %dma_wait3A_92] : memref<10000x64xf32, #tpu.memory_space<vmem_shared>> -> memref<16x64xf32, #tpu.memory_space<vmem_shared>>
        %dma_wait3A_94 = arith.constant 0 : i32
        %dma_wait3A_95 = arith.constant 0 : i32
        %dma_wait3A_96 = tpu.memref_slice %arg13[%dma_wait3A_94, %dma_wait3A_95] : memref<312x64xf32, #tpu.memory_space<vmem>> -> memref<16x64xf32, #tpu.memory_space<vmem>>
        %dma_wait3A_97 = arith.constant 9984 : i32
        %dma_wait3A_98 = arith.constant 0 : i32
        %dma_wait3A_99 = tpu.memref_slice %arg14[%dma_wait3A_97, %dma_wait3A_98] : memref<10000x64xf32, #tpu.memory_space<vmem_shared>> -> memref<16x64xf32, #tpu.memory_space<vmem_shared>>
        tpu.wait_dma2 semaphore(%run_scoped3A : memref<!tpu.dma_semaphore, #tpu.memory_space<semaphore_mem>>) src(%dma_wait3A_99 : memref<16x64xf32, #tpu.memory_space<vmem_shared>>) dst(%dma_wait3A_96 : memref<16x64xf32, #tpu.memory_space<vmem>>)
        tpu.yield
      }) : () -> ()
      "tpu.region"() ({
        %run_scoped3A = tpu.sem_alloc : memref<!tpu.dma_semaphore, #tpu.memory_space<semaphore_mem>>
        %dma_start3A_76 = arith.constant 0 : i32
        %dma_start3A_77 = arith.constant 0 : i32
        %dma_start3A_78 = tpu.memref_slice %arg13[%dma_start3A_76, %dma_start3A_77] : memref<312x64xf32, #tpu.memory_space<vmem>> -> memref<16x64xf32, #tpu.memory_space<vmem>>
        %dma_start3A_79 = arith.constant 9984 : i32
        %dma_start3A_80 = arith.constant 0 : i32
        %dma_start3A_81 = tpu.memref_slice %arg6[%arg0, %dma_start3A_79, %dma_start3A_80] : memref<2x10000x64xf32, #tpu.memory_space<hbm>> -> memref<1x16x64xf32, #tpu.memory_space<hbm>>
        %dma_start3A_82 = tpu.memref_squeeze %dma_start3A_81 : memref<1x16x64xf32, #tpu.memory_space<hbm>> -> memref<16x64xf32, #tpu.memory_space<hbm>>
        %dma_start3A_83 = arith.constant 9984 : i32
        %dma_start3A_84 = arith.constant 0 : i32
        %dma_start3A_85 = tpu.memref_slice %arg6[%arg0, %dma_start3A_83, %dma_start3A_84] : memref<2x10000x64xf32, #tpu.memory_space<hbm>> -> memref<1x16x64xf32, #tpu.memory_space<hbm>>
        %dma_start3A_86 = tpu.memref_squeeze %dma_start3A_85 : memref<1x16x64xf32, #tpu.memory_space<hbm>> -> memref<16x64xf32, #tpu.memory_space<hbm>>
        %dma_start3A_87 = arith.constant 0 : i32
        %dma_start3A_88 = arith.constant 0 : i32
        %dma_start3A_89 = tpu.memref_slice %arg13[%dma_start3A_87, %dma_start3A_88] : memref<312x64xf32, #tpu.memory_space<vmem>> -> memref<16x64xf32, #tpu.memory_space<vmem>>
        tpu.enqueue_dma source(%dma_start3A_89 : memref<16x64xf32, #tpu.memory_space<vmem>>) target(%dma_start3A_86 : memref<16x64xf32, #tpu.memory_space<hbm>>) target_semaphore(%run_scoped3A : memref<!tpu.dma_semaphore, #tpu.memory_space<semaphore_mem>>)
        %dma_wait3A_90 = arith.constant 0 : i32
        %dma_wait3A_91 = arith.constant 0 : i32
        %dma_wait3A_92 = tpu.memref_slice %arg13[%dma_wait3A_90, %dma_wait3A_91] : memref<312x64xf32, #tpu.memory_space<vmem>> -> memref<16x64xf32, #tpu.memory_space<vmem>>
        %dma_wait3A_93 = arith.constant 9984 : i32
        %dma_wait3A_94 = arith.constant 0 : i32
        %dma_wait3A_95 = tpu.memref_slice %arg6[%arg0, %dma_wait3A_93, %dma_wait3A_94] : memref<2x10000x64xf32, #tpu.memory_space<hbm>> -> memref<1x16x64xf32, #tpu.memory_space<hbm>>
        %dma_wait3A_96 = tpu.memref_squeeze %dma_wait3A_95 : memref<1x16x64xf32, #tpu.memory_space<hbm>> -> memref<16x64xf32, #tpu.memory_space<hbm>>
        %dma_wait3A_97 = arith.constant 9984 : i32
        %dma_wait3A_98 = arith.constant 0 : i32
        %dma_wait3A_99 = tpu.memref_slice %arg6[%arg0, %dma_wait3A_97, %dma_wait3A_98] : memref<2x10000x64xf32, #tpu.memory_space<hbm>> -> memref<1x16x64xf32, #tpu.memory_space<hbm>>
        %dma_wait3A_100 = tpu.memref_squeeze %dma_wait3A_99 : memref<1x16x64xf32, #tpu.memory_space<hbm>> -> memref<16x64xf32, #tpu.memory_space<hbm>>
        %dma_wait3A_101 = arith.constant 0 : i32
        %dma_wait3A_102 = arith.constant 0 : i32
        %dma_wait3A_103 = tpu.memref_slice %arg13[%dma_wait3A_101, %dma_wait3A_102] : memref<312x64xf32, #tpu.memory_space<vmem>> -> memref<16x64xf32, #tpu.memory_space<vmem>>
        tpu.wait_dma2 semaphore(%run_scoped3A : memref<!tpu.dma_semaphore, #tpu.memory_space<semaphore_mem>>) src(%dma_wait3A_103 : memref<16x64xf32, #tpu.memory_space<vmem>>) dst(%dma_wait3A_100 : memref<16x64xf32, #tpu.memory_space<hbm>>)
        tpu.yield
      }) : () -> ()
    } else {
    }
    return
  }
}

module attributes {stable_mosaic.version = 14 : i64} {
  func.func @_tcb_body(%arg0: i32, %arg1: memref<1000x128xf32, #tpu.memory_space<vmem>>, %arg2: memref<1000x1xf32, #tpu.memory_space<vmem>>, %arg3: memref<128x64xf32, #tpu.memory_space<vmem>>, %arg4: memref<128x64xf32, #tpu.memory_space<vmem>>, %arg5: memref<1x64xf32, #tpu.memory_space<vmem>>, %arg6: memref<1000x64xf32, #tpu.memory_space<vmem>>, %arg7: memref<1000x64xf32, #tpu.memory_space<vmem>>) attributes {dimension_semantics = [#tpu.dimension_semantics<arbitrary>], iteration_bounds = array<i64: 10>, scalar_prefetch = 0 : i64, scratch_operands = 0 : i64, tpu.core_type = #tpu.core_type<tc>, window_params = [{transform_indices = @transform_0, window_bounds = array<i64: 1000, 128>}, {transform_indices = @transform_1, window_bounds = array<i64: 1000, 1>}, {pipeline_mode = #tpu.pipeline_mode<synchronous>, transform_indices = @transform_2, window_bounds = array<i64: 128, 64>}, {pipeline_mode = #tpu.pipeline_mode<synchronous>, transform_indices = @transform_3, window_bounds = array<i64: 128, 64>}, {pipeline_mode = #tpu.pipeline_mode<synchronous>, transform_indices = @transform_4, window_bounds = array<i64: 1, 64>}, {transform_indices = @transform_5, window_bounds = array<i64: 1000, 64>}, {transform_indices = @transform_6, window_bounds = array<i64: 1000, 64>}]} {
    %get3A = arith.constant 0 : index
    %get3A_0 = arith.constant 0 : index
    %get3A_1 = vector.load %arg1[%get3A, %get3A_0] : memref<1000x128xf32, #tpu.memory_space<vmem>>, vector<1000x128xf32>
    %get3A_2 = arith.constant 0 : index
    %get3A_3 = arith.constant 0 : index
    %get3A_4 = vector.load %arg2[%get3A_2, %get3A_3] : memref<1000x1xf32, #tpu.memory_space<vmem>>, vector<1000x1xf32>
    %get3A_5 = arith.constant 0 : index
    %get3A_6 = arith.constant 0 : index
    %get3A_7 = vector.load %arg3[%get3A_5, %get3A_6] : memref<128x64xf32, #tpu.memory_space<vmem>>, vector<128x64xf32>
    %dot_general3A = arith.constant dense<0.000000e+00> : vector<1000x64xf32>
    %dot_general3A_8 = tpu.matmul %get3A_1, %get3A_7, %dot_general3A {dimension_numbers = #tpu.dot_dimension_numbers<[1], [0], [0], [1], [0, 0, 1, 1], [], []>, transpose_lhs_hint = false} : vector<1000x128xf32>, vector<128x64xf32>, vector<1000x64xf32> -> vector<1000x64xf32>
    %get3A_9 = arith.constant 0 : index
    %get3A_10 = arith.constant 0 : index
    %get3A_11 = vector.load %arg5[%get3A_9, %get3A_10] : memref<1x64xf32, #tpu.memory_space<vmem>>, vector<1x64xf32>
    %add3A = vector.broadcast %get3A_11 : vector<1x64xf32> to vector<1000x64xf32>
    %add3A_12 = arith.addf %dot_general3A_8, %add3A : vector<1000x64xf32>
    %mul3A = vector.broadcast %get3A_4 : vector<1000x1xf32> to vector<1000x64xf32>
    %mul3A_13 = arith.mulf %mul3A, %add3A_12 : vector<1000x64xf32>
    %swap3A = arith.constant 0 : index
    %swap3A_14 = arith.constant 0 : index
    %swap3A_15 = vector.load %arg6[%swap3A, %swap3A_14] : memref<1000x64xf32, #tpu.memory_space<vmem>>, vector<1000x64xf32>
    tpu.vector_store %arg6[%swap3A, %swap3A_14], %mul3A_13 {strides = array<i32>} : memref<1000x64xf32, #tpu.memory_space<vmem>>, vector<1000x64xf32>,
    %get3A_16 = arith.constant 0 : index
    %get3A_17 = arith.constant 0 : index
    %get3A_18 = vector.load %arg4[%get3A_16, %get3A_17] : memref<128x64xf32, #tpu.memory_space<vmem>>, vector<128x64xf32>
    %dot_general3A_19 = arith.constant dense<0.000000e+00> : vector<1000x64xf32>
    %dot_general3A_20 = tpu.matmul %get3A_1, %get3A_18, %dot_general3A_19 {dimension_numbers = #tpu.dot_dimension_numbers<[1], [0], [0], [1], [0, 0, 1, 1], [], []>, transpose_lhs_hint = false} : vector<1000x128xf32>, vector<128x64xf32>, vector<1000x64xf32> -> vector<1000x64xf32>
    %swap3A_21 = arith.constant 0 : index
    %swap3A_22 = arith.constant 0 : index
    %swap3A_23 = vector.load %arg7[%swap3A_21, %swap3A_22] : memref<1000x64xf32, #tpu.memory_space<vmem>>, vector<1000x64xf32>
    tpu.vector_store %arg7[%swap3A_21, %swap3A_22], %dot_general3A_20 {strides = array<i32>} : memref<1000x64xf32, #tpu.memory_space<vmem>>, vector<1000x64xf32>,
    return
  }
  func.func @transform_0(%arg0: i32) -> (i32, i32) {
    %c0_i32 = arith.constant 0 : i32
    %c0_i32_0 = arith.constant 0 : i32
    return %arg0, %c0_i32 : i32, i32
  }
  func.func @transform_1(%arg0: i32) -> (i32, i32) {
    %c0_i32 = arith.constant 0 : i32
    %c0_i32_0 = arith.constant 0 : i32
    return %arg0, %c0_i32 : i32, i32
  }
  func.func @transform_2(%arg0: i32) -> (i32, i32) {
    %c0_i32 = arith.constant 0 : i32
    %c0_i32_0 = arith.constant 0 : i32
    %c0_i32_1 = arith.constant 0 : i32
    return %c0_i32, %c0_i32_0 : i32, i32
  }
  func.func @transform_3(%arg0: i32) -> (i32, i32) {
    %c0_i32 = arith.constant 0 : i32
    %c0_i32_0 = arith.constant 0 : i32
    %c0_i32_1 = arith.constant 0 : i32
    return %c0_i32, %c0_i32_0 : i32, i32
  }
  func.func @transform_4(%arg0: i32) -> (i32, i32) {
    %c0_i32 = arith.constant 0 : i32
    %c0_i32_0 = arith.constant 0 : i32
    %c0_i32_1 = arith.constant 0 : i32
    return %c0_i32, %c0_i32_0 : i32, i32
  }
  func.func @transform_5(%arg0: i32) -> (i32, i32) {
    %c0_i32 = arith.constant 0 : i32
    %c0_i32_0 = arith.constant 0 : i32
    return %arg0, %c0_i32 : i32, i32
  }
  func.func @transform_6(%arg0: i32) -> (i32, i32) {
    %c0_i32 = arith.constant 0 : i32
    %c0_i32_0 = arith.constant 0 : i32
    return %arg0, %c0_i32 : i32, i32
  }
}

module attributes {stable_mosaic.version = 14 : i64} {
  func.func @_tcc_body(%arg0: i32, %arg1: memref<2x1000x64xf32, #tpu.memory_space<vmem>>, %arg2: memref<1000x64xf32, #tpu.memory_space<vmem>>, %arg3: memref<1000x64xf32, #tpu.memory_space<vmem>>, %arg4: memref<1000x1xf32, #tpu.memory_space<vmem>>, %arg5: memref<64x64xf32, #tpu.memory_space<vmem>>, %arg6: memref<1x64xf32, #tpu.memory_space<vmem>>, %arg7: memref<1000x64xf32, #tpu.memory_space<vmem>>) attributes {dimension_semantics = [#tpu.dimension_semantics<arbitrary>], iteration_bounds = array<i64: 10>, scalar_prefetch = 0 : i64, scratch_operands = 0 : i64, tpu.core_type = #tpu.core_type<tc>, window_params = [{transform_indices = @transform_0, window_bounds = array<i64: 2, 1000, 64>}, {transform_indices = @transform_1, window_bounds = array<i64: 1000, 64>}, {transform_indices = @transform_2, window_bounds = array<i64: 1000, 64>}, {transform_indices = @transform_3, window_bounds = array<i64: 1000, 1>}, {pipeline_mode = #tpu.pipeline_mode<synchronous>, transform_indices = @transform_4, window_bounds = array<i64: 64, 64>}, {pipeline_mode = #tpu.pipeline_mode<synchronous>, transform_indices = @transform_5, window_bounds = array<i64: 1, 64>}, {transform_indices = @transform_6, window_bounds = array<i64: 1000, 64>}]} {
    %get3A = arith.constant 0 : index
    %get3A_0 = arith.constant 0 : index
    %get3A_1 = vector.load %arg4[%get3A, %get3A_0] : memref<1000x1xf32, #tpu.memory_space<vmem>>, vector<1000x1xf32>
    %get3A_2 = arith.constant 0 : index
    %get3A_3 = arith.constant 0 : index
    %get3A_4 = arith.constant 0 : index
    %get3A_5 = vector.load %arg1[%get3A_2, %get3A_3, %get3A_4] : memref<2x1000x64xf32, #tpu.memory_space<vmem>>, vector<1x1000x64xf32>
    %get3A_6 = vector.shape_cast %get3A_5 : vector<1x1000x64xf32> to vector<1000x64xf32>
    %get3A_7 = arith.constant 1 : index
    %get3A_8 = arith.constant 0 : index
    %get3A_9 = arith.constant 0 : index
    %get3A_10 = vector.load %arg1[%get3A_7, %get3A_8, %get3A_9] : memref<2x1000x64xf32, #tpu.memory_space<vmem>>, vector<1x1000x64xf32>
    %get3A_11 = vector.shape_cast %get3A_10 : vector<1x1000x64xf32> to vector<1000x64xf32>
    %add3A = arith.addf %get3A_6, %get3A_11 : vector<1000x64xf32>
    %get3A_12 = arith.constant 0 : index
    %get3A_13 = arith.constant 0 : index
    %get3A_14 = vector.load %arg2[%get3A_12, %get3A_13] : memref<1000x64xf32, #tpu.memory_space<vmem>>, vector<1000x64xf32>
    %add3A_15 = arith.addf %add3A, %get3A_14 : vector<1000x64xf32>
    %mul3A = vector.broadcast %get3A_1 : vector<1000x1xf32> to vector<1000x64xf32>
    %mul3A_16 = arith.mulf %mul3A, %add3A_15 : vector<1000x64xf32>
    %get3A_17 = arith.constant 0 : index
    %get3A_18 = arith.constant 0 : index
    %get3A_19 = vector.load %arg3[%get3A_17, %get3A_18] : memref<1000x64xf32, #tpu.memory_space<vmem>>, vector<1000x64xf32>
    %get3A_20 = arith.constant 0 : index
    %get3A_21 = arith.constant 0 : index
    %get3A_22 = vector.load %arg5[%get3A_20, %get3A_21] : memref<64x64xf32, #tpu.memory_space<vmem>>, vector<64x64xf32>
    %dot_general3A = arith.constant dense<0.000000e+00> : vector<1000x64xf32>
    %dot_general3A_23 = tpu.matmul %mul3A_16, %get3A_22, %dot_general3A {dimension_numbers = #tpu.dot_dimension_numbers<[1], [0], [0], [1], [0, 0, 1, 1], [], []>, transpose_lhs_hint = false} : vector<1000x64xf32>, vector<64x64xf32>, vector<1000x64xf32> -> vector<1000x64xf32>
    %add3A_24 = arith.addf %get3A_19, %dot_general3A_23 : vector<1000x64xf32>
    %get3A_25 = arith.constant 0 : index
    %get3A_26 = arith.constant 0 : index
    %get3A_27 = vector.load %arg6[%get3A_25, %get3A_26] : memref<1x64xf32, #tpu.memory_space<vmem>>, vector<1x64xf32>
    %add3A_28 = vector.broadcast %get3A_27 : vector<1x64xf32> to vector<1000x64xf32>
    %add3A_29 = arith.addf %add3A_24, %add3A_28 : vector<1000x64xf32>
    %mul3A_30 = vector.broadcast %get3A_1 : vector<1000x1xf32> to vector<1000x64xf32>
    %mul3A_31 = arith.mulf %mul3A_30, %add3A_29 : vector<1000x64xf32>
    %swap3A = arith.constant 0 : index
    %swap3A_32 = arith.constant 0 : index
    %swap3A_33 = vector.load %arg7[%swap3A, %swap3A_32] : memref<1000x64xf32, #tpu.memory_space<vmem>>, vector<1000x64xf32>
    tpu.vector_store %arg7[%swap3A, %swap3A_32], %mul3A_31 {strides = array<i32>} : memref<1000x64xf32, #tpu.memory_space<vmem>>, vector<1000x64xf32>,
    return
  }
  func.func @transform_0(%arg0: i32) -> (i32, i32, i32) {
    %c0_i32 = arith.constant 0 : i32
    %c0_i32_0 = arith.constant 0 : i32
    %c0_i32_1 = arith.constant 0 : i32
    return %c0_i32, %arg0, %c0_i32_0 : i32, i32, i32
  }
  func.func @transform_1(%arg0: i32) -> (i32, i32) {
    %c0_i32 = arith.constant 0 : i32
    %c0_i32_0 = arith.constant 0 : i32
    return %arg0, %c0_i32 : i32, i32
  }
  func.func @transform_2(%arg0: i32) -> (i32, i32) {
    %c0_i32 = arith.constant 0 : i32
    %c0_i32_0 = arith.constant 0 : i32
    return %arg0, %c0_i32 : i32, i32
  }
  func.func @transform_3(%arg0: i32) -> (i32, i32) {
    %c0_i32 = arith.constant 0 : i32
    %c0_i32_0 = arith.constant 0 : i32
    return %arg0, %c0_i32 : i32, i32
  }
  func.func @transform_4(%arg0: i32) -> (i32, i32) {
    %c0_i32 = arith.constant 0 : i32
    %c0_i32_0 = arith.constant 0 : i32
    %c0_i32_1 = arith.constant 0 : i32
    return %c0_i32, %c0_i32_0 : i32, i32
  }
  func.func @transform_5(%arg0: i32) -> (i32, i32) {
    %c0_i32 = arith.constant 0 : i32
    %c0_i32_0 = arith.constant 0 : i32
    %c0_i32_1 = arith.constant 0 : i32
    return %c0_i32, %c0_i32_0 : i32, i32
  }
  func.func @transform_6(%arg0: i32) -> (i32, i32) {
    %c0_i32 = arith.constant 0 : i32
    %c0_i32_0 = arith.constant 0 : i32
    return %arg0, %c0_i32 : i32, i32
  }
}

module attributes {stable_mosaic.version = 14 : i64} {
  func.func @_tcd_body(%arg0: i32, %arg1: memref<2x1000x64xf32, #tpu.memory_space<vmem>>, %arg2: memref<1000x64xf32, #tpu.memory_space<vmem>>, %arg3: memref<1000x1xf32, #tpu.memory_space<vmem>>, %arg4: memref<64x47xf32, #tpu.memory_space<vmem>>, %arg5: memref<1x47xf32, #tpu.memory_space<vmem>>, %arg6: memref<1000x47xf32, #tpu.memory_space<vmem>>) attributes {dimension_semantics = [#tpu.dimension_semantics<arbitrary>], iteration_bounds = array<i64: 10>, scalar_prefetch = 0 : i64, scratch_operands = 0 : i64, tpu.core_type = #tpu.core_type<tc>, window_params = [{transform_indices = @transform_0, window_bounds = array<i64: 2, 1000, 64>}, {transform_indices = @transform_1, window_bounds = array<i64: 1000, 64>}, {transform_indices = @transform_2, window_bounds = array<i64: 1000, 1>}, {pipeline_mode = #tpu.pipeline_mode<synchronous>, transform_indices = @transform_3, window_bounds = array<i64: 64, 47>}, {pipeline_mode = #tpu.pipeline_mode<synchronous>, transform_indices = @transform_4, window_bounds = array<i64: 1, 47>}, {transform_indices = @transform_5, window_bounds = array<i64: 1000, 47>}]} {
    %get3A = arith.constant 0 : index
    %get3A_0 = arith.constant 0 : index
    %get3A_1 = vector.load %arg3[%get3A, %get3A_0] : memref<1000x1xf32, #tpu.memory_space<vmem>>, vector<1000x1xf32>
    %get3A_2 = arith.constant 0 : index
    %get3A_3 = arith.constant 0 : index
    %get3A_4 = arith.constant 0 : index
    %get3A_5 = vector.load %arg1[%get3A_2, %get3A_3, %get3A_4] : memref<2x1000x64xf32, #tpu.memory_space<vmem>>, vector<1x1000x64xf32>
    %get3A_6 = vector.shape_cast %get3A_5 : vector<1x1000x64xf32> to vector<1000x64xf32>
    %get3A_7 = arith.constant 1 : index
    %get3A_8 = arith.constant 0 : index
    %get3A_9 = arith.constant 0 : index
    %get3A_10 = vector.load %arg1[%get3A_7, %get3A_8, %get3A_9] : memref<2x1000x64xf32, #tpu.memory_space<vmem>>, vector<1x1000x64xf32>
    %get3A_11 = vector.shape_cast %get3A_10 : vector<1x1000x64xf32> to vector<1000x64xf32>
    %add3A = arith.addf %get3A_6, %get3A_11 : vector<1000x64xf32>
    %get3A_12 = arith.constant 0 : index
    %get3A_13 = arith.constant 0 : index
    %get3A_14 = vector.load %arg2[%get3A_12, %get3A_13] : memref<1000x64xf32, #tpu.memory_space<vmem>>, vector<1000x64xf32>
    %add3A_15 = arith.addf %add3A, %get3A_14 : vector<1000x64xf32>
    %mul3A = vector.broadcast %get3A_1 : vector<1000x1xf32> to vector<1000x64xf32>
    %mul3A_16 = arith.mulf %mul3A, %add3A_15 : vector<1000x64xf32>
    %get3A_17 = arith.constant 0 : index
    %get3A_18 = arith.constant 0 : index
    %get3A_19 = vector.load %arg4[%get3A_17, %get3A_18] : memref<64x47xf32, #tpu.memory_space<vmem>>, vector<64x47xf32>
    %dot_general3A = arith.constant dense<0.000000e+00> : vector<1000x47xf32>
    %dot_general3A_20 = tpu.matmul %mul3A_16, %get3A_19, %dot_general3A {dimension_numbers = #tpu.dot_dimension_numbers<[1], [0], [0], [1], [0, 0, 1, 1], [], []>, transpose_lhs_hint = false} : vector<1000x64xf32>, vector<64x47xf32>, vector<1000x47xf32> -> vector<1000x47xf32>
    %get3A_21 = arith.constant 0 : index
    %get3A_22 = arith.constant 0 : index
    %get3A_23 = vector.load %arg5[%get3A_21, %get3A_22] : memref<1x47xf32, #tpu.memory_space<vmem>>, vector<1x47xf32>
    %add3A_24 = vector.broadcast %get3A_23 : vector<1x47xf32> to vector<1000x47xf32>
    %add3A_25 = arith.addf %dot_general3A_20, %add3A_24 : vector<1000x47xf32>
    %swap3A = arith.constant 0 : index
    %swap3A_26 = arith.constant 0 : index
    %swap3A_27 = vector.load %arg6[%swap3A, %swap3A_26] : memref<1000x47xf32, #tpu.memory_space<vmem>>, vector<1000x47xf32>
    tpu.vector_store %arg6[%swap3A, %swap3A_26], %add3A_25 {strides = array<i32>} : memref<1000x47xf32, #tpu.memory_space<vmem>>, vector<1000x47xf32>,
    return
  }
  func.func @transform_0(%arg0: i32) -> (i32, i32, i32) {
    %c0_i32 = arith.constant 0 : i32
    %c0_i32_0 = arith.constant 0 : i32
    %c0_i32_1 = arith.constant 0 : i32
    return %c0_i32, %arg0, %c0_i32_0 : i32, i32, i32
  }
  func.func @transform_1(%arg0: i32) -> (i32, i32) {
    %c0_i32 = arith.constant 0 : i32
    %c0_i32_0 = arith.constant 0 : i32
    return %arg0, %c0_i32 : i32, i32
  }
  func.func @transform_2(%arg0: i32) -> (i32, i32) {
    %c0_i32 = arith.constant 0 : i32
    %c0_i32_0 = arith.constant 0 : i32
    return %arg0, %c0_i32 : i32, i32
  }
  func.func @transform_3(%arg0: i32) -> (i32, i32) {
    %c0_i32 = arith.constant 0 : i32
    %c0_i32_0 = arith.constant 0 : i32
    %c0_i32_1 = arith.constant 0 : i32
    return %c0_i32, %c0_i32_0 : i32, i32
  }
  func.func @transform_4(%arg0: i32) -> (i32, i32) {
    %c0_i32 = arith.constant 0 : i32
    %c0_i32_0 = arith.constant 0 : i32
    %c0_i32_1 = arith.constant 0 : i32
    return %c0_i32, %c0_i32_0 : i32, i32
  }
  func.func @transform_5(%arg0: i32) -> (i32, i32) {
    %c0_i32 = arith.constant 0 : i32
    %c0_i32_0 = arith.constant 0 : i32
    return %arg0, %c0_i32 : i32, i32
  }
}

</mosaic_0001>

<sc_bundles>
// kernel: kernel.11.cloned.1.call-start
scs
__scs_entry_jumppad:
0x0: {  	(pc) =	sbr.rel $0x88, $3  }
0x1: {  	(tag) =	ssettag $0x0;
	lr =	simm.s32 $0x1  }
0x2: {  	[smem:$0x3F8D] =	sst lr;
	_ =	strace $0xD0000000  }
0x3: {  	_ = 	snop  }
0x4: {  	_ = 	snop  }
0x5: {  	_ = 	snop  }
0x6: {  	_ = 	snop  }
0x7: {  	_ = 	snop  }
__scs_overlays_trampoline_lowered:
0x8: {  	[smem:$0x3F9C] =	sst s0  }
0x9: {  	[smem:$0x3F9D] =	sst s1  }
0xa: {  	[smem:$0x3F9E] =	sst s2  }
0xb: {  	[smem:$0x3F9F] =	sst s3  }
0xc: {  	[smem:$0x3FA0] =	sst s4  }
0xd: {  	[smem:$0x3FA1] =	sst s5  }
0xe: {  	[smem:$0x3FA2] =	sst s6  }
0xf: {  	[smem:$0x3FA3] =	sst s7  }
0x10: {  	[smem:$0x3FA4] =	sst s8  }
0x11: {  	[smem:$0x3FA5] =	sst s9;
	s0 =	simm.s32 @!p0 $0x0  }
0x12: {  	s1 =	sld [smem:$0x3F8B];
	s0 =	simm.s32 @p0 $0x1  }
0x13: {  	[smem:$0x3FA6] =	sst s0;
	s0 =	simm.s32 @!p1 $0x0  }
0x14: {  	s2 =	sld [smem:$0x3F8A];
	s0 =	simm.s32 @p1 $0x1  }
0x15: {  	[smem:$0x3FA7] =	sst s0;
	s0 =	simm.s32 @!p2 $0x0  }
0x16: {  	s3 =	sld [smem:$0x3FDB];
	s0 =	simm.s32 @p2 $0x1  }
0x17: {  	s4 =	simm.s32 $0x1BF5;
	[smem:$0x3FA9] =	sst s0  }
0x18: {  	s0 =	sld [smem:$0x3F8C];
	_ =	swait.ge [sflag:s4], $0x0  }
0x19: {  	s7 =	sld [smem:$0x3F8D]  }
0x1a: {  	s8 =	sadd.s32 $0xFFFFE003, lr  }
0x1b: {  	s9 =	sadd.s32 $0xFFFFFEF7, lr;
	s5 =	simm.s32 $0xFFFFFFFF;
	p2 =	slt.u32 s8, $0xFFFFF086  }
0x1c: {  	p1 =	slt.u32 s9, $0xF7A;
	s5 =	simm.s32 @!p2 $0x0  }
0x1d: {  	s5 =	simm.s32 @p1 $0x1;
	p0 =	seq.s32 s7, s2  }
0x1e: {  	s7 =	smul.u32 @!p0 $0xF7A, s2;
	p2 =	seq.s32 @!p0 s5, $0x0  }
0x1f: {  	s9 =	smul.u32 $0xF7A, s1;
	s8 =	simm.s32 @!p0 $0x1BF5;
	p2 =	por !p2, p0  }
0x20: {  	[sflag:s8] =	ssyncset.s32 @!p0 $0xFFFFF086;
	s6 =	sadd.s32 @!p0 s3, s7;
	s7 =	simm.s32 @!p0 $0x108  }
0x21: {  	s3 =	sadd.s32 s3, s9;
	s6 =	sadd.s32 @!p0 $0x88, s6;
	s7 =	simm.s32 @p2 $0x1082  }
0x22: {  	[simem:s7], [sflag:s8] =	dma.local @!p0 [hbm:s6], $0xF7A  }
0x23: {  	s9 =	sor.u32 $0xD0000000, s2;
	s6 =	simm.s32 $0x108;
	_ =	swait.ge @!p0 [sflag:s8], $0x0  }
0x24: {  	s3 =	sadd.s32 $0x88, s3;
	s6 =	simm.s32 @!p1 $0x1082;
	[sflag:s4] =	ssyncset.s32 $0xFFFFF086  }
0x25: {  	[simem:s6], [sflag:s4] =	dma.local [hbm:s3], $0xF7A  }
0x26: {  	[smem:$0x3F8D] =	sst s1;
	(tag) =	ssettag s2;
	_ =	strace s9  }
0x27: {  	s1 =	sld [smem:$0x3F9D]  }
0x28: {  	s2 =	sld [smem:$0x3F9E]  }
0x29: {  	s4 =	sld [smem:$0x3FA0]  }
0x2a: {  	p0 =	seq.s32 s5, $0x0;
	s5 =	sld [smem:$0x3FA1]  }
0x2b: {  	s6 =	sld [smem:$0x3FA2]  }
0x2c: {  	s7 =	sld [smem:$0x3FA3]  }
0x2d: {  	s3 =	simm.s32 $0x108;
	s8 =	sld [smem:$0x3FA4]  }
0x2e: {  	s3 =	simm.s32 @!p0 $0x1082;
	s9 =	sld [smem:$0x3FA5]  }
0x2f: {  	lr =	sadd.s32 s0, s3;
	s0 =	sld [smem:$0x3F9C]  }
0x30: {  	s3 =	sld [smem:$0x3F9F]  }
0x31: {  	[smem:$0x3FA8] =	sst s10  }
0x32: {  	s10 =	sld [smem:$0x3FA6];
	_ =	sdelay $0x3  }
0x33: {  	p0 =	seq.s32 s10, $0x1;
	s10 =	sld [smem:$0x3FA8];
	_ =	sdelay $0x3  }
0x34: {  	[smem:$0x3FA8] =	sst s10  }
0x35: {  	s10 =	sld [smem:$0x3FA7];
	_ =	sdelay $0x3  }
0x36: {  	p1 =	seq.s32 s10, $0x1;
	s10 =	sld [smem:$0x3FA8];
	_ =	sdelay $0x3  }
0x37: {  	[smem:$0x3FA8] =	sst s10  }
0x38: {  	s10 =	sld [smem:$0x3FA9]  }
0x39: {  	_ = 	snop;
	(pc) =	sbr.ind lr, $3  }
0x3a: {  	_ = 	snop  }
0x3b: {  	_ = 	snop  }
0x3c: {  	p2 =	seq.s32 s10, $0x1;
	s10 =	sld [smem:$0x3FA8]  }
0x3d: {  	_ =	shalt  }
0x3e: {  	_ =	shalt  }
0x3f: {  	_ =	shalt  }
0x40: {  	_ =	shalt  }
0x41: {  	_ =	shalt  }
0x42: {  	_ =	shalt  }
0x43: {  	_ =	shalt  }
0x44: {  	_ =	shalt  }
0x45: {  	_ =	shalt  }
0x46: {  	_ =	shalt  }
0x47: {  	_ =	shalt  }
0x48: {  	_ =	shalt  }
0x49: {  	_ =	shalt  }
0x4a: {  	_ =	shalt  }
0x4b: {  	_ =	shalt  }
0x4c: {  	_ =	shalt  }
0x4d: {  	_ =	shalt  }
0x4e: {  	_ =	shalt  }
0x4f: {  	_ =	shalt  }
0x50: {  	_ =	shalt  }
0x51: {  	_ =	shalt  }
0x52: {  	_ =	shalt  }
0x53: {  	_ =	shalt  }
0x54: {  	_ =	shalt  }
0x55: {  	_ =	shalt  }
0x56: {  	_ =	shalt  }
0x57: {  	_ =	shalt  }
0x58: {  	_ =	shalt  }
0x59: {  	_ =	shalt  }
0x5a: {  	_ =	shalt  }
0x5b: {  	_ =	shalt  }
0x5c: {  	_ =	shalt  }
0x5d: {  	_ =	shalt  }
0x5e: {  	_ =	shalt  }
0x5f: {  	_ =	shalt  }
0x60: {  	_ =	shalt  }
0x61: {  	_ =	shalt  }
0x62: {  	_ =	shalt  }
0x63: {  	_ =	shalt  }
0x64: {  	_ =	shalt  }
0x65: {  	_ =	shalt  }
0x66: {  	_ =	shalt  }
0x67: {  	_ =	shalt  }
0x68: {  	_ =	shalt  }
0x69: {  	_ =	shalt  }
0x6a: {  	_ =	shalt  }
0x6b: {  	_ =	shalt  }
0x6c: {  	_ =	shalt  }
0x6d: {  	_ =	shalt  }
0x6e: {  	_ =	shalt  }
0x6f: {  	_ =	shalt  }
0x70: {  	_ =	shalt  }
0x71: {  	_ =	shalt  }
0x72: {  	_ =	shalt  }
0x73: {  	_ =	shalt  }
0x74: {  	_ =	shalt  }
0x75: {  	_ =	shalt  }
0x76: {  	_ =	shalt  }
0x77: {  	_ =	shalt  }
0x78: {  	_ =	shalt  }
0x79: {  	_ =	shalt  }
0x7a: {  	_ =	shalt  }
0x7b: {  	_ =	shalt  }
0x7c: {  	_ =	shalt  }
0x7d: {  	_ =	shalt  }
0x7e: {  	_ =	shalt  }
0x7f: {  	_ =	shalt  }
0x80: {  	_ =	shalt  }
0x81: {  	_ =	shalt  }
0x82: {  	_ =	shalt  }
0x83: {  	_ =	shalt  }
0x84: {  	_ =	shalt  }
0x85: {  	_ =	shalt  }
0x86: {  	_ =	shalt  }
0x87: {  	_ =	shalt  }
.Lfunc_end0:
.L_simem_size_0:
called_computation.1_lowered:
.L_overlay_start_0:
0x88: {  	s2 =	sld [smem:$0x3FD9]  }
0x89: {  	s3 =	sld [smem:$0x3FFE];
	_ =	sdelay $0x1  }
0x8a: {  	s1 =	srdreg.scid  }
0x8b: {  	s0 =	sand.u32 $0x1, s1  }
0x8c: {  	s17 =	sshll.u32 s0, $0xA;
	s2 =	sadd.s32 s3, s2  }
0x8d: {  	s2 =	sadd.s32 s2, s17  }
0x8e: {  	[smem:$0x3FB4] =	sst s2  }
0x8f: {  	_ = 	snop  }
0x90: {  	s2 =	sld [smem:$0x3FD0];
	(tm) =	ssettm $0x1  }
0x91: {  	s18 =	sld [smem:$0x3FFB];
	_ =	sdelay $0x3  }
0x92: {  	_ =	strace s18  }
0x93: {  	s3 =	sld [smem:$0x3FFC];
	_ =	sdelay $0x3  }
0x94: {  	_ =	strace s3  }
0x95: {  	s3 =	sld [smem:$0x3FFD];
	_ =	sdelay $0x3  }
0x96: {  	_ =	strace s3  }
0x97: {  	_ =	strace $0x8FFFFFFF  }
0x98: {  	s19 =	sld [smem:$0x3FDB];
	_ =	sdelay $0x1  }
0x99: {  	s4 =	simm.s32 $_scs_section_size  }
0x9a: {  	s5 =	simm.s32 $_size__tile_overlayer_lowered;
	s6 =	simm.s32 $_tile_overlayer_lowered  }
0x9b: {  	s22 =	simm.s32 $0x1BFF;
	s21 =	sshll.u32 s6, $0x1;
	s3 =	sadd.s32 s4, s19  }
0x9c: {  	s7 =	simm.s32 $0x0;
	s20 =	sshll.u32 s5, $0x1;
	s5 =	sadd.s32 s21, s3  }
0x9d: {  	[timem:s7], [sflag:s22] =	dma.local [hbm:s5], s20  }
0x9e: {  	_ =	swait.ge [sflag:s22], s20  }
0x9f: {  	s4 =	ssub.s32 $0x0, s20;
	[sflag:s22] =	ssyncset.done $0x0  }
0xa0: {  	[sflag:s22] =	ssyncadd.s32 s4;
	_ =	sdelay $0x1  }
0xa1: {  	s23 =	simm.s32 $0x1B8B  }
0xa2: {  	_ =	swait.ge [sflag:s23], $0x1  }
0xa3: {  	[sflag:s23] =	ssyncset.done $0x0  }
0xa4: {  	s25 =	simm.s32 $0x1B8E;
	s24 =	sld [smem:$0x3FFE];
	[sflag:s23] =	ssyncadd.s32 $0xFFFFFFFF  }
0xa5: {  	s26 =	simm.s32 $execute0_lowered;
	[smem:$0x3FD2] =	sst s25  }
0xa6: {  	s5 =	sshll.u32 s26, $0x1;
	_ =	strace $0x80000049;
	[dreg:$0x1] =	wrdreg $0xFFFFFFFF  }
0xa7: {  	s28 =	simm.s32 $_size_execute0_lowered;
	s3 =	sadd.s32 s3, s5;
	[dreg:$0x0] =	wrdreg $0x0  }
0xa8: {  	s5 =	sshll.u32 s28, $0x1;
	[dreg:$0x2] =	wrdreg s3  }
0xa9: {  	[dreg:$0x3] =	wrdreg s5  }
0xaa: {  	[dreg:$0x4] =	wrdreg $0xC0  }
0xab: {  	_ =	task [dreg:s7], $0x5FFFF  }
0xac: {  	[dreg:$0x1] =	wrdreg $0xFFFFFFFF  }
0xad: {  	[dreg:$0x0] =	wrdreg $0x60  }
0xae: {  	[dreg:$0x2] =	wrdreg s24  }
0xaf: {  	[dreg:$0x3] =	wrdreg s2  }
0xb0: {  	[dreg:$0x4] =	wrdreg $0x11B000  }
0xb1: {  	[dreg:$0x5] =	wrdreg $0x9  }
0xb2: {  	_ =	task.clear_ibuf [dreg:s7], $0x6FFFF;
	_ =	strace $0x90000049  }
0xb3: {  	s29 =	simm.s32 $0x9;
	_ =	strace $0x8000004B  }
0xb4: {  	_ =	swait.ge [sflag:s29], $0x1  }
0xb5: {  	[sflag:s29] =	ssyncadd.s32 $0xFFFFFFFF  }
0xb6: {  	_ =	strace $0x9000004B  }
0xb7: {  	_ =	sfence  }
0xb8: {  	s30 =	sld [smem:$0x0];
	_ =	sdelay $0x2  }
0xb9: {  	s31 =	sshll.u32 s1, $0xD;
	s1 =	sshrl.u32 s1, $0x2  }
0xba: {  	s3 =	sand.u32 $0x4000, s31;
	s1 =	sadd.s32 s1, s30  }
0xbb: {  	s0 =	sor.u32 s3, s0;
	s1 =	sshll.u32 s1, $0x11  }
0xbc: {  	s0 =	sor.u32 s1, s0  }
0xbd: {  	s0 =	sadd.s32 $0x8F2B, s0  }
0xbe: {  	[sflag:s0] =	ssyncadd.remote.s32 $0x1  }
0xbf: {  	_ =	sfence.sel $0xFFFF  }
0xc0: {  	[dreg:$0x0] =	wrdreg $0xFFFFFFFF;
	(pc) =	sbr.abs _section_cstart, $3  }
0xc1: {  	[dreg:$0x1] =	wrdreg $0xFFFFFFFF  }
0xc2: {  	_ =	task.clear_ibuf [dreg:s7], $0x2FFFF;
	_ =	strace $0x9FFFFFFF  }
0xc3: {  	(tm) =	ssettm $0x7FFFFFFF  }
tec
execute0_lowered:
.L_overlay_start_1:
0x0: {  	(tag) =	ssettag $0x1  }
0x1: {  	s0 =	rddreg [dreg:$0x0]  }
0x2: {  	s1 =	rddreg [dreg:$0x1];
	s3 =	srdreg.scid  }
0x3: {  	s15 =	stileid.u32;
	s2 =	rddreg [dreg:$0x2]  }
0x4: {  	s16 =	simm.s32 $0x2800;
	s17 =	simm.s32 $0xCD00;
	s18 =	simm.s32 $0x7D  }
0x5: {  	s19 =	simm.s32 $0x5000;
	s21 =	simm.s32 $0x6F40;
	s22 =	simm.s32 $0x1  }
0x6: {  	s24 =	simm.s32 $0x8E80;
	s29 =	simm.s32 $0xADC0;
	s30 =	simm.s32 $0x3  }
0x7: {  	s20 =	simm.s32 $0x4;
	s31 =	simm.s32 $0x7;
	s23 =	simm.s32 $0x0  }
0x8: {  	s5 =	sand.u32 $0x1, s3;
	s4 =	sshll.u32 s15, $0x1;
	s3 =	simm.s32 $0x0  }
0x9: {  	s9 =	sadd.s32 $0x3400, s0;
	s11 =	smul.u32 $0x9C00, s15;
	s10 =	sadd.s32 $0x9C000, s2  }
0xa: {  	p0 =	sne.s32 s15, $0xF;
	s15 =	simm.s32 $0x9;
	s4 =	sor.u32 s5, s4  }
0xb: {  	[smem:$0x7FF] =	sst s3;
	s8 =	ssub.s32 $0x2, s5;
	s5 =	smul.u32 $0x9C400, s5  }
0xc: {  	s6 =	smul.u32 $0x500, s4;
	_ =	strace $0x8000004A;
	s4 =	sadd.s32 $0xE000, s0  }
0xd: {  	[dreg:$0x4] =	wrdreg s9;
	s25 =	sshrl.u32 s8, $0x1;
	s26 =	sadd.s32 $0x4E00, s11  }
0xe: {  	s14 =	ssub.s32 s8, s25;
	s8 =	sadd.s32 s11, s2;
	s9 =	sadd.s32 s26, s2  }
0xf: {  	s28 =	sadd.s32 s11, s5;
	s25 =	simm.s32 $0x2;
	s7 =	sadd.s32 s6, s0  }
0x10: {  	s0 =	sadd.s32 $0x21A00, s0;
	s1 =	sadd.s32 s1, s6;
	s6 =	sshrl.u32 s28, $0x3  }
.Ltmp0:
0x11: {  	s14 =	smax.u32 s14, $0x1;
	s7 =	sadd.s32 $0x4000, s7;
	(pc) =	sbr.rel .LBB2_1-.Ltmp0, $4  }
0x12: {  	[dreg:$0x6] =	wrdreg s1;
	s1 =	sadd.s32 s5, s26;
	s5 =	sshrl.u32 s5, $0x3  }
0x13: {  	s11 =	sadd.s32 s0, s6;
	s26 =	simm.s32 $0x6;
	s1 =	sshrl.u32 s1, $0x3  }
0x14: {  	[dreg:$0x5] =	wrdreg s7;
	s5 =	sadd.s32 s0, s5;
	s12 =	sadd.s32 s0, s1  }
0x15: {  	s13 =	sadd.s32 $0x13800, s5;
	s1 =	simm.s32 $0x5;
	s0 =	simm.s32 $0x8  }
.LBB2_4:
0x16: {  	_ =	swait.ge [sflag:s20], $0x1F40  }
0x17: {  	[sflag:s20] =	ssyncset.done $0x0  }
0x18: {  	[sflag:s20] =	ssyncadd.s32 $0xFFFFE0C0  }
0x19: {  	[spmem:s2] =	stream.indirect.scatter.add.f32 [tilespmem:s29], [sflag:$0x8], $0x40, s6, s18, $0xb8;
	[tilespmem:$0x1B740] =	vst v63  }
0x1a: {  	_ =	swait.ge [sflag:s1], $0x1F40  }
0x1b: {  	[sflag:s1] =	ssyncset.done $0x0  }
0x1c: {  	[sflag:s1] =	ssyncadd.s32 $0xFFFFE0C0  }
0x1d: {  	_ =	swait.ge [sflag:s26], $0x1F40  }
0x1e: {  	[sflag:s26] =	ssyncset.done $0x0  }
0x1f: {  	[sflag:s26] =	ssyncadd.s32 $0xFFFFE0C0  }
0x20: {  	_ =	swait.ge [sflag:s31], $0x1F40  }
0x21: {  	[sflag:s31] =	ssyncset.done $0x0  }
0x22: {  	[sflag:s31] =	ssyncadd.s32 $0xFFFFE0C0  }
0x23: {  	_ =	swait.ge [sflag:s0], $0x1F40  }
0x24: {  	[sflag:s0] =	ssyncset.done $0x0  }
0x25: {  	[sflag:s0] =	ssyncadd.s32 $0xFFFFE0C0  }
0x26: {  	[bflag:$0x0] =	sbarrier.arrive $0xFFFF  }
0x27: {  	[tilespmem:s17], [sflag:$0x9] =	stream.linear.gather [spmem:s8], $0x4E00, $0x38;
	[tilespmem:$0x1B740] =	vst v63  }
0x28: {  	_ =	swait.ge [sflag:s15], $0x4E00  }
0x29: {  	[sflag:s15] =	ssyncset.done $0x0  }
0x2a: {  	[sflag:s15] =	ssyncadd.s32 $0xFFFFB200  }
0x2b: {  	[hbm4b:s11+s3] =	stream.linear.scatter [tilespmem:s17], [sflag:$0x9], $0x4E00, $0x38;
	[tilespmem:$0x1B740] =	vst v63  }
0x2c: {  	_ =	swait.ge [sflag:s15], $0x4E00  }
0x2d: {  	[sflag:s15] =	ssyncset.done $0x0  }
0x2e: {  	[sflag:s15] =	ssyncadd.s32 $0xFFFFB200  }
0x2f: {  	[tilespmem:s17], [sflag:$0x9] =	stream.linear.gather [spmem:s9], $0x4E00, $0x38;
	[tilespmem:$0x1B740] =	vst v63  }
0x30: {  	_ =	swait.ge [sflag:s15], $0x4E00  }
0x31: {  	[sflag:s15] =	ssyncset.done $0x0  }
0x32: {  	[sflag:s15] =	ssyncadd.s32 $0xFFFFB200  }
0x33: {  	[hbm4b:s12+s3] =	stream.linear.scatter [tilespmem:s17], [sflag:$0x9], $0x4E00, $0x38;
	[tilespmem:$0x1B740] =	vst v63  }
0x34: {  	_ =	swait.ge [sflag:s15], $0x4E00  }
0x35: {  	[sflag:s15] =	ssyncset.done $0x0  }
0x36: {  	s5 =	simm.s32 @!p0 $0xCD00;
	s6 =	simm.s32 @!p0 $0x9;
	[sflag:s15] =	ssyncadd.s32 $0xFFFFB200  }
0x37: {  	[tilespmem:s5], [sflag:$0x9] =	stream.linear.gather @!p0 [spmem:s10], $0x400, $0x38;
	[tilespmem:$0x1B740] =	vst v63  }
0x38: {  	s23 =	sadd.s32 $0x1, s23;
	_ =	swait.ge @!p0 [sflag:s6], $0x400  }
0x39: {  	p1 =	sne.s32 s23, s14;
	[sflag:s6] =	ssyncset.done @!p0 $0x0  }
.Ltmp1:
0x3a: {  	s7 =	simm.s32 @!p0 $0x0;
	[sflag:s6] =	ssyncadd.s32 @!p0 $0xFFFFFC00;
	(pc) =	sbr.rel @!p1 .LBB2_5-.Ltmp1, $4  }
0x3b: {  	[hbm4b:s13+s7] =	stream.linear.scatter @!p0 [tilespmem:s5], [sflag:$0x9], $0x400, $0x38;
	[tilespmem:$0x1B740] =	vst v63  }
0x3c: {  	_ =	swait.ge @!p0 [sflag:s6], $0x400  }
0x3d: {  	[sflag:s6] =	ssyncset.done @!p0 $0x0  }
0x3e: {  	[sflag:s6] =	ssyncadd.s32 @!p0 $0xFFFFFC00  }
.LBB2_1:
0x3f: {  	s5 =	rddreg [dreg:$0x5]  }
0x40: {  	[tilespmem:s3], [sflag:$0x9] =	stream.linear.gather [hbm4b:s5+s3], $0x2800, $0x38;
	[tilespmem:$0x1B740] =	vst v63  }
0x41: {  	_ =	swait.ge [sflag:s15], $0x2800  }
0x42: {  	[sflag:s15] =	ssyncset.done $0x0  }
0x43: {  	s6 =	rddreg [dreg:$0x6];
	[sflag:s15] =	ssyncadd.s32 $0xFFFFD800  }
0x44: {  	[tilespmem:s16], [sflag:$0x9] =	stream.linear.gather [hbm4b:s6+s3], $0x2800, $0x38;
	[tilespmem:$0x1B740] =	vst v63  }
0x45: {  	_ =	swait.ge [sflag:s15], $0x2800  }
0x46: {  	[sflag:s15] =	ssyncset.done $0x0  }
0x47: {  	s7 =	rddreg [dreg:$0x4];
	[sflag:s15] =	ssyncadd.s32 $0xFFFFD800  }
0x48: {  	[tilespmem:s17], [sflag:$0x9] =	stream.linear.gather [hbm4b:s7+s3], $0x4E00, $0x38;
	[tilespmem:$0x1B740] =	vst v63  }
0x49: {  	_ =	swait.ge [sflag:s15], $0x4E00  }
0x4a: {  	[sflag:s15] =	ssyncset.done $0x0  }
0x4b: {  	[sflag:s15] =	ssyncadd.s32 $0xFFFFB200  }
0x4c: {  	[spmem:s8] =	stream.linear.scatter [tilespmem:s17], [sflag:$0x9], $0x4E00, $0x38;
	[tilespmem:$0x1B740] =	vst v63  }
0x4d: {  	_ =	swait.ge [sflag:s15], $0x4E00  }
0x4e: {  	[sflag:s15] =	ssyncset.done $0x0  }
0x4f: {  	[sflag:s15] =	ssyncadd.s32 $0xFFFFB200  }
0x50: {  	[spmem:s9] =	stream.linear.scatter [tilespmem:s17], [sflag:$0x9], $0x4E00, $0x38;
	[tilespmem:$0x1B740] =	vst v63  }
0x51: {  	_ =	swait.ge [sflag:s15], $0x4E00  }
0x52: {  	[sflag:s15] =	ssyncset.done $0x0  }
0x53: {  	s5 =	simm.s32 @!p0 $0xCD00;
	[sflag:s15] =	ssyncadd.s32 $0xFFFFB200  }
0x54: {  	[spmem:s10] =	stream.linear.scatter @!p0 [tilespmem:s5], [sflag:$0x9], $0x400, $0x38;
	[tilespmem:$0x1B740] =	vst v63  }
0x55: {  	s5 =	simm.s32 @!p0 $0x9  }
0x56: {  	_ =	swait.ge @!p0 [sflag:s5], $0x400  }
0x57: {  	[sflag:s5] =	ssyncset.done @!p0 $0x0  }
0x58: {  	[sflag:s5] =	ssyncadd.s32 @!p0 $0xFFFFFC00  }
0x59: {  	[bflag:$0x0] =	sbarrier.arrive $0xFFFF  }
0x5a: {  	[tilespmem:s19], [sflag:$0x1] =	stream.indirect.gather [hbm4b:s4+s18], $0x40, s3, s18, $0xb8;
	[tilespmem:$0x1B740] =	vst v63  }
0x5b: {  	s6 =	simm.s32 $0x80  }
0x5c: {  	[tilespmem:s21], [sflag:$0x2] =	stream.indirect.gather [hbm4b:s4+s18], $0x40, s6, s18, $0xb8;
	[tilespmem:$0x1B740] =	vst v63  }
0x5d: {  	_ =	swait.ge [sflag:s22], $0x1F40  }
0x5e: {  	[sflag:s22] =	ssyncset.done $0x0  }
0x5f: {  	[sflag:s22] =	ssyncadd.s32 $0xFFFFE0C0  }
0x60: {  	[spmem:s2] =	stream.indirect.scatter.add.f32 [tilespmem:s19], [sflag:$0x5], $0x40, s16, s18, $0xb8;
	[tilespmem:$0x1B740] =	vst v63  }
0x61: {  	s7 =	simm.s32 $0x100  }
0x62: {  	[tilespmem:s24], [sflag:$0x3] =	stream.indirect.gather [hbm4b:s4+s18], $0x40, s7, s18, $0xb8;
	[tilespmem:$0x1B740] =	vst v63  }
0x63: {  	_ =	swait.ge [sflag:s25], $0x1F40  }
0x64: {  	[sflag:s25] =	ssyncset.done $0x0  }
0x65: {  	s6 =	simm.s32 $0x2880;
	[sflag:s25] =	ssyncadd.s32 $0xFFFFE0C0  }
0x66: {  	[spmem:s2] =	stream.indirect.scatter.add.f32 [tilespmem:s21], [sflag:$0x6], $0x40, s6, s18, $0xb8;
	[tilespmem:$0x1B740] =	vst v63  }
0x67: {  	s7 =	simm.s32 $0x180  }
0x68: {  	[tilespmem:s29], [sflag:$0x4] =	stream.indirect.gather [hbm4b:s4+s18], $0x40, s7, s18, $0xb8;
	[tilespmem:$0x1B740] =	vst v63  }
0x69: {  	_ =	swait.ge [sflag:s30], $0x1F40  }
0x6a: {  	[sflag:s30] =	ssyncset.done $0x0  }
0x6b: {  	s6 =	simm.s32 $0x2900;
	[sflag:s30] =	ssyncadd.s32 $0xFFFFE0C0  }
0x6c: {  	[spmem:s2] =	stream.indirect.scatter.add.f32 [tilespmem:s24], [sflag:$0x7], $0x40, s6, s18, $0xb8;
	[tilespmem:$0x1B740] =	vst v63  }
0x6d: {  	_ =	swait.ge [sflag:s1], $0x1F40  }
0x6e: {  	[sflag:s1] =	ssyncset.done $0x0  }
0x6f: {  	s7 =	simm.s32 $0x200;
	[sflag:s1] =	ssyncadd.s32 $0xFFFFE0C0  }
0x70: {  	[tilespmem:s19], [sflag:$0x1] =	stream.indirect.gather [hbm4b:s4+s18], $0x40, s7, s18, $0xb8;
	[tilespmem:$0x1B740] =	vst v63  }
0x71: {  	_ =	swait.ge [sflag:s20], $0x1F40  }
0x72: {  	[sflag:s20] =	ssyncset.done $0x0  }
0x73: {  	s6 =	simm.s32 $0x2980;
	[sflag:s20] =	ssyncadd.s32 $0xFFFFE0C0  }
0x74: {  	[spmem:s2] =	stream.indirect.scatter.add.f32 [tilespmem:s29], [sflag:$0x8], $0x40, s6, s18, $0xb8;
	[tilespmem:$0x1B740] =	vst v63  }
0x75: {  	_ =	swait.ge [sflag:s26], $0x1F40  }
0x76: {  	[sflag:s26] =	ssyncset.done $0x0  }
0x77: {  	s28 =	simm.s32 $0x0;
	s7 =	simm.s32 $0x280;
	[sflag:s26] =	ssyncadd.s32 $0xFFFFE0C0  }
0x78: {  	[tilespmem:s21], [sflag:$0x2] =	stream.indirect.gather [hbm4b:s4+s18], $0x40, s7, s18, $0xb8;
	[tilespmem:$0x1B740] =	vst v63  }
.LBB2_2:
0x79: {  	_ =	swait.ge [sflag:s22], $0x1F40  }
0x7a: {  	s5 =	sshra.s32 s28, $0x2;
	[sflag:s22] =	ssyncset.done $0x0  }
0x7b: {  	s6 =	sadd.s32 $0x2A00, s5;
	[sflag:s22] =	ssyncadd.s32 $0xFFFFE0C0  }
0x7c: {  	[spmem:s2] =	stream.indirect.scatter.add.f32 [tilespmem:s19], [sflag:$0x5], $0x40, s6, s18, $0xb8;
	[tilespmem:$0x1B740] =	vst v63  }
0x7d: {  	_ =	swait.ge [sflag:s31], $0x1F40  }
0x7e: {  	[sflag:s31] =	ssyncset.done $0x0  }
0x7f: {  	s7 =	sadd.s32 $0x300, s5;
	[sflag:s31] =	ssyncadd.s32 $0xFFFFE0C0  }
0x80: {  	[tilespmem:s24], [sflag:$0x3] =	stream.indirect.gather [hbm4b:s4+s18], $0x40, s7, s18, $0xb8;
	[tilespmem:$0x1B740] =	vst v63  }
0x81: {  	_ =	swait.ge [sflag:s25], $0x1F40  }
0x82: {  	[sflag:s25] =	ssyncset.done $0x0  }
0x83: {  	s7 =	sadd.s32 $0x2A80, s5;
	[sflag:s25] =	ssyncadd.s32 $0xFFFFE0C0  }
0x84: {  	[spmem:s2] =	stream.indirect.scatter.add.f32 [tilespmem:s21], [sflag:$0x6], $0x40, s7, s18, $0xb8;
	[tilespmem:$0x1B740] =	vst v63  }
0x85: {  	_ =	swait.ge [sflag:s0], $0x1F40  }
0x86: {  	[sflag:s0] =	ssyncset.done $0x0  }
0x87: {  	p1 =	seq.s32 s28, $0x9000;
	s7 =	sadd.s32 $0x380, s5;
	[sflag:s0] =	ssyncadd.s32 $0xFFFFE0C0  }
0x88: {  	[tilespmem:s29], [sflag:$0x4] =	stream.indirect.gather [hbm4b:s4+s18], $0x40, s7, s18, $0xb8;
	[tilespmem:$0x1B740] =	vst v63  }
.Ltmp2:
0x89: {  	_ = 	snop;
	(pc) =	sbr.rel @p1 .LBB2_4-.Ltmp2, $4  }
0x8a: {  	_ =	swait.ge [sflag:s30], $0x1F40  }
0x8b: {  	[sflag:s30] =	ssyncset.done $0x0  }
0x8c: {  	s6 =	sadd.s32 $0x2B80, s5;
	s7 =	sadd.s32 $0x2B00, s5;
	[sflag:s30] =	ssyncadd.s32 $0xFFFFE0C0  }
0x8d: {  	[spmem:s2] =	stream.indirect.scatter.add.f32 [tilespmem:s24], [sflag:$0x7], $0x40, s7, s18, $0xb8;
	[tilespmem:$0x1B740] =	vst v63  }
0x8e: {  	_ =	swait.ge [sflag:s1], $0x1F40  }
0x8f: {  	[sflag:s1] =	ssyncset.done $0x0  }
0x90: {  	s7 =	sadd.s32 $0x400, s5;
	[sflag:s1] =	ssyncadd.s32 $0xFFFFE0C0  }
0x91: {  	[tilespmem:s19], [sflag:$0x1] =	stream.indirect.gather [hbm4b:s4+s18], $0x40, s7, s18, $0xb8;
	[tilespmem:$0x1B740] =	vst v63  }
0x92: {  	_ =	swait.ge [sflag:s20], $0x1F40  }
0x93: {  	[sflag:s20] =	ssyncset.done $0x0  }
0x94: {  	[sflag:s20] =	ssyncadd.s32 $0xFFFFE0C0  }
0x95: {  	[spmem:s2] =	stream.indirect.scatter.add.f32 [tilespmem:s29], [sflag:$0x8], $0x40, s6, s18, $0xb8;
	[tilespmem:$0x1B740] =	vst v63  }
.Ltmp3:
0x96: {  	_ = 	snop;
	(pc) =	sbr.rel .LBB2_2-.Ltmp3, $4  }
0x97: {  	_ =	swait.ge [sflag:s26], $0x1F40  }
0x98: {  	[sflag:s26] =	ssyncset.done $0x0  }
0x99: {  	s28 =	sadd.s32 $0x800, s28;
	s7 =	sadd.s32 $0x480, s5;
	[sflag:s26] =	ssyncadd.s32 $0xFFFFE0C0  }
0x9a: {  	[tilespmem:s21], [sflag:$0x2] =	stream.indirect.gather [hbm4b:s4+s18], $0x40, s7, s18, $0xb8;
	[tilespmem:$0x1B740] =	vst v63  }
.LBB2_5:
0x9b: {  	_ =	sfence.sel $0x180000  }
0x9c: {  	[bflag:$0x0] =	sbarrier.arrive $0xFFFF  }
0x9d: {  	_ =	strace $0x9000004A  }
0x9e: {  	s0 =	stileid.u32;
	[bflag:$0x2] =	sbarrier.arrive $0xFFFF  }
0x9f: {  	p0 =	sne.s32 s0, $0x0;
	s0 =	rddreg [dreg:$0x3]  }
0xa0: {  	s0 =	sadd.s32 @!p0 $0x100000, s0  }
0xa1: {  	[sflag:s0] =	ssyncadd.tile.s32 @!p0 $0x1;
	_ =	shalt  }
.Lfunc_end2:
_tile_overlayer_lowered:
.L_overlay_start_2:
0xa2: {  	(tag) =	ssettag $0x2  }
0xa3: {  	s0 =	rddreg [dreg:$0x0];
	s2 =	stileid.u32  }
0xa4: {  	s1 =	rddreg [dreg:$0x1];
	p0 =	sne.s32 s2, $0x0  }
0xa5: {  	s3 =	rddreg [dreg:$0x2];
	[bflag:$0x3] =	sbarrier.arrive $0xFFFF;
	s2 =	simm.s32 @!p0 $0x1C09  }
0xa6: {  	[timem:s3], [sflag:s2] =	dma.local @!p0 [hbm:s0], s1  }
0xa7: {  	s0 =	simm.s32 @!p0 $0x9  }
0xa8: {  	_ =	swait.ge @!p0 [sflag:s0], s1  }
0xa9: {  	s1 =	ssub.s32 @!p0 $0x0, s1;
	[sflag:s0] =	ssyncset.done @!p0 $0x0  }
0xaa: {  	[sflag:s0] =	ssyncadd.s32 @!p0 s1  }
0xab: {  	[bflag:$0x3] =	sbarrier.arrive $0xFFFF  }
0xac: {  	_ =	shalt  }

// kernel: kernel.14.cloned.1.call-start
scs
__scs_entry_jumppad:
0x0: {  	(pc) =	sbr.rel $0x88, $3  }
0x1: {  	(tag) =	ssettag $0x0;
	lr =	simm.s32 $0x1  }
0x2: {  	[smem:$0x3F8D] =	sst lr;
	_ =	strace $0xD0000000  }
0x3: {  	_ = 	snop  }
0x4: {  	_ = 	snop  }
0x5: {  	_ = 	snop  }
0x6: {  	_ = 	snop  }
0x7: {  	_ = 	snop  }
__scs_overlays_trampoline_lowered:
0x8: {  	[smem:$0x3F9C] =	sst s0  }
0x9: {  	[smem:$0x3F9D] =	sst s1  }
0xa: {  	[smem:$0x3F9E] =	sst s2  }
0xb: {  	[smem:$0x3F9F] =	sst s3  }
0xc: {  	[smem:$0x3FA0] =	sst s4  }
0xd: {  	[smem:$0x3FA1] =	sst s5  }
0xe: {  	[smem:$0x3FA2] =	sst s6  }
0xf: {  	[smem:$0x3FA3] =	sst s7  }
0x10: {  	[smem:$0x3FA4] =	sst s8  }
0x11: {  	[smem:$0x3FA5] =	sst s9;
	s0 =	simm.s32 @!p0 $0x0  }
0x12: {  	s1 =	sld [smem:$0x3F8B];
	s0 =	simm.s32 @p0 $0x1  }
0x13: {  	[smem:$0x3FA6] =	sst s0;
	s0 =	simm.s32 @!p1 $0x0  }
0x14: {  	s2 =	sld [smem:$0x3F8A];
	s0 =	simm.s32 @p1 $0x1  }
0x15: {  	[smem:$0x3FA7] =	sst s0;
	s0 =	simm.s32 @!p2 $0x0  }
0x16: {  	s3 =	sld [smem:$0x3FDB];
	s0 =	simm.s32 @p2 $0x1  }
0x17: {  	s4 =	simm.s32 $0x1BF5;
	[smem:$0x3FA9] =	sst s0  }
0x18: {  	s0 =	sld [smem:$0x3F8C];
	_ =	swait.ge [sflag:s4], $0x0  }
0x19: {  	s7 =	sld [smem:$0x3F8D]  }
0x1a: {  	s8 =	sadd.s32 $0xFFFFE003, lr  }
0x1b: {  	s9 =	sadd.s32 $0xFFFFFEF7, lr;
	s5 =	simm.s32 $0xFFFFFFFF;
	p2 =	slt.u32 s8, $0xFFFFF086  }
0x1c: {  	p1 =	slt.u32 s9, $0xF7A;
	s5 =	simm.s32 @!p2 $0x0  }
0x1d: {  	s5 =	simm.s32 @p1 $0x1;
	p0 =	seq.s32 s7, s2  }
0x1e: {  	s7 =	smul.u32 @!p0 $0xF7A, s2;
	p2 =	seq.s32 @!p0 s5, $0x0  }
0x1f: {  	s9 =	smul.u32 $0xF7A, s1;
	s8 =	simm.s32 @!p0 $0x1BF5;
	p2 =	por !p2, p0  }
0x20: {  	[sflag:s8] =	ssyncset.s32 @!p0 $0xFFFFF086;
	s6 =	sadd.s32 @!p0 s3, s7;
	s7 =	simm.s32 @!p0 $0x108  }
0x21: {  	s3 =	sadd.s32 s3, s9;
	s6 =	sadd.s32 @!p0 $0x88, s6;
	s7 =	simm.s32 @p2 $0x1082  }
0x22: {  	[simem:s7], [sflag:s8] =	dma.local @!p0 [hbm:s6], $0xF7A  }
0x23: {  	s9 =	sor.u32 $0xD0000000, s2;
	s6 =	simm.s32 $0x108;
	_ =	swait.ge @!p0 [sflag:s8], $0x0  }
0x24: {  	s3 =	sadd.s32 $0x88, s3;
	s6 =	simm.s32 @!p1 $0x1082;
	[sflag:s4] =	ssyncset.s32 $0xFFFFF086  }
0x25: {  	[simem:s6], [sflag:s4] =	dma.local [hbm:s3], $0xF7A  }
0x26: {  	[smem:$0x3F8D] =	sst s1;
	(tag) =	ssettag s2;
	_ =	strace s9  }
0x27: {  	s1 =	sld [smem:$0x3F9D]  }
0x28: {  	s2 =	sld [smem:$0x3F9E]  }
0x29: {  	s4 =	sld [smem:$0x3FA0]  }
0x2a: {  	p0 =	seq.s32 s5, $0x0;
	s5 =	sld [smem:$0x3FA1]  }
0x2b: {  	s6 =	sld [smem:$0x3FA2]  }
0x2c: {  	s7 =	sld [smem:$0x3FA3]  }
0x2d: {  	s3 =	simm.s32 $0x108;
	s8 =	sld [smem:$0x3FA4]  }
0x2e: {  	s3 =	simm.s32 @!p0 $0x1082;
	s9 =	sld [smem:$0x3FA5]  }
0x2f: {  	lr =	sadd.s32 s0, s3;
	s0 =	sld [smem:$0x3F9C]  }
0x30: {  	s3 =	sld [smem:$0x3F9F]  }
0x31: {  	[smem:$0x3FA8] =	sst s10  }
0x32: {  	s10 =	sld [smem:$0x3FA6];
	_ =	sdelay $0x3  }
0x33: {  	p0 =	seq.s32 s10, $0x1;
	s10 =	sld [smem:$0x3FA8];
	_ =	sdelay $0x3  }
0x34: {  	[smem:$0x3FA8] =	sst s10  }
0x35: {  	s10 =	sld [smem:$0x3FA7];
	_ =	sdelay $0x3  }
0x36: {  	p1 =	seq.s32 s10, $0x1;
	s10 =	sld [smem:$0x3FA8];
	_ =	sdelay $0x3  }
0x37: {  	[smem:$0x3FA8] =	sst s10  }
0x38: {  	s10 =	sld [smem:$0x3FA9]  }
0x39: {  	_ = 	snop;
	(pc) =	sbr.ind lr, $3  }
0x3a: {  	_ = 	snop  }
0x3b: {  	_ = 	snop  }
0x3c: {  	p2 =	seq.s32 s10, $0x1;
	s10 =	sld [smem:$0x3FA8]  }
0x3d: {  	_ =	shalt  }
0x3e: {  	_ =	shalt  }
0x3f: {  	_ =	shalt  }
0x40: {  	_ =	shalt  }
0x41: {  	_ =	shalt  }
0x42: {  	_ =	shalt  }
0x43: {  	_ =	shalt  }
0x44: {  	_ =	shalt  }
0x45: {  	_ =	shalt  }
0x46: {  	_ =	shalt  }
0x47: {  	_ =	shalt  }
0x48: {  	_ =	shalt  }
0x49: {  	_ =	shalt  }
0x4a: {  	_ =	shalt  }
0x4b: {  	_ =	shalt  }
0x4c: {  	_ =	shalt  }
0x4d: {  	_ =	shalt  }
0x4e: {  	_ =	shalt  }
0x4f: {  	_ =	shalt  }
0x50: {  	_ =	shalt  }
0x51: {  	_ =	shalt  }
0x52: {  	_ =	shalt  }
0x53: {  	_ =	shalt  }
0x54: {  	_ =	shalt  }
0x55: {  	_ =	shalt  }
0x56: {  	_ =	shalt  }
0x57: {  	_ =	shalt  }
0x58: {  	_ =	shalt  }
0x59: {  	_ =	shalt  }
0x5a: {  	_ =	shalt  }
0x5b: {  	_ =	shalt  }
0x5c: {  	_ =	shalt  }
0x5d: {  	_ =	shalt  }
0x5e: {  	_ =	shalt  }
0x5f: {  	_ =	shalt  }
0x60: {  	_ =	shalt  }
0x61: {  	_ =	shalt  }
0x62: {  	_ =	shalt  }
0x63: {  	_ =	shalt  }
0x64: {  	_ =	shalt  }
0x65: {  	_ =	shalt  }
0x66: {  	_ =	shalt  }
0x67: {  	_ =	shalt  }
0x68: {  	_ =	shalt  }
0x69: {  	_ =	shalt  }
0x6a: {  	_ =	shalt  }
0x6b: {  	_ =	shalt  }
0x6c: {  	_ =	shalt  }
0x6d: {  	_ =	shalt  }
0x6e: {  	_ =	shalt  }
0x6f: {  	_ =	shalt  }
0x70: {  	_ =	shalt  }
0x71: {  	_ =	shalt  }
0x72: {  	_ =	shalt  }
0x73: {  	_ =	shalt  }
0x74: {  	_ =	shalt  }
0x75: {  	_ =	shalt  }
0x76: {  	_ =	shalt  }
0x77: {  	_ =	shalt  }
0x78: {  	_ =	shalt  }
0x79: {  	_ =	shalt  }
0x7a: {  	_ =	shalt  }
0x7b: {  	_ =	shalt  }
0x7c: {  	_ =	shalt  }
0x7d: {  	_ =	shalt  }
0x7e: {  	_ =	shalt  }
0x7f: {  	_ =	shalt  }
0x80: {  	_ =	shalt  }
0x81: {  	_ =	shalt  }
0x82: {  	_ =	shalt  }
0x83: {  	_ =	shalt  }
0x84: {  	_ =	shalt  }
0x85: {  	_ =	shalt  }
0x86: {  	_ =	shalt  }
0x87: {  	_ =	shalt  }
.Lfunc_end0:
.L_simem_size_0:
called_computation.2_lowered:
.L_overlay_start_0:
0x88: {  	s2 =	sld [smem:$0x3FD9]  }
0x89: {  	s3 =	sld [smem:$0x3FFE];
	_ =	sdelay $0x1  }
0x8a: {  	s1 =	srdreg.scid  }
0x8b: {  	s0 =	sand.u32 $0x1, s1  }
0x8c: {  	s17 =	sshll.u32 s0, $0xA;
	s2 =	sadd.s32 s3, s2  }
0x8d: {  	s2 =	sadd.s32 s2, s17  }
0x8e: {  	[smem:$0x3FB4] =	sst s2  }
0x8f: {  	_ = 	snop  }
0x90: {  	s2 =	sld [smem:$0x3FD0];
	(tm) =	ssettm $0x1  }
0x91: {  	s18 =	sld [smem:$0x3FFB];
	_ =	sdelay $0x3  }
0x92: {  	_ =	strace s18  }
0x93: {  	s3 =	sld [smem:$0x3FFC];
	_ =	sdelay $0x3  }
0x94: {  	_ =	strace s3  }
0x95: {  	s3 =	sld [smem:$0x3FFD];
	_ =	sdelay $0x3  }
0x96: {  	_ =	strace s3  }
0x97: {  	_ =	strace $0x8FFFFFFF  }
0x98: {  	s19 =	sld [smem:$0x3FDB];
	_ =	sdelay $0x1  }
0x99: {  	s4 =	simm.s32 $_scs_section_size  }
0x9a: {  	s5 =	simm.s32 $_size__tile_overlayer_lowered;
	s6 =	simm.s32 $_tile_overlayer_lowered  }
0x9b: {  	s22 =	simm.s32 $0x1BFF;
	s21 =	sshll.u32 s6, $0x1;
	s3 =	sadd.s32 s4, s19  }
0x9c: {  	s7 =	simm.s32 $0x0;
	s20 =	sshll.u32 s5, $0x1;
	s5 =	sadd.s32 s21, s3  }
0x9d: {  	[timem:s7], [sflag:s22] =	dma.local [hbm:s5], s20  }
0x9e: {  	_ =	swait.ge [sflag:s22], s20  }
0x9f: {  	s4 =	ssub.s32 $0x0, s20;
	[sflag:s22] =	ssyncset.done $0x0  }
0xa0: {  	[sflag:s22] =	ssyncadd.s32 s4;
	_ =	sdelay $0x1  }
0xa1: {  	s23 =	simm.s32 $0x1B8B  }
0xa2: {  	_ =	swait.ge [sflag:s23], $0x1  }
0xa3: {  	[sflag:s23] =	ssyncset.done $0x0  }
0xa4: {  	s25 =	simm.s32 $0x1B8E;
	s24 =	sld [smem:$0x3FFE];
	[sflag:s23] =	ssyncadd.s32 $0xFFFFFFFF  }
0xa5: {  	s26 =	simm.s32 $execute0_lowered;
	[smem:$0x3FD2] =	sst s25  }
0xa6: {  	s5 =	sshll.u32 s26, $0x1;
	_ =	strace $0x8000004C;
	[dreg:$0x1] =	wrdreg $0xFFFFFFFF  }
0xa7: {  	s28 =	simm.s32 $_size_execute0_lowered;
	s3 =	sadd.s32 s3, s5;
	[dreg:$0x0] =	wrdreg $0x0  }
0xa8: {  	s5 =	sshll.u32 s28, $0x1;
	[dreg:$0x2] =	wrdreg s3  }
0xa9: {  	[dreg:$0x3] =	wrdreg s5  }
0xaa: {  	[dreg:$0x4] =	wrdreg $0xC0  }
0xab: {  	_ =	task [dreg:s7], $0x5FFFF  }
0xac: {  	[dreg:$0x1] =	wrdreg $0xFFFFFFFF  }
0xad: {  	[dreg:$0x0] =	wrdreg $0x60  }
0xae: {  	[dreg:$0x2] =	wrdreg s24  }
0xaf: {  	[dreg:$0x3] =	wrdreg s2  }
0xb0: {  	[dreg:$0x4] =	wrdreg $0x11B000  }
0xb1: {  	[dreg:$0x5] =	wrdreg $0x9  }
0xb2: {  	_ =	task.clear_ibuf [dreg:s7], $0x6FFFF;
	_ =	strace $0x9000004C  }
0xb3: {  	s29 =	simm.s32 $0x9;
	_ =	strace $0x8000004E  }
0xb4: {  	_ =	swait.ge [sflag:s29], $0x1  }
0xb5: {  	[sflag:s29] =	ssyncadd.s32 $0xFFFFFFFF  }
0xb6: {  	_ =	strace $0x9000004E  }
0xb7: {  	_ =	sfence  }
0xb8: {  	s30 =	sld [smem:$0x0];
	_ =	sdelay $0x2  }
0xb9: {  	s31 =	sshll.u32 s1, $0xD;
	s1 =	sshrl.u32 s1, $0x2  }
0xba: {  	s3 =	sand.u32 $0x4000, s31;
	s1 =	sadd.s32 s1, s30  }
0xbb: {  	s0 =	sor.u32 s3, s0;
	s1 =	sshll.u32 s1, $0x11  }
0xbc: {  	s0 =	sor.u32 s1, s0  }
0xbd: {  	s0 =	sadd.s32 $0x8F2B, s0  }
0xbe: {  	[sflag:s0] =	ssyncadd.remote.s32 $0x1  }
0xbf: {  	_ =	sfence.sel $0xFFFF  }
0xc0: {  	[dreg:$0x0] =	wrdreg $0xFFFFFFFF;
	(pc) =	sbr.abs _section_cstart, $3  }
0xc1: {  	[dreg:$0x1] =	wrdreg $0xFFFFFFFF  }
0xc2: {  	_ =	task.clear_ibuf [dreg:s7], $0x2FFFF;
	_ =	strace $0x9FFFFFFF  }
0xc3: {  	(tm) =	ssettm $0x7FFFFFFF  }
tec
execute0_lowered:
.L_overlay_start_1:
0x0: {  	(tag) =	ssettag $0x1  }
0x1: {  	s0 =	rddreg [dreg:$0x0]  }
0x2: {  	s1 =	rddreg [dreg:$0x1];
	s3 =	srdreg.scid  }
0x3: {  	s15 =	stileid.u32;
	s2 =	rddreg [dreg:$0x2]  }
0x4: {  	s16 =	simm.s32 $0x2800;
	s17 =	simm.s32 $0xCD00;
	s18 =	simm.s32 $0x7D  }
0x5: {  	s19 =	simm.s32 $0x5000;
	s21 =	simm.s32 $0x6F40;
	s22 =	simm.s32 $0x1  }
0x6: {  	s24 =	simm.s32 $0x8E80;
	s29 =	simm.s32 $0xADC0;
	s30 =	simm.s32 $0x3  }
0x7: {  	s20 =	simm.s32 $0x4;
	s31 =	simm.s32 $0x7;
	s23 =	simm.s32 $0x0  }
0x8: {  	s5 =	sand.u32 $0x1, s3;
	s4 =	sshll.u32 s15, $0x1;
	s3 =	simm.s32 $0x0  }
0x9: {  	s9 =	sadd.s32 $0x3400, s0;
	s11 =	smul.u32 $0x9C00, s15;
	s10 =	sadd.s32 $0x9C000, s2  }
0xa: {  	p0 =	sne.s32 s15, $0xF;
	s15 =	simm.s32 $0x9;
	s4 =	sor.u32 s5, s4  }
0xb: {  	[smem:$0x7FF] =	sst s3;
	s8 =	ssub.s32 $0x2, s5;
	s5 =	smul.u32 $0x9C400, s5  }
0xc: {  	s6 =	smul.u32 $0x500, s4;
	_ =	strace $0x8000004D;
	s4 =	sadd.s32 $0xE000, s0  }
0xd: {  	[dreg:$0x4] =	wrdreg s9;
	s25 =	sshrl.u32 s8, $0x1;
	s26 =	sadd.s32 $0x4E00, s11  }
0xe: {  	s14 =	ssub.s32 s8, s25;
	s8 =	sadd.s32 s11, s2;
	s9 =	sadd.s32 s26, s2  }
0xf: {  	s28 =	sadd.s32 s11, s5;
	s25 =	simm.s32 $0x2;
	s7 =	sadd.s32 s6, s0  }
0x10: {  	s0 =	sadd.s32 $0x21A00, s0;
	s1 =	sadd.s32 s1, s6;
	s6 =	sshrl.u32 s28, $0x3  }
.Ltmp0:
0x11: {  	s14 =	smax.u32 s14, $0x1;
	s7 =	sadd.s32 $0x4000, s7;
	(pc) =	sbr.rel .LBB2_1-.Ltmp0, $4  }
0x12: {  	[dreg:$0x6] =	wrdreg s1;
	s1 =	sadd.s32 s5, s26;
	s5 =	sshrl.u32 s5, $0x3  }
0x13: {  	s11 =	sadd.s32 s0, s6;
	s26 =	simm.s32 $0x6;
	s1 =	sshrl.u32 s1, $0x3  }
0x14: {  	[dreg:$0x5] =	wrdreg s7;
	s5 =	sadd.s32 s0, s5;
	s12 =	sadd.s32 s0, s1  }
0x15: {  	s13 =	sadd.s32 $0x13800, s5;
	s1 =	simm.s32 $0x5;
	s0 =	simm.s32 $0x8  }
.LBB2_4:
0x16: {  	_ =	swait.ge [sflag:s20], $0x1F40  }
0x17: {  	[sflag:s20] =	ssyncset.done $0x0  }
0x18: {  	[sflag:s20] =	ssyncadd.s32 $0xFFFFE0C0  }
0x19: {  	[spmem:s2] =	stream.indirect.scatter.add.f32 [tilespmem:s29], [sflag:$0x8], $0x40, s6, s18, $0xb8;
	[tilespmem:$0x1B740] =	vst v63  }
0x1a: {  	_ =	swait.ge [sflag:s1], $0x1F40  }
0x1b: {  	[sflag:s1] =	ssyncset.done $0x0  }
0x1c: {  	[sflag:s1] =	ssyncadd.s32 $0xFFFFE0C0  }
0x1d: {  	_ =	swait.ge [sflag:s26], $0x1F40  }
0x1e: {  	[sflag:s26] =	ssyncset.done $0x0  }
0x1f: {  	[sflag:s26] =	ssyncadd.s32 $0xFFFFE0C0  }
0x20: {  	_ =	swait.ge [sflag:s31], $0x1F40  }
0x21: {  	[sflag:s31] =	ssyncset.done $0x0  }
0x22: {  	[sflag:s31] =	ssyncadd.s32 $0xFFFFE0C0  }
0x23: {  	_ =	swait.ge [sflag:s0], $0x1F40  }
0x24: {  	[sflag:s0] =	ssyncset.done $0x0  }
0x25: {  	[sflag:s0] =	ssyncadd.s32 $0xFFFFE0C0  }
0x26: {  	[bflag:$0x0] =	sbarrier.arrive $0xFFFF  }
0x27: {  	[tilespmem:s17], [sflag:$0x9] =	stream.linear.gather [spmem:s8], $0x4E00, $0x38;
	[tilespmem:$0x1B740] =	vst v63  }
0x28: {  	_ =	swait.ge [sflag:s15], $0x4E00  }
0x29: {  	[sflag:s15] =	ssyncset.done $0x0  }
0x2a: {  	[sflag:s15] =	ssyncadd.s32 $0xFFFFB200  }
0x2b: {  	[hbm4b:s11+s3] =	stream.linear.scatter [tilespmem:s17], [sflag:$0x9], $0x4E00, $0x38;
	[tilespmem:$0x1B740] =	vst v63  }
0x2c: {  	_ =	swait.ge [sflag:s15], $0x4E00  }
0x2d: {  	[sflag:s15] =	ssyncset.done $0x0  }
0x2e: {  	[sflag:s15] =	ssyncadd.s32 $0xFFFFB200  }
0x2f: {  	[tilespmem:s17], [sflag:$0x9] =	stream.linear.gather [spmem:s9], $0x4E00, $0x38;
	[tilespmem:$0x1B740] =	vst v63  }
0x30: {  	_ =	swait.ge [sflag:s15], $0x4E00  }
0x31: {  	[sflag:s15] =	ssyncset.done $0x0  }
0x32: {  	[sflag:s15] =	ssyncadd.s32 $0xFFFFB200  }
0x33: {  	[hbm4b:s12+s3] =	stream.linear.scatter [tilespmem:s17], [sflag:$0x9], $0x4E00, $0x38;
	[tilespmem:$0x1B740] =	vst v63  }
0x34: {  	_ =	swait.ge [sflag:s15], $0x4E00  }
0x35: {  	[sflag:s15] =	ssyncset.done $0x0  }
0x36: {  	s5 =	simm.s32 @!p0 $0xCD00;
	s6 =	simm.s32 @!p0 $0x9;
	[sflag:s15] =	ssyncadd.s32 $0xFFFFB200  }
0x37: {  	[tilespmem:s5], [sflag:$0x9] =	stream.linear.gather @!p0 [spmem:s10], $0x400, $0x38;
	[tilespmem:$0x1B740] =	vst v63  }
0x38: {  	s23 =	sadd.s32 $0x1, s23;
	_ =	swait.ge @!p0 [sflag:s6], $0x400  }
0x39: {  	p1 =	sne.s32 s23, s14;
	[sflag:s6] =	ssyncset.done @!p0 $0x0  }
.Ltmp1:
0x3a: {  	s7 =	simm.s32 @!p0 $0x0;
	[sflag:s6] =	ssyncadd.s32 @!p0 $0xFFFFFC00;
	(pc) =	sbr.rel @!p1 .LBB2_5-.Ltmp1, $4  }
0x3b: {  	[hbm4b:s13+s7] =	stream.linear.scatter @!p0 [tilespmem:s5], [sflag:$0x9], $0x400, $0x38;
	[tilespmem:$0x1B740] =	vst v63  }
0x3c: {  	_ =	swait.ge @!p0 [sflag:s6], $0x400  }
0x3d: {  	[sflag:s6] =	ssyncset.done @!p0 $0x0  }
0x3e: {  	[sflag:s6] =	ssyncadd.s32 @!p0 $0xFFFFFC00  }
.LBB2_1:
0x3f: {  	s5 =	rddreg [dreg:$0x5]  }
0x40: {  	[tilespmem:s3], [sflag:$0x9] =	stream.linear.gather [hbm4b:s5+s3], $0x2800, $0x38;
	[tilespmem:$0x1B740] =	vst v63  }
0x41: {  	_ =	swait.ge [sflag:s15], $0x2800  }
0x42: {  	[sflag:s15] =	ssyncset.done $0x0  }
0x43: {  	s6 =	rddreg [dreg:$0x6];
	[sflag:s15] =	ssyncadd.s32 $0xFFFFD800  }
0x44: {  	[tilespmem:s16], [sflag:$0x9] =	stream.linear.gather [hbm4b:s6+s3], $0x2800, $0x38;
	[tilespmem:$0x1B740] =	vst v63  }
0x45: {  	_ =	swait.ge [sflag:s15], $0x2800  }
0x46: {  	[sflag:s15] =	ssyncset.done $0x0  }
0x47: {  	s7 =	rddreg [dreg:$0x4];
	[sflag:s15] =	ssyncadd.s32 $0xFFFFD800  }
0x48: {  	[tilespmem:s17], [sflag:$0x9] =	stream.linear.gather [hbm4b:s7+s3], $0x4E00, $0x38;
	[tilespmem:$0x1B740] =	vst v63  }
0x49: {  	_ =	swait.ge [sflag:s15], $0x4E00  }
0x4a: {  	[sflag:s15] =	ssyncset.done $0x0  }
0x4b: {  	[sflag:s15] =	ssyncadd.s32 $0xFFFFB200  }
0x4c: {  	[spmem:s8] =	stream.linear.scatter [tilespmem:s17], [sflag:$0x9], $0x4E00, $0x38;
	[tilespmem:$0x1B740] =	vst v63  }
0x4d: {  	_ =	swait.ge [sflag:s15], $0x4E00  }
0x4e: {  	[sflag:s15] =	ssyncset.done $0x0  }
0x4f: {  	[sflag:s15] =	ssyncadd.s32 $0xFFFFB200  }
0x50: {  	[spmem:s9] =	stream.linear.scatter [tilespmem:s17], [sflag:$0x9], $0x4E00, $0x38;
	[tilespmem:$0x1B740] =	vst v63  }
0x51: {  	_ =	swait.ge [sflag:s15], $0x4E00  }
0x52: {  	[sflag:s15] =	ssyncset.done $0x0  }
0x53: {  	s5 =	simm.s32 @!p0 $0xCD00;
	[sflag:s15] =	ssyncadd.s32 $0xFFFFB200  }
0x54: {  	[spmem:s10] =	stream.linear.scatter @!p0 [tilespmem:s5], [sflag:$0x9], $0x400, $0x38;
	[tilespmem:$0x1B740] =	vst v63  }
0x55: {  	s5 =	simm.s32 @!p0 $0x9  }
0x56: {  	_ =	swait.ge @!p0 [sflag:s5], $0x400  }
0x57: {  	[sflag:s5] =	ssyncset.done @!p0 $0x0  }
0x58: {  	[sflag:s5] =	ssyncadd.s32 @!p0 $0xFFFFFC00  }
0x59: {  	[bflag:$0x0] =	sbarrier.arrive $0xFFFF  }
0x5a: {  	[tilespmem:s19], [sflag:$0x1] =	stream.indirect.gather [hbm4b:s4+s18], $0x40, s3, s18, $0xb8;
	[tilespmem:$0x1B740] =	vst v63  }
0x5b: {  	s6 =	simm.s32 $0x80  }
0x5c: {  	[tilespmem:s21], [sflag:$0x2] =	stream.indirect.gather [hbm4b:s4+s18], $0x40, s6, s18, $0xb8;
	[tilespmem:$0x1B740] =	vst v63  }
0x5d: {  	_ =	swait.ge [sflag:s22], $0x1F40  }
0x5e: {  	[sflag:s22] =	ssyncset.done $0x0  }
0x5f: {  	[sflag:s22] =	ssyncadd.s32 $0xFFFFE0C0  }
0x60: {  	[spmem:s2] =	stream.indirect.scatter.add.f32 [tilespmem:s19], [sflag:$0x5], $0x40, s16, s18, $0xb8;
	[tilespmem:$0x1B740] =	vst v63  }
0x61: {  	s7 =	simm.s32 $0x100  }
0x62: {  	[tilespmem:s24], [sflag:$0x3] =	stream.indirect.gather [hbm4b:s4+s18], $0x40, s7, s18, $0xb8;
	[tilespmem:$0x1B740] =	vst v63  }
0x63: {  	_ =	swait.ge [sflag:s25], $0x1F40  }
0x64: {  	[sflag:s25] =	ssyncset.done $0x0  }
0x65: {  	s6 =	simm.s32 $0x2880;
	[sflag:s25] =	ssyncadd.s32 $0xFFFFE0C0  }
0x66: {  	[spmem:s2] =	stream.indirect.scatter.add.f32 [tilespmem:s21], [sflag:$0x6], $0x40, s6, s18, $0xb8;
	[tilespmem:$0x1B740] =	vst v63  }
0x67: {  	s7 =	simm.s32 $0x180  }
0x68: {  	[tilespmem:s29], [sflag:$0x4] =	stream.indirect.gather [hbm4b:s4+s18], $0x40, s7, s18, $0xb8;
	[tilespmem:$0x1B740] =	vst v63  }
0x69: {  	_ =	swait.ge [sflag:s30], $0x1F40  }
0x6a: {  	[sflag:s30] =	ssyncset.done $0x0  }
0x6b: {  	s6 =	simm.s32 $0x2900;
	[sflag:s30] =	ssyncadd.s32 $0xFFFFE0C0  }
0x6c: {  	[spmem:s2] =	stream.indirect.scatter.add.f32 [tilespmem:s24], [sflag:$0x7], $0x40, s6, s18, $0xb8;
	[tilespmem:$0x1B740] =	vst v63  }
0x6d: {  	_ =	swait.ge [sflag:s1], $0x1F40  }
0x6e: {  	[sflag:s1] =	ssyncset.done $0x0  }
0x6f: {  	s7 =	simm.s32 $0x200;
	[sflag:s1] =	ssyncadd.s32 $0xFFFFE0C0  }
0x70: {  	[tilespmem:s19], [sflag:$0x1] =	stream.indirect.gather [hbm4b:s4+s18], $0x40, s7, s18, $0xb8;
	[tilespmem:$0x1B740] =	vst v63  }
0x71: {  	_ =	swait.ge [sflag:s20], $0x1F40  }
0x72: {  	[sflag:s20] =	ssyncset.done $0x0  }
0x73: {  	s6 =	simm.s32 $0x2980;
	[sflag:s20] =	ssyncadd.s32 $0xFFFFE0C0  }
0x74: {  	[spmem:s2] =	stream.indirect.scatter.add.f32 [tilespmem:s29], [sflag:$0x8], $0x40, s6, s18, $0xb8;
	[tilespmem:$0x1B740] =	vst v63  }
0x75: {  	_ =	swait.ge [sflag:s26], $0x1F40  }
0x76: {  	[sflag:s26] =	ssyncset.done $0x0  }
0x77: {  	s28 =	simm.s32 $0x0;
	s7 =	simm.s32 $0x280;
	[sflag:s26] =	ssyncadd.s32 $0xFFFFE0C0  }
0x78: {  	[tilespmem:s21], [sflag:$0x2] =	stream.indirect.gather [hbm4b:s4+s18], $0x40, s7, s18, $0xb8;
	[tilespmem:$0x1B740] =	vst v63  }
.LBB2_2:
0x79: {  	_ =	swait.ge [sflag:s22], $0x1F40  }
0x7a: {  	s5 =	sshra.s32 s28, $0x2;
	[sflag:s22] =	ssyncset.done $0x0  }
0x7b: {  	s6 =	sadd.s32 $0x2A00, s5;
	[sflag:s22] =	ssyncadd.s32 $0xFFFFE0C0  }
0x7c: {  	[spmem:s2] =	stream.indirect.scatter.add.f32 [tilespmem:s19], [sflag:$0x5], $0x40, s6, s18, $0xb8;
	[tilespmem:$0x1B740] =	vst v63  }
0x7d: {  	_ =	swait.ge [sflag:s31], $0x1F40  }
0x7e: {  	[sflag:s31] =	ssyncset.done $0x0  }
0x7f: {  	s7 =	sadd.s32 $0x300, s5;
	[sflag:s31] =	ssyncadd.s32 $0xFFFFE0C0  }
0x80: {  	[tilespmem:s24], [sflag:$0x3] =	stream.indirect.gather [hbm4b:s4+s18], $0x40, s7, s18, $0xb8;
	[tilespmem:$0x1B740] =	vst v63  }
0x81: {  	_ =	swait.ge [sflag:s25], $0x1F40  }
0x82: {  	[sflag:s25] =	ssyncset.done $0x0  }
0x83: {  	s7 =	sadd.s32 $0x2A80, s5;
	[sflag:s25] =	ssyncadd.s32 $0xFFFFE0C0  }
0x84: {  	[spmem:s2] =	stream.indirect.scatter.add.f32 [tilespmem:s21], [sflag:$0x6], $0x40, s7, s18, $0xb8;
	[tilespmem:$0x1B740] =	vst v63  }
0x85: {  	_ =	swait.ge [sflag:s0], $0x1F40  }
0x86: {  	[sflag:s0] =	ssyncset.done $0x0  }
0x87: {  	p1 =	seq.s32 s28, $0x9000;
	s7 =	sadd.s32 $0x380, s5;
	[sflag:s0] =	ssyncadd.s32 $0xFFFFE0C0  }
0x88: {  	[tilespmem:s29], [sflag:$0x4] =	stream.indirect.gather [hbm4b:s4+s18], $0x40, s7, s18, $0xb8;
	[tilespmem:$0x1B740] =	vst v63  }
.Ltmp2:
0x89: {  	_ = 	snop;
	(pc) =	sbr.rel @p1 .LBB2_4-.Ltmp2, $4  }
0x8a: {  	_ =	swait.ge [sflag:s30], $0x1F40  }
0x8b: {  	[sflag:s30] =	ssyncset.done $0x0  }
0x8c: {  	s6 =	sadd.s32 $0x2B80, s5;
	s7 =	sadd.s32 $0x2B00, s5;
	[sflag:s30] =	ssyncadd.s32 $0xFFFFE0C0  }
0x8d: {  	[spmem:s2] =	stream.indirect.scatter.add.f32 [tilespmem:s24], [sflag:$0x7], $0x40, s7, s18, $0xb8;
	[tilespmem:$0x1B740] =	vst v63  }
0x8e: {  	_ =	swait.ge [sflag:s1], $0x1F40  }
0x8f: {  	[sflag:s1] =	ssyncset.done $0x0  }
0x90: {  	s7 =	sadd.s32 $0x400, s5;
	[sflag:s1] =	ssyncadd.s32 $0xFFFFE0C0  }
0x91: {  	[tilespmem:s19], [sflag:$0x1] =	stream.indirect.gather [hbm4b:s4+s18], $0x40, s7, s18, $0xb8;
	[tilespmem:$0x1B740] =	vst v63  }
0x92: {  	_ =	swait.ge [sflag:s20], $0x1F40  }
0x93: {  	[sflag:s20] =	ssyncset.done $0x0  }
0x94: {  	[sflag:s20] =	ssyncadd.s32 $0xFFFFE0C0  }
0x95: {  	[spmem:s2] =	stream.indirect.scatter.add.f32 [tilespmem:s29], [sflag:$0x8], $0x40, s6, s18, $0xb8;
	[tilespmem:$0x1B740] =	vst v63  }
.Ltmp3:
0x96: {  	_ = 	snop;
	(pc) =	sbr.rel .LBB2_2-.Ltmp3, $4  }
0x97: {  	_ =	swait.ge [sflag:s26], $0x1F40  }
0x98: {  	[sflag:s26] =	ssyncset.done $0x0  }
0x99: {  	s28 =	sadd.s32 $0x800, s28;
	s7 =	sadd.s32 $0x480, s5;
	[sflag:s26] =	ssyncadd.s32 $0xFFFFE0C0  }
0x9a: {  	[tilespmem:s21], [sflag:$0x2] =	stream.indirect.gather [hbm4b:s4+s18], $0x40, s7, s18, $0xb8;
	[tilespmem:$0x1B740] =	vst v63  }
.LBB2_5:
0x9b: {  	_ =	sfence.sel $0x180000  }
0x9c: {  	[bflag:$0x0] =	sbarrier.arrive $0xFFFF  }
0x9d: {  	_ =	strace $0x9000004D  }
0x9e: {  	s0 =	stileid.u32;
	[bflag:$0x2] =	sbarrier.arrive $0xFFFF  }
0x9f: {  	p0 =	sne.s32 s0, $0x0;
	s0 =	rddreg [dreg:$0x3]  }
0xa0: {  	s0 =	sadd.s32 @!p0 $0x100000, s0  }
0xa1: {  	[sflag:s0] =	ssyncadd.tile.s32 @!p0 $0x1;
	_ =	shalt  }
.Lfunc_end2:
_tile_overlayer_lowered:
.L_overlay_start_2:
0xa2: {  	(tag) =	ssettag $0x2  }
0xa3: {  	s0 =	rddreg [dreg:$0x0];
	s2 =	stileid.u32  }
0xa4: {  	s1 =	rddreg [dreg:$0x1];
	p0 =	sne.s32 s2, $0x0  }
0xa5: {  	s3 =	rddreg [dreg:$0x2];
	[bflag:$0x3] =	sbarrier.arrive $0xFFFF;
	s2 =	simm.s32 @!p0 $0x1C09  }
0xa6: {  	[timem:s3], [sflag:s2] =	dma.local @!p0 [hbm:s0], s1  }
0xa7: {  	s0 =	simm.s32 @!p0 $0x9  }
0xa8: {  	_ =	swait.ge @!p0 [sflag:s0], s1  }
0xa9: {  	s1 =	ssub.s32 @!p0 $0x0, s1;
	[sflag:s0] =	ssyncset.done @!p0 $0x0  }
0xaa: {  	[sflag:s0] =	ssyncadd.s32 @!p0 s1  }
0xab: {  	[bflag:$0x3] =	sbarrier.arrive $0xFFFF  }
0xac: {  	_ =	shalt  }

// kernel: kernel.8.cloned.1.call-start
scs
__scs_entry_jumppad:
0x0: {  	(pc) =	sbr.rel $0x88, $3  }
0x1: {  	(tag) =	ssettag $0x0;
	lr =	simm.s32 $0x1  }
0x2: {  	[smem:$0x3F8D] =	sst lr;
	_ =	strace $0xD0000000  }
0x3: {  	_ = 	snop  }
0x4: {  	_ = 	snop  }
0x5: {  	_ = 	snop  }
0x6: {  	_ = 	snop  }
0x7: {  	_ = 	snop  }
__scs_overlays_trampoline_lowered:
0x8: {  	[smem:$0x3F9C] =	sst s0  }
0x9: {  	[smem:$0x3F9D] =	sst s1  }
0xa: {  	[smem:$0x3F9E] =	sst s2  }
0xb: {  	[smem:$0x3F9F] =	sst s3  }
0xc: {  	[smem:$0x3FA0] =	sst s4  }
0xd: {  	[smem:$0x3FA1] =	sst s5  }
0xe: {  	[smem:$0x3FA2] =	sst s6  }
0xf: {  	[smem:$0x3FA3] =	sst s7  }
0x10: {  	[smem:$0x3FA4] =	sst s8  }
0x11: {  	[smem:$0x3FA5] =	sst s9;
	s0 =	simm.s32 @!p0 $0x0  }
0x12: {  	s1 =	sld [smem:$0x3F8B];
	s0 =	simm.s32 @p0 $0x1  }
0x13: {  	[smem:$0x3FA6] =	sst s0;
	s0 =	simm.s32 @!p1 $0x0  }
0x14: {  	s2 =	sld [smem:$0x3F8A];
	s0 =	simm.s32 @p1 $0x1  }
0x15: {  	[smem:$0x3FA7] =	sst s0;
	s0 =	simm.s32 @!p2 $0x0  }
0x16: {  	s3 =	sld [smem:$0x3FDB];
	s0 =	simm.s32 @p2 $0x1  }
0x17: {  	s4 =	simm.s32 $0x1BF5;
	[smem:$0x3FA9] =	sst s0  }
0x18: {  	s0 =	sld [smem:$0x3F8C];
	_ =	swait.ge [sflag:s4], $0x0  }
0x19: {  	s7 =	sld [smem:$0x3F8D]  }
0x1a: {  	s8 =	sadd.s32 $0xFFFFE003, lr  }
0x1b: {  	s9 =	sadd.s32 $0xFFFFFEF7, lr;
	s5 =	simm.s32 $0xFFFFFFFF;
	p2 =	slt.u32 s8, $0xFFFFF086  }
0x1c: {  	p1 =	slt.u32 s9, $0xF7A;
	s5 =	simm.s32 @!p2 $0x0  }
0x1d: {  	s5 =	simm.s32 @p1 $0x1;
	p0 =	seq.s32 s7, s2  }
0x1e: {  	s7 =	smul.u32 @!p0 $0xF7A, s2;
	p2 =	seq.s32 @!p0 s5, $0x0  }
0x1f: {  	s9 =	smul.u32 $0xF7A, s1;
	s8 =	simm.s32 @!p0 $0x1BF5;
	p2 =	por !p2, p0  }
0x20: {  	[sflag:s8] =	ssyncset.s32 @!p0 $0xFFFFF086;
	s6 =	sadd.s32 @!p0 s3, s7;
	s7 =	simm.s32 @!p0 $0x108  }
0x21: {  	s3 =	sadd.s32 s3, s9;
	s6 =	sadd.s32 @!p0 $0x88, s6;
	s7 =	simm.s32 @p2 $0x1082  }
0x22: {  	[simem:s7], [sflag:s8] =	dma.local @!p0 [hbm:s6], $0xF7A  }
0x23: {  	s9 =	sor.u32 $0xD0000000, s2;
	s6 =	simm.s32 $0x108;
	_ =	swait.ge @!p0 [sflag:s8], $0x0  }
0x24: {  	s3 =	sadd.s32 $0x88, s3;
	s6 =	simm.s32 @!p1 $0x1082;
	[sflag:s4] =	ssyncset.s32 $0xFFFFF086  }
0x25: {  	[simem:s6], [sflag:s4] =	dma.local [hbm:s3], $0xF7A  }
0x26: {  	[smem:$0x3F8D] =	sst s1;
	(tag) =	ssettag s2;
	_ =	strace s9  }
0x27: {  	s1 =	sld [smem:$0x3F9D]  }
0x28: {  	s2 =	sld [smem:$0x3F9E]  }
0x29: {  	s4 =	sld [smem:$0x3FA0]  }
0x2a: {  	p0 =	seq.s32 s5, $0x0;
	s5 =	sld [smem:$0x3FA1]  }
0x2b: {  	s6 =	sld [smem:$0x3FA2]  }
0x2c: {  	s7 =	sld [smem:$0x3FA3]  }
0x2d: {  	s3 =	simm.s32 $0x108;
	s8 =	sld [smem:$0x3FA4]  }
0x2e: {  	s3 =	simm.s32 @!p0 $0x1082;
	s9 =	sld [smem:$0x3FA5]  }
0x2f: {  	lr =	sadd.s32 s0, s3;
	s0 =	sld [smem:$0x3F9C]  }
0x30: {  	s3 =	sld [smem:$0x3F9F]  }
0x31: {  	[smem:$0x3FA8] =	sst s10  }
0x32: {  	s10 =	sld [smem:$0x3FA6];
	_ =	sdelay $0x3  }
0x33: {  	p0 =	seq.s32 s10, $0x1;
	s10 =	sld [smem:$0x3FA8];
	_ =	sdelay $0x3  }
0x34: {  	[smem:$0x3FA8] =	sst s10  }
0x35: {  	s10 =	sld [smem:$0x3FA7];
	_ =	sdelay $0x3  }
0x36: {  	p1 =	seq.s32 s10, $0x1;
	s10 =	sld [smem:$0x3FA8];
	_ =	sdelay $0x3  }
0x37: {  	[smem:$0x3FA8] =	sst s10  }
0x38: {  	s10 =	sld [smem:$0x3FA9]  }
0x39: {  	_ = 	snop;
	(pc) =	sbr.ind lr, $3  }
0x3a: {  	_ = 	snop  }
0x3b: {  	_ = 	snop  }
0x3c: {  	p2 =	seq.s32 s10, $0x1;
	s10 =	sld [smem:$0x3FA8]  }
0x3d: {  	_ =	shalt  }
0x3e: {  	_ =	shalt  }
0x3f: {  	_ =	shalt  }
0x40: {  	_ =	shalt  }
0x41: {  	_ =	shalt  }
0x42: {  	_ =	shalt  }
0x43: {  	_ =	shalt  }
0x44: {  	_ =	shalt  }
0x45: {  	_ =	shalt  }
0x46: {  	_ =	shalt  }
0x47: {  	_ =	shalt  }
0x48: {  	_ =	shalt  }
0x49: {  	_ =	shalt  }
0x4a: {  	_ =	shalt  }
0x4b: {  	_ =	shalt  }
0x4c: {  	_ =	shalt  }
0x4d: {  	_ =	shalt  }
0x4e: {  	_ =	shalt  }
0x4f: {  	_ =	shalt  }
0x50: {  	_ =	shalt  }
0x51: {  	_ =	shalt  }
0x52: {  	_ =	shalt  }
0x53: {  	_ =	shalt  }
0x54: {  	_ =	shalt  }
0x55: {  	_ =	shalt  }
0x56: {  	_ =	shalt  }
0x57: {  	_ =	shalt  }
0x58: {  	_ =	shalt  }
0x59: {  	_ =	shalt  }
0x5a: {  	_ =	shalt  }
0x5b: {  	_ =	shalt  }
0x5c: {  	_ =	shalt  }
0x5d: {  	_ =	shalt  }
0x5e: {  	_ =	shalt  }
0x5f: {  	_ =	shalt  }
0x60: {  	_ =	shalt  }
0x61: {  	_ =	shalt  }
0x62: {  	_ =	shalt  }
0x63: {  	_ =	shalt  }
0x64: {  	_ =	shalt  }
0x65: {  	_ =	shalt  }
0x66: {  	_ =	shalt  }
0x67: {  	_ =	shalt  }
0x68: {  	_ =	shalt  }
0x69: {  	_ =	shalt  }
0x6a: {  	_ =	shalt  }
0x6b: {  	_ =	shalt  }
0x6c: {  	_ =	shalt  }
0x6d: {  	_ =	shalt  }
0x6e: {  	_ =	shalt  }
0x6f: {  	_ =	shalt  }
0x70: {  	_ =	shalt  }
0x71: {  	_ =	shalt  }
0x72: {  	_ =	shalt  }
0x73: {  	_ =	shalt  }
0x74: {  	_ =	shalt  }
0x75: {  	_ =	shalt  }
0x76: {  	_ =	shalt  }
0x77: {  	_ =	shalt  }
0x78: {  	_ =	shalt  }
0x79: {  	_ =	shalt  }
0x7a: {  	_ =	shalt  }
0x7b: {  	_ =	shalt  }
0x7c: {  	_ =	shalt  }
0x7d: {  	_ =	shalt  }
0x7e: {  	_ =	shalt  }
0x7f: {  	_ =	shalt  }
0x80: {  	_ =	shalt  }
0x81: {  	_ =	shalt  }
0x82: {  	_ =	shalt  }
0x83: {  	_ =	shalt  }
0x84: {  	_ =	shalt  }
0x85: {  	_ =	shalt  }
0x86: {  	_ =	shalt  }
0x87: {  	_ =	shalt  }
.Lfunc_end0:
.L_simem_size_0:
called_computation_lowered:
.L_overlay_start_0:
0x88: {  	s2 =	sld [smem:$0x3FD9]  }
0x89: {  	s3 =	sld [smem:$0x3FFE];
	_ =	sdelay $0x1  }
0x8a: {  	s1 =	srdreg.scid  }
0x8b: {  	s0 =	sand.u32 $0x1, s1  }
0x8c: {  	s17 =	sshll.u32 s0, $0xA;
	s2 =	sadd.s32 s3, s2  }
0x8d: {  	s2 =	sadd.s32 s2, s17  }
0x8e: {  	[smem:$0x3FB4] =	sst s2  }
0x8f: {  	_ = 	snop  }
0x90: {  	s2 =	sld [smem:$0x3FD0];
	(tm) =	ssettm $0x1  }
0x91: {  	s18 =	sld [smem:$0x3FFB];
	_ =	sdelay $0x3  }
0x92: {  	_ =	strace s18  }
0x93: {  	s3 =	sld [smem:$0x3FFC];
	_ =	sdelay $0x3  }
0x94: {  	_ =	strace s3  }
0x95: {  	s3 =	sld [smem:$0x3FFD];
	_ =	sdelay $0x3  }
0x96: {  	_ =	strace s3  }
0x97: {  	_ =	strace $0x8FFFFFFF  }
0x98: {  	s19 =	sld [smem:$0x3FDB];
	_ =	sdelay $0x1  }
0x99: {  	s4 =	simm.s32 $_scs_section_size  }
0x9a: {  	s5 =	simm.s32 $_size__tile_overlayer_lowered;
	s6 =	simm.s32 $_tile_overlayer_lowered  }
0x9b: {  	s22 =	simm.s32 $0x1BFF;
	s21 =	sshll.u32 s6, $0x1;
	s3 =	sadd.s32 s4, s19  }
0x9c: {  	s7 =	simm.s32 $0x0;
	s20 =	sshll.u32 s5, $0x1;
	s5 =	sadd.s32 s21, s3  }
0x9d: {  	[timem:s7], [sflag:s22] =	dma.local [hbm:s5], s20  }
0x9e: {  	_ =	swait.ge [sflag:s22], s20  }
0x9f: {  	s4 =	ssub.s32 $0x0, s20;
	[sflag:s22] =	ssyncset.done $0x0  }
0xa0: {  	[sflag:s22] =	ssyncadd.s32 s4;
	_ =	sdelay $0x1  }
0xa1: {  	s23 =	simm.s32 $0x1B8B  }
0xa2: {  	_ =	swait.ge [sflag:s23], $0x1  }
0xa3: {  	[sflag:s23] =	ssyncset.done $0x0  }
0xa4: {  	s25 =	simm.s32 $0x1B8E;
	s24 =	sld [smem:$0x3FFE];
	[sflag:s23] =	ssyncadd.s32 $0xFFFFFFFF  }
0xa5: {  	s26 =	simm.s32 $execute0_lowered;
	[smem:$0x3FD2] =	sst s25  }
0xa6: {  	s5 =	sshll.u32 s26, $0x1;
	_ =	strace $0x80000046;
	[dreg:$0x1] =	wrdreg $0xFFFFFFFF  }
0xa7: {  	s28 =	simm.s32 $_size_execute0_lowered;
	s3 =	sadd.s32 s3, s5;
	[dreg:$0x0] =	wrdreg $0x0  }
0xa8: {  	s5 =	sshll.u32 s28, $0x1;
	[dreg:$0x2] =	wrdreg s3  }
0xa9: {  	[dreg:$0x3] =	wrdreg s5  }
0xaa: {  	[dreg:$0x4] =	wrdreg $0xC0  }
0xab: {  	_ =	task [dreg:s7], $0x5FFFF  }
0xac: {  	[dreg:$0x1] =	wrdreg $0xFFFFFFFF  }
0xad: {  	[dreg:$0x0] =	wrdreg $0x60  }
0xae: {  	[dreg:$0x2] =	wrdreg s2  }
0xaf: {  	[dreg:$0x3] =	wrdreg s24  }
0xb0: {  	[dreg:$0x4] =	wrdreg $0x2AF00  }
0xb1: {  	[dreg:$0x5] =	wrdreg $0x9  }
0xb2: {  	_ =	task.clear_ibuf [dreg:s7], $0x6FFFF;
	_ =	strace $0x90000046  }
0xb3: {  	s29 =	simm.s32 $0x9;
	_ =	strace $0x80000048  }
0xb4: {  	_ =	swait.ge [sflag:s29], $0x1  }
0xb5: {  	[sflag:s29] =	ssyncadd.s32 $0xFFFFFFFF  }
0xb6: {  	_ =	strace $0x90000048  }
0xb7: {  	_ =	sfence  }
0xb8: {  	s30 =	sld [smem:$0x0];
	_ =	sdelay $0x2  }
0xb9: {  	s31 =	sshll.u32 s1, $0xD;
	s1 =	sshrl.u32 s1, $0x2  }
0xba: {  	s3 =	sand.u32 $0x4000, s31;
	s1 =	sadd.s32 s1, s30  }
0xbb: {  	s0 =	sor.u32 s3, s0;
	s1 =	sshll.u32 s1, $0x11  }
0xbc: {  	s0 =	sor.u32 s1, s0  }
0xbd: {  	s0 =	sadd.s32 $0x8F2B, s0  }
0xbe: {  	[sflag:s0] =	ssyncadd.remote.s32 $0x1  }
0xbf: {  	_ =	sfence.sel $0xFFFF  }
0xc0: {  	[dreg:$0x0] =	wrdreg $0xFFFFFFFF;
	(pc) =	sbr.abs _section_cstart, $3  }
0xc1: {  	[dreg:$0x1] =	wrdreg $0xFFFFFFFF  }
0xc2: {  	_ =	task.clear_ibuf [dreg:s7], $0x2FFFF;
	_ =	strace $0x9FFFFFFF  }
0xc3: {  	(tm) =	ssettm $0x7FFFFFFF  }
tec
execute0_lowered:
.L_overlay_start_1:
0x0: {  	(tag) =	ssettag $0x1  }
0x1: {  	s5 =	rddreg [dreg:$0x0];
	s1 =	srdreg.scid  }
0x2: {  	s0 =	stileid.u32;
	s6 =	rddreg [dreg:$0x1]  }
0x3: {  	s2 =	rddreg [dreg:$0x2];
	s3 =	simm.s32 $0x0;
	s13 =	simm.s32 $0x7D  }
0x4: {  	s14 =	simm.s32 $0x2800;
	s15 =	simm.s32 $0x1;
	s16 =	simm.s32 $0x0  }
0x5: {  	s4 =	sand.u32 $0x1, s1;
	s26 =	sshll.u32 s0, $0x1;
	s1 =	rddreg [dreg:$0x3]  }
0x6: {  	[smem:$0x7FF] =	sst s3;
	s8 =	smul.u32 $0x270, s0;
	s11 =	sadd.s32 $0x3600, s6  }
0x7: {  	p0 =	sne.s32 s0, $0xF;
	s7 =	sor.u32 s4, s26;
	_ =	strace $0x80000047  }
0x8: {  	s9 =	ssub.s32 $0x2, s4;
	s10 =	smul.u32 $0x2710, s4;
	s4 =	sadd.s32 $0x3400, s6  }
0x9: {  	s7 =	smul.u32 $0x500, s7;
	s28 =	sshrl.u32 s9, $0x1;
	s6 =	sadd.s32 s8, s2  }
0xa: {  	s12 =	ssub.s32 s9, s28;
	s29 =	sadd.s32 s8, s10;
	s31 =	sshrl.u32 s10, $0x3  }
0xb: {  	s5 =	sadd.s32 s5, s7;
	s30 =	sshrl.u32 s29, $0x3;
	s7 =	sadd.s32 $0x2700, s2  }
0xc: {  	s9 =	sadd.s32 s11, s31;
	s10 =	smax.u32 s12, $0x1;
	s12 =	simm.s32 $0x2880  }
0xd: {  	v0 =	vimm.f32 $1.000000000e+00;
	s8 =	sadd.s32 s11, s30;
	s9 =	sadd.s32 $0x4E0, s9;
	s11 =	simm.s32 $0x2  }
.LBB2_1:
0xe: {  	[tilespmem:s3], [sflag:$0x2] =	stream.linear.gather [hbm4b:s5+s3], $0x2800, $0x38;
	[tilespmem:$0x2D68] =	vst v63  }
0xf: {  	_ =	swait.ge [sflag:s11], $0x2800  }
0x10: {  	[sflag:s11] =	ssyncset.done $0x0  }
0x11: {  	[sflag:s11] =	ssyncadd.s32 $0xFFFFD800  }
0x12: {  	[tilespmem:$0x2800] =	vst v0  }
0x13: {  	[tilespmem:$0x2810] =	vst v0  }
0x14: {  	[tilespmem:$0x2820] =	vst v0  }
0x15: {  	[tilespmem:$0x2830] =	vst v0  }
0x16: {  	[tilespmem:$0x2840] =	vst v0  }
0x17: {  	[tilespmem:$0x2850] =	vst v0  }
0x18: {  	[tilespmem:$0x2860] =	vst v0  }
0x19: {  	[tilespmem:$0x2870] =	vst v0  }
0x1a: {  	[tilespmem:s12], [sflag:$0x2] =	stream.linear.gather [hbm4b:s4+s3], $0x270, $0x38;
	[tilespmem:$0x2D68] =	vst v63  }
0x1b: {  	_ =	swait.ge [sflag:s11], $0x270  }
0x1c: {  	[sflag:s11] =	ssyncset.done $0x0  }
0x1d: {  	[sflag:s11] =	ssyncadd.s32 $0xFFFFFD90  }
0x1e: {  	[spmem:s6] =	stream.linear.scatter [tilespmem:s12], [sflag:$0x2], $0x270, $0x38;
	[tilespmem:$0x2D68] =	vst v63  }
0x1f: {  	_ =	swait.ge [sflag:s11], $0x270  }
0x20: {  	[sflag:s11] =	ssyncset.done $0x0  }
0x21: {  	s17 =	simm.s32 @!p0 $0x2880;
	[sflag:s11] =	ssyncadd.s32 $0xFFFFFD90  }
0x22: {  	[spmem:s7] =	stream.linear.scatter @!p0 [tilespmem:s17], [sflag:$0x2], $0x10, $0x38;
	[tilespmem:$0x2D68] =	vst v63  }
0x23: {  	s17 =	simm.s32 @!p0 $0x2  }
0x24: {  	_ =	swait.ge @!p0 [sflag:s17], $0x10  }
0x25: {  	[sflag:s17] =	ssyncset.done @!p0 $0x0  }
0x26: {  	p1 =	por $0x1, $0x1;
	[sflag:s17] =	ssyncadd.s32 @!p0 $0xFFFFFFF0  }
0x27: {  	s19 =	simm.s32 @!p1 $0x1;
	[bflag:$0x0] =	sbarrier.arrive $0xFFFF  }
0x28: {  	[spmem:s2] =	stream.indirect.scatter.add.f32 [tilespmem:s14], [sflag:$0x1], $0x1, s3, s13, $0xb8;
	[tilespmem:$0x2D68] =	vst v63  }
0x29: {  	_ =	swait.ge @!p1 [sflag:s19], $0x7D  }
0x2a: {  	s18 =	simm.s32 $0x0;
	s17 =	simm.s32 $0x1;
	[sflag:s19] =	ssyncset.done @!p1 $0x0  }
.LBB2_2:
0x2b: {  	[sflag:s19] =	ssyncadd.s32 @!p1 $0xFFFFFF83  }
0x2c: {  	s18 =	sadd.s32 $0x80, s18;
	s19 =	smov.u32 s17;
	s17 =	sadd.s32 $0x1, s17  }
0x2d: {  	p2 =	sne.s32 s17, $0x50  }
0x2e: {  	[spmem:s2] =	stream.indirect.scatter.add.f32 [tilespmem:s14], [sflag:$0x1], $0x1, s18, s13, $0xb8;
	[tilespmem:$0x2D68] =	vst v63  }
.Ltmp0:
0x2f: {  	_ = 	snop;
	(pc) =	sbr.rel @p2 .LBB2_2-.Ltmp0, $4  }
0x30: {  	p1 =	slt.u32 s19, $0x8  }
0x31: {  	s19 =	simm.s32 @!p1 $0x1  }
0x32: {  	_ =	swait.ge @!p1 [sflag:s19], $0x7D  }
0x33: {  	[sflag:s19] =	ssyncset.done @!p1 $0x0  }
0x34: {  	[sflag:s19] =	ssyncadd.s32 @!p1 $0xFFFFFF83  }
0x35: {  	_ =	swait.ge [sflag:s15], $0x7D  }
0x36: {  	[sflag:s15] =	ssyncset.done $0x0  }
0x37: {  	[sflag:s15] =	ssyncadd.s32 $0xFFFFFF83  }
0x38: {  	_ =	swait.ge [sflag:s15], $0x7D  }
0x39: {  	[sflag:s15] =	ssyncset.done $0x0  }
0x3a: {  	[sflag:s15] =	ssyncadd.s32 $0xFFFFFF83  }
0x3b: {  	_ =	swait.ge [sflag:s15], $0x7D  }
0x3c: {  	[sflag:s15] =	ssyncset.done $0x0  }
0x3d: {  	[sflag:s15] =	ssyncadd.s32 $0xFFFFFF83  }
0x3e: {  	_ =	swait.ge [sflag:s15], $0x7D  }
0x3f: {  	[sflag:s15] =	ssyncset.done $0x0  }
0x40: {  	[sflag:s15] =	ssyncadd.s32 $0xFFFFFF83  }
0x41: {  	_ =	swait.ge [sflag:s15], $0x7D  }
0x42: {  	[sflag:s15] =	ssyncset.done $0x0  }
0x43: {  	[sflag:s15] =	ssyncadd.s32 $0xFFFFFF83  }
0x44: {  	_ =	swait.ge [sflag:s15], $0x7D  }
0x45: {  	[sflag:s15] =	ssyncset.done $0x0  }
0x46: {  	[sflag:s15] =	ssyncadd.s32 $0xFFFFFF83  }
0x47: {  	_ =	swait.ge [sflag:s15], $0x7D  }
0x48: {  	[sflag:s15] =	ssyncset.done $0x0  }
0x49: {  	[sflag:s15] =	ssyncadd.s32 $0xFFFFFF83  }
0x4a: {  	_ =	swait.ge [sflag:s15], $0x7D  }
0x4b: {  	[sflag:s15] =	ssyncset.done $0x0  }
0x4c: {  	[sflag:s15] =	ssyncadd.s32 $0xFFFFFF83  }
0x4d: {  	[bflag:$0x0] =	sbarrier.arrive $0xFFFF  }
0x4e: {  	[tilespmem:s12], [sflag:$0x2] =	stream.linear.gather [spmem:s6], $0x270, $0x38;
	[tilespmem:$0x2D68] =	vst v63  }
0x4f: {  	_ =	swait.ge [sflag:s11], $0x270  }
0x50: {  	[sflag:s11] =	ssyncset.done $0x0  }
0x51: {  	[sflag:s11] =	ssyncadd.s32 $0xFFFFFD90  }
0x52: {  	[hbm4b:s8+s3] =	stream.linear.scatter [tilespmem:s12], [sflag:$0x2], $0x270, $0x38;
	[tilespmem:$0x2D68] =	vst v63  }
0x53: {  	_ =	swait.ge [sflag:s11], $0x270  }
0x54: {  	[sflag:s11] =	ssyncset.done $0x0  }
0x55: {  	s17 =	simm.s32 @!p0 $0x2880;
	s18 =	simm.s32 @!p0 $0x2;
	[sflag:s11] =	ssyncadd.s32 $0xFFFFFD90  }
0x56: {  	[tilespmem:s17], [sflag:$0x2] =	stream.linear.gather @!p0 [spmem:s7], $0x10, $0x38;
	[tilespmem:$0x2D68] =	vst v63  }
0x57: {  	s16 =	sadd.s32 $0x1, s16;
	_ =	swait.ge @!p0 [sflag:s18], $0x10  }
0x58: {  	p1 =	sne.s32 s16, s10;
	[sflag:s18] =	ssyncset.done @!p0 $0x0  }
.Ltmp1:
0x59: {  	s19 =	simm.s32 @!p0 $0x0;
	[sflag:s18] =	ssyncadd.s32 @!p0 $0xFFFFFFF0;
	(pc) =	sbr.rel @p1 .LBB2_1-.Ltmp1, $4  }
0x5a: {  	[hbm4b:s9+s19] =	stream.linear.scatter @!p0 [tilespmem:s17], [sflag:$0x2], $0x10, $0x38;
	[tilespmem:$0x2D68] =	vst v63  }
0x5b: {  	_ =	swait.ge @!p0 [sflag:s18], $0x10  }
0x5c: {  	[sflag:s18] =	ssyncset.done @!p0 $0x0  }
0x5d: {  	[sflag:s18] =	ssyncadd.s32 @!p0 $0xFFFFFFF0  }
0x5e: {  	_ =	sfence.sel $0x180000  }
0x5f: {  	[bflag:$0x0] =	sbarrier.arrive $0xFFFF  }
0x60: {  	p0 =	sne.s32 s0, $0x0;
	_ =	strace $0x90000047  }
0x61: {  	s0 =	sadd.s32 @!p0 $0x100000, s1;
	[bflag:$0x2] =	sbarrier.arrive $0xFFFF  }
0x62: {  	[sflag:s0] =	ssyncadd.tile.s32 @!p0 $0x1;
	_ =	shalt  }
.Lfunc_end2:
_tile_overlayer_lowered:
.L_overlay_start_2:
0x63: {  	(tag) =	ssettag $0x2  }
0x64: {  	s0 =	rddreg [dreg:$0x0];
	s2 =	stileid.u32  }
0x65: {  	s1 =	rddreg [dreg:$0x1];
	p0 =	sne.s32 s2, $0x0  }
0x66: {  	s3 =	rddreg [dreg:$0x2];
	[bflag:$0x3] =	sbarrier.arrive $0xFFFF;
	s2 =	simm.s32 @!p0 $0x1C02  }
0x67: {  	[timem:s3], [sflag:s2] =	dma.local @!p0 [hbm:s0], s1  }
0x68: {  	s0 =	simm.s32 @!p0 $0x2  }
0x69: {  	_ =	swait.ge @!p0 [sflag:s0], s1  }
0x6a: {  	s1 =	ssub.s32 @!p0 $0x0, s1;
	[sflag:s0] =	ssyncset.done @!p0 $0x0  }
0x6b: {  	[sflag:s0] =	ssyncadd.s32 @!p0 s1  }
0x6c: {  	[bflag:$0x3] =	sbarrier.arrive $0xFFFF  }
0x6d: {  	_ =	shalt  }

</sc_bundles>
